<compile_context>
chip_gen: v7x
topology: tpu7x:2x2x1
jax: 0.10.2.dev20260603
libtpu: 0.0.44.dev20260713+nightly
codegen_flags: <defaults>
</compile_context>

<pallas_src>
import jax
import jax.numpy as jnp
import numpy as np
from jax import lax
from jax.experimental import pallas as pl
from jax.experimental.pallas import tpu as pltpu
from jax.experimental.pallas import tpu_sc as plsc

N = 10000
E = 320000
D = 128
U = 64

NC = 2
NS = 16
L = 16
NW = NC * NS
EPW = E // NW
CH = 80
NCH = EPW // CH
WROW = U



def _prep_body(x_ref, w_ref, asrc_ref, adst_ref, mext_ref, asd_ref):
    m = jnp.dot(x_ref[...], w_ref[...], preferred_element_type=jnp.float32)
    a_s = jnp.sum(m * asrc_ref[...], axis=1)
    a_d = jnp.sum(m * adst_ref[...], axis=1)
    asd_ref[0, :] = a_s
    asd_ref[1, :] = a_d
    cb = jnp.max(a_s) + jnp.max(a_d)
    asd_ref[2, :] = jnp.full((N,), jnp.where(cb > 0.0, cb, 0.2 * cb),
                             jnp.float32)
    mext_ref[...] = m.astype(jnp.bfloat16)


def _prep(x, w, asrc, adst):
    return pl.pallas_call(
        _prep_body,
        out_shape=[
            jax.ShapeDtypeStruct((N, WROW), jnp.bfloat16),
            jax.ShapeDtypeStruct((3, N), jnp.float32),
        ],
        out_specs=[
            pl.BlockSpec(memory_space=pltpu.VMEM),
            pl.BlockSpec(memory_space=pltpu.VMEM),
        ],
    )(x, w, asrc, adst)



def _edge_body(mext_hbm, asd_hbm, sd_hbm,
               out_hbm, outd_hbm,
               a_s_v, a_d_v, src_v, dst_v, ee_v, rows_v, rows2_v, rows3_v,
               sc1_v, sc2_v, sc3_v, denom_v, obuf_v, c_v, agg_sh,
               gsem, gsem2, gsem3, ssem, ssem2, ssem3):
    cid = lax.axis_index("c")
    sid = lax.axis_index("s")
    wid = cid * NS + sid

    pltpu.async_copy(asd_hbm.at[0], a_s_v, gsem)
    pltpu.async_copy(asd_hbm.at[1], a_d_v, gsem2)
    pltpu.async_copy(sd_hbm.at[0].at[wid], src_v, gsem3)
    pltpu.async_copy(sd_hbm.at[1].at[wid], dst_v, ssem)
    pltpu.async_copy(asd_hbm.at[2].at[pl.ds(0, L)], c_v, ssem2)
    pltpu.make_async_copy(asd_hbm.at[0], a_s_v, gsem).wait()
    pltpu.make_async_copy(asd_hbm.at[1], a_d_v, gsem2).wait()
    pltpu.make_async_copy(sd_hbm.at[0].at[wid], src_v, gsem3).wait()
    pltpu.make_async_copy(sd_hbm.at[1].at[wid], dst_v, ssem).wait()
    pltpu.make_async_copy(asd_hbm.at[2].at[pl.ds(0, L)], c_v, ssem2).wait()
    cvec = c_v[...]

    @plsc.parallel_loop(0, NCH, unroll=4)
    def _(r):
        for p in range(WROW // L):
            obuf_v[r, pl.ds(p * L, L)] = jnp.zeros((L,), jnp.float32)

    @plsc.parallel_loop(0, N // L, unroll=4)
    def _(r):
        denom_v[pl.ds(r * L, L)] = jnp.zeros((L,), jnp.float32)

    rows_per_tile = N // NS
    for t in range(rows_per_tile // NCH):
        pltpu.sync_copy(
            obuf_v, agg_sh.at[pl.ds(sid * rows_per_tile + t * NCH, NCH)])
    plsc.subcore_barrier()

    def ee_chunk(r):
        for p in range(CH // L):
            sl = pl.ds(p * L, L)
            si = src_v[r, sl]
            di = dst_v[r, sl]
            sv = plsc.load_gather(a_s_v, [si])
            dv = plsc.load_gather(a_d_v, [di])
            e = sv + dv
            e = jnp.where(e >= 0.0, e, 0.2 * e)
            ee = jnp.exp(e - cvec)
            ee_v[r, sl] = ee
            plsc.addupdate_scatter(denom_v, [di], ee)

    bufs = (rows_v, rows2_v, rows3_v)
    sbufs = (sc1_v, sc2_v, sc3_v)
    gsems = (gsem, gsem2, gsem3)
    ssems = (ssem, ssem2, ssem3)

    def g_issue(j, b):
        pltpu.async_copy(mext_hbm.at[src_v.at[j]], bufs[b], gsems[b])

    def s_wait(j, b):
        pltpu.make_async_copy(sbufs[b], agg_sh.at[dst_v.at[j]],
                              ssems[b]).wait()

    def step(j, b, first=False, last_d=False):
        if last_d:
            @pl.when(j + 2 < NCH)
            def _():
                ee_chunk(j + 2)
        else:
            ee_chunk(j + 2)
        pltpu.make_async_copy(mext_hbm.at[src_v.at[j]], bufs[b],
                              gsems[b]).wait()
        rbuf = bufs[b]

        sbuf = sbufs[b]

        @plsc.parallel_loop(0, CH, unroll=4)
        def _(k):
            eek = plsc.load_gather(ee_v, [jnp.full((L,), j, jnp.int32),
                                          jnp.full((L,), k, jnp.int32)])
            for p in range(WROW // (2 * L)):
                v = rbuf[k, pl.ds(p * 2 * L, 2 * L)]
                a, bb = plsc.unpack(v, format=plsc.PackFormat.INTERLEAVED)
                sbuf[k, pl.ds(p * 2 * L, L)] = a * eek
                sbuf[k, pl.ds(p * 2 * L + L, L)] = bb * eek

        pltpu.async_copy(sbufs[b], agg_sh.at[dst_v.at[j]], ssems[b],
                         add=True)
        if not first:
            s_wait(j - 1, (b + 2) % 3)
        if last_d:
            @pl.when(j + 2 < NCH)
            def _():
                g_issue(j + 2, (b + 2) % 3)
        else:
            g_issue(j + 2, (b + 2) % 3)

    ee_chunk(0)
    ee_chunk(1)
    g_issue(0, 0)
    g_issue(1, 1)
    step(0, 0, first=True)

    @pl.loop(0, (NCH - 2) // 3)
    def _(t):
        j = 1 + 3 * t
        step(j, 1)
        step(j + 1, 2)
        step(j + 2, 0, last_d=True)

    step(NCH - 1, (NCH - 1) % 3, last_d=True)
    s_wait(NCH - 1, (NCH - 1) % 3)

    plsc.subcore_barrier()

    pltpu.async_copy(denom_v, outd_hbm.at[wid], gsem)
    for t in range(rows_per_tile // NCH):
        base = sid * rows_per_tile + t * NCH
        pltpu.async_copy(agg_sh.at[pl.ds(base, NCH)],
                         out_hbm.at[pl.ds(base, NCH), pl.ds(cid * U, U)],
                         ssems[t % 3])
    pltpu.make_async_copy(denom_v, outd_hbm.at[wid], gsem).wait()
    for t in range(rows_per_tile // NCH):
        base = sid * rows_per_tile + t * NCH
        pltpu.make_async_copy(agg_sh.at[pl.ds(base, NCH)],
                              out_hbm.at[pl.ds(base, NCH),
                                         pl.ds(cid * U, U)],
                              ssems[t % 3]).wait()


_edge = pl.kernel(
    _edge_body,
    out_type=[jax.ShapeDtypeStruct((N, NC * WROW), jnp.float32),
              jax.ShapeDtypeStruct((NW, N), jnp.float32)],
    mesh=plsc.VectorSubcoreMesh(core_axis_name="c", subcore_axis_name="s",
                                num_cores=NC, num_subcores=NS),
    scratch_types=[
        pltpu.VMEM((N,), jnp.float32),
        pltpu.VMEM((N,), jnp.float32),
        pltpu.VMEM((NCH, CH), jnp.int32),
        pltpu.VMEM((NCH, CH), jnp.int32),
        pltpu.VMEM((NCH, CH), jnp.float32),
        pltpu.VMEM((CH, WROW), jnp.bfloat16),
        pltpu.VMEM((CH, WROW), jnp.bfloat16),
        pltpu.VMEM((CH, WROW), jnp.bfloat16),
        pltpu.VMEM((CH, WROW), jnp.float32),
        pltpu.VMEM((CH, WROW), jnp.float32),
        pltpu.VMEM((CH, WROW), jnp.float32),
        pltpu.VMEM((N,), jnp.float32),
        pltpu.VMEM((NCH, WROW), jnp.float32),
        pltpu.VMEM((L,), jnp.float32),
        pltpu.VMEM_SHARED((N, WROW), jnp.float32),
        pltpu.SemaphoreType.DMA,
        pltpu.SemaphoreType.DMA,
        pltpu.SemaphoreType.DMA,
        pltpu.SemaphoreType.DMA,
        pltpu.SemaphoreType.DMA,
        pltpu.SemaphoreType.DMA,
    ],
    compiler_params=pltpu.CompilerParams(use_tc_tiling_on_sc=False,
                                         needs_layout_passes=False),
)



def _gru_body(parts_ref, dpt_ref, h_ref, wr_ref, wu_ref, wc_ref, br_ref,
              bu_ref, bc_ref, out_ref):
    s = parts_ref[:, 0:U] + parts_ref[:, U:2 * U]
    den = jnp.sum(dpt_ref[...], axis=0)
    denom = den.reshape(s.shape[0], 1) + 1e-16
    agg = s / denom
    h = h_ref[...]
    xr = jnp.concatenate([agg, h], axis=1)
    r = jax.nn.sigmoid(
        jnp.dot(xr, wr_ref[...], preferred_element_type=jnp.float32)
        + br_ref[...])
    u = jax.nn.sigmoid(
        jnp.dot(xr, wu_ref[...], preferred_element_type=jnp.float32)
        + bu_ref[...])
    xc = jnp.concatenate([agg, r * h], axis=1)
    c = jnp.tanh(
        jnp.dot(xc, wc_ref[...], preferred_element_type=jnp.float32)
        + bc_ref[...])
    out_ref[...] = u * h + (1.0 - u) * c


def _gru(parts, dpt, h, wr, wu, wc, br, bu, bc):
    return pl.pallas_call(
        _gru_body,
        out_shape=jax.ShapeDtypeStruct((N, U), jnp.float32),
    )(parts, dpt, h, wr, wu, wc, br, bu, bc)



_PERM = np.array([g * 2 * L + 2 * i + half
                  for g in range(U // (2 * L))
                  for half in range(2)
                  for i in range(L)][:U], dtype=np.int32)


def _permute_gate(wm):
    return jnp.concatenate([wm[:U][_PERM], wm[U:]], axis=0)


def kernel(x, h, edge_index, W, att_src, att_dst, Wr, Wu, Wc, br, bu, bc):
    Wr = _permute_gate(Wr)
    Wu = _permute_gate(Wu)
    Wc = _permute_gate(Wc)
    mext, asd = _prep(x, W, att_src.reshape(1, U), att_dst.reshape(1, U))
    sd = edge_index.reshape(2, NW, NCH, CH)
    parts, dparts = _edge(mext, asd, sd)
    return _gru(parts, dparts, h, Wr, Wu, Wc, br.reshape(1, U),
                bu.reshape(1, U), bc.reshape(1, U))

# --- scband reference (transcript-rebuilt; emitter-appended) ---
"""Pipeline reference for scband-odnet-att-21431886807157 (READ-ONLY COPY).

The authoritative reference and input builder live on the scoring server;
editing this copy changes nothing except your own understanding.
"""

import jax, jax.numpy as jnp
import numpy as np

N = 10000
E = 320000
D = 128
U = 64


def setup_inputs(seed: int = 0) -> dict:
    key = jax.random.key(seed)
    ks = jax.random.split(key, 12)
    inp = {}
    inp["x"] = jax.random.normal(ks[0], (N, D), dtype=jnp.float32)
    inp["h"] = jax.random.normal(ks[1], (N, U), dtype=jnp.float32)
    inp["edge_index"] = jax.random.randint(ks[2], (2, E), 0, N, dtype=jnp.int32)
    # learned parameters of the GAT-based GRU (GATRUCell) encoder step
    inp["W"] = jax.random.normal(ks[3], (D, U), dtype=jnp.float32) * (1.0 / np.sqrt(D))
    inp["att_src"] = jax.random.normal(ks[4], (U,), dtype=jnp.float32) * (1.0 / np.sqrt(U))
    inp["att_dst"] = jax.random.normal(ks[5], (U,), dtype=jnp.float32) * (1.0 / np.sqrt(U))
    inp["Wr"] = jax.random.normal(ks[6], (2 * U, U), dtype=jnp.float32) * (1.0 / np.sqrt(2 * U))
    inp["Wu"] = jax.random.normal(ks[7], (2 * U, U), dtype=jnp.float32) * (1.0 / np.sqrt(2 * U))
    inp["Wc"] = jax.random.normal(ks[8], (2 * U, U), dtype=jnp.float32) * (1.0 / np.sqrt(2 * U))
    inp["br"] = jnp.zeros((U,), dtype=jnp.float32)
    inp["bu"] = jnp.zeros((U,), dtype=jnp.float32)
    inp["bc"] = jnp.zeros((U,), dtype=jnp.float32)
    return inp


def reference(x, h, edge_index, W, att_src, att_dst, Wr, Wu, Wc, br, bu, bc):
    # One GATRUCell step: GAT message passing (gather + segment-softmax +
    # scatter-add) followed by GRU gating, matching encoder_first_layer.
    src = edge_index[0]
    dst = edge_index[1]
    m = x @ W                                   # [N, U] projected features
    a_s = jnp.sum(m * att_src, axis=-1)         # [N]
    a_d = jnp.sum(m * att_dst, axis=-1)         # [N]
    e = jax.nn.leaky_relu(a_s[src] + a_d[dst], negative_slope=0.2)  # gather
    emax = jax.ops.segment_max(e, dst, num_segments=N)
    emax = jnp.where(jnp.isfinite(emax), emax, 0.0)
    ee = jnp.exp(e - emax[dst])
    denom = jax.ops.segment_sum(ee, dst, num_segments=N)
    alpha = ee / (denom[dst] + 1e-16)           # per-dst softmax
    agg = jax.ops.segment_sum(alpha[:, None] * m[src], dst, num_segments=N)  # scatter-add
    xr = jnp.concatenate([agg, h], axis=-1)
    r = jax.nn.sigmoid(xr @ Wr + br)
    u = jax.nn.sigmoid(xr @ Wu + bu)
    c = jnp.tanh(jnp.concatenate([agg, r * h], axis=-1) @ Wc + bc)
    h_new = u * h + (1.0 - u) * c
    return h_new

if __name__ == "__main__":
    import jax
    _d = setup_inputs()
    print(jax.jit(kernel)(*tuple(_d.values())))

</pallas_src>

<mosaic_0001>
#map = affine_map<(d0, d1) -> (0, 0)>
#map1 = affine_map<(d0, d1) -> (0, 0, 0, 0)>
module attributes {stable_mosaic.version = 14 : i64} {
  func.func @_edge_body(%arg0: i32, %arg1: i32, %arg2: memref<10000x64xbf16, #tpu.memory_space<hbm>>, %arg3: memref<3x10000xf32, #tpu.memory_space<hbm>>, %arg4: memref<2x32x125x80xi32, #tpu.memory_space<hbm>>, %arg5: memref<10000x128xf32, #tpu.memory_space<hbm>>, %arg6: memref<32x10000xf32, #tpu.memory_space<hbm>>, %arg7: memref<10000xf32, #tpu.memory_space<vmem>>, %arg8: memref<10000xf32, #tpu.memory_space<vmem>>, %arg9: memref<125x80xi32, #tpu.memory_space<vmem>>, %arg10: memref<125x80xi32, #tpu.memory_space<vmem>>, %arg11: memref<125x80xf32, #tpu.memory_space<vmem>>, %arg12: memref<80x64xbf16, #tpu.memory_space<vmem>>, %arg13: memref<80x64xbf16, #tpu.memory_space<vmem>>, %arg14: memref<80x64xbf16, #tpu.memory_space<vmem>>, %arg15: memref<80x64xf32, #tpu.memory_space<vmem>>, %arg16: memref<80x64xf32, #tpu.memory_space<vmem>>, %arg17: memref<80x64xf32, #tpu.memory_space<vmem>>, %arg18: memref<10000xf32, #tpu.memory_space<vmem>>, %arg19: memref<125x64xf32, #tpu.memory_space<vmem>>, %arg20: memref<16xf32, #tpu.memory_space<vmem>>, %arg21: memref<10000x64xf32, #tpu.memory_space<vmem_shared>>, %arg22: memref<!tpu.dma_semaphore, #tpu.memory_space<semaphore_mem>>, %arg23: memref<!tpu.dma_semaphore, #tpu.memory_space<semaphore_mem>>, %arg24: memref<!tpu.dma_semaphore, #tpu.memory_space<semaphore_mem>>, %arg25: memref<!tpu.dma_semaphore, #tpu.memory_space<semaphore_mem>>, %arg26: memref<!tpu.dma_semaphore, #tpu.memory_space<semaphore_mem>>, %arg27: memref<!tpu.dma_semaphore, #tpu.memory_space<semaphore_mem>>) attributes {dimension_semantics = [#tpu.dimension_semantics<core_parallel>, #tpu.dimension_semantics<subcore_parallel>], iteration_bounds = array<i64: 2, 16>, scalar_prefetch = 0 : i64, scratch_operands = 21 : i64, tpu.core_type = #tpu.core_type<sc_vector_subcore>, window_params = [{transform_indices = #map}, {transform_indices = #map}, {transform_indices = #map1}, {transform_indices = #map}, {transform_indices = #map}]} {
    %mul3A = arith.constant 16 : i32
    %mul3A_0 = arith.muli %arg0, %mul3A : i32
    %add3A = arith.addi %mul3A_0, %arg1 : i32
    %dma_start3A = arith.constant 0 : i32
    %dma_start3A_1 = arith.constant 0 : i32
    %dma_start3A_2 = tpu.memref_slice %arg3[%dma_start3A, %dma_start3A_1] : memref<3x10000xf32, #tpu.memory_space<hbm>> -> memref<1x10000xf32, #tpu.memory_space<hbm>>
    %dma_start3A_3 = tpu.memref_squeeze %dma_start3A_2 : memref<1x10000xf32, #tpu.memory_space<hbm>> -> memref<10000xf32, #tpu.memory_space<hbm>>
    %dma_start3A_4 = arith.constant 0 : i32
    %dma_start3A_5 = tpu.memref_slice %arg3[%dma_start3A, %dma_start3A_4] : memref<3x10000xf32, #tpu.memory_space<hbm>> -> memref<1x10000xf32, #tpu.memory_space<hbm>>
    %dma_start3A_6 = tpu.memref_squeeze %dma_start3A_5 : memref<1x10000xf32, #tpu.memory_space<hbm>> -> memref<10000xf32, #tpu.memory_space<hbm>>
    tpu.enqueue_dma source(%dma_start3A_6 : memref<10000xf32, #tpu.memory_space<hbm>>) target(%arg7 : memref<10000xf32, #tpu.memory_space<vmem>>) target_semaphore(%arg22 : memref<!tpu.dma_semaphore, #tpu.memory_space<semaphore_mem>>)
    %dma_start3A_7 = arith.constant 1 : i32
    %dma_start3A_8 = arith.constant 0 : i32
    %dma_start3A_9 = tpu.memref_slice %arg3[%dma_start3A_7, %dma_start3A_8] : memref<3x10000xf32, #tpu.memory_space<hbm>> -> memref<1x10000xf32, #tpu.memory_space<hbm>>
    %dma_start3A_10 = tpu.memref_squeeze %dma_start3A_9 : memref<1x10000xf32, #tpu.memory_space<hbm>> -> memref<10000xf32, #tpu.memory_space<hbm>>
    %dma_start3A_11 = arith.constant 0 : i32
    %dma_start3A_12 = tpu.memref_slice %arg3[%dma_start3A_7, %dma_start3A_11] : memref<3x10000xf32, #tpu.memory_space<hbm>> -> memref<1x10000xf32, #tpu.memory_space<hbm>>
    %dma_start3A_13 = tpu.memref_squeeze %dma_start3A_12 : memref<1x10000xf32, #tpu.memory_space<hbm>> -> memref<10000xf32, #tpu.memory_space<hbm>>
    tpu.enqueue_dma source(%dma_start3A_13 : memref<10000xf32, #tpu.memory_space<hbm>>) target(%arg8 : memref<10000xf32, #tpu.memory_space<vmem>>) target_semaphore(%arg23 : memref<!tpu.dma_semaphore, #tpu.memory_space<semaphore_mem>>)
    %dma_start3A_14 = arith.constant 0 : i32
    %dma_start3A_15 = arith.constant 0 : i32
    %dma_start3A_16 = arith.constant 0 : i32
    %dma_start3A_17 = arith.constant 0 : i32
    %dma_start3A_18 = tpu.memref_slice %arg4[%dma_start3A_14, %dma_start3A_15, %dma_start3A_16, %dma_start3A_17] : memref<2x32x125x80xi32, #tpu.memory_space<hbm>> -> memref<1x32x125x80xi32, #tpu.memory_space<hbm>>
    %dma_start3A_19 = tpu.memref_squeeze %dma_start3A_18 : memref<1x32x125x80xi32, #tpu.memory_space<hbm>> -> memref<32x125x80xi32, #tpu.memory_space<hbm>>
    %dma_start3A_20 = arith.constant 0 : i32
    %dma_start3A_21 = arith.constant 0 : i32
    %dma_start3A_22 = tpu.memref_slice %dma_start3A_19[%add3A, %dma_start3A_20, %dma_start3A_21] : memref<32x125x80xi32, #tpu.memory_space<hbm>> -> memref<1x125x80xi32, #tpu.memory_space<hbm>>
    %dma_start3A_23 = tpu.memref_squeeze %dma_start3A_22 : memref<1x125x80xi32, #tpu.memory_space<hbm>> -> memref<125x80xi32, #tpu.memory_space<hbm>>
    %dma_start3A_24 = arith.constant 0 : i32
    %dma_start3A_25 = arith.constant 0 : i32
    %dma_start3A_26 = arith.constant 0 : i32
    %dma_start3A_27 = tpu.memref_slice %arg4[%dma_start3A_14, %dma_start3A_24, %dma_start3A_25, %dma_start3A_26] : memref<2x32x125x80xi32, #tpu.memory_space<hbm>> -> memref<1x32x125x80xi32, #tpu.memory_space<hbm>>
    %dma_start3A_28 = tpu.memref_squeeze %dma_start3A_27 : memref<1x32x125x80xi32, #tpu.memory_space<hbm>> -> memref<32x125x80xi32, #tpu.memory_space<hbm>>
    %dma_start3A_29 = arith.constant 0 : i32
    %dma_start3A_30 = arith.constant 0 : i32
    %dma_start3A_31 = tpu.memref_slice %dma_start3A_28[%add3A, %dma_start3A_29, %dma_start3A_30] : memref<32x125x80xi32, #tpu.memory_space<hbm>> -> memref<1x125x80xi32, #tpu.memory_space<hbm>>
    %dma_start3A_32 = tpu.memref_squeeze %dma_start3A_31 : memref<1x125x80xi32, #tpu.memory_space<hbm>> -> memref<125x80xi32, #tpu.memory_space<hbm>>
    tpu.enqueue_dma source(%dma_start3A_32 : memref<125x80xi32, #tpu.memory_space<hbm>>) target(%arg9 : memref<125x80xi32, #tpu.memory_space<vmem>>) target_semaphore(%arg24 : memref<!tpu.dma_semaphore, #tpu.memory_space<semaphore_mem>>)
    %dma_start3A_33 = arith.constant 1 : i32
    %dma_start3A_34 = arith.constant 0 : i32
    %dma_start3A_35 = arith.constant 0 : i32
    %dma_start3A_36 = arith.constant 0 : i32
    %dma_start3A_37 = tpu.memref_slice %arg4[%dma_start3A_33, %dma_start3A_34, %dma_start3A_35, %dma_start3A_36] : memref<2x32x125x80xi32, #tpu.memory_space<hbm>> -> memref<1x32x125x80xi32, #tpu.memory_space<hbm>>
    %dma_start3A_38 = tpu.memref_squeeze %dma_start3A_37 : memref<1x32x125x80xi32, #tpu.memory_space<hbm>> -> memref<32x125x80xi32, #tpu.memory_space<hbm>>
    %dma_start3A_39 = arith.constant 0 : i32
    %dma_start3A_40 = arith.constant 0 : i32
    %dma_start3A_41 = tpu.memref_slice %dma_start3A_38[%add3A, %dma_start3A_39, %dma_start3A_40] : memref<32x125x80xi32, #tpu.memory_space<hbm>> -> memref<1x125x80xi32, #tpu.memory_space<hbm>>
    %dma_start3A_42 = tpu.memref_squeeze %dma_start3A_41 : memref<1x125x80xi32, #tpu.memory_space<hbm>> -> memref<125x80xi32, #tpu.memory_space<hbm>>
    %dma_start3A_43 = arith.constant 0 : i32
    %dma_start3A_44 = arith.constant 0 : i32
    %dma_start3A_45 = arith.constant 0 : i32
    %dma_start3A_46 = tpu.memref_slice %arg4[%dma_start3A_33, %dma_start3A_43, %dma_start3A_44, %dma_start3A_45] : memref<2x32x125x80xi32, #tpu.memory_space<hbm>> -> memref<1x32x125x80xi32, #tpu.memory_space<hbm>>
    %dma_start3A_47 = tpu.memref_squeeze %dma_start3A_46 : memref<1x32x125x80xi32, #tpu.memory_space<hbm>> -> memref<32x125x80xi32, #tpu.memory_space<hbm>>
    %dma_start3A_48 = arith.constant 0 : i32
    %dma_start3A_49 = arith.constant 0 : i32
    %dma_start3A_50 = tpu.memref_slice %dma_start3A_47[%add3A, %dma_start3A_48, %dma_start3A_49] : memref<32x125x80xi32, #tpu.memory_space<hbm>> -> memref<1x125x80xi32, #tpu.memory_space<hbm>>
    %dma_start3A_51 = tpu.memref_squeeze %dma_start3A_50 : memref<1x125x80xi32, #tpu.memory_space<hbm>> -> memref<125x80xi32, #tpu.memory_space<hbm>>
    tpu.enqueue_dma source(%dma_start3A_51 : memref<125x80xi32, #tpu.memory_space<hbm>>) target(%arg10 : memref<125x80xi32, #tpu.memory_space<vmem>>) target_semaphore(%arg25 : memref<!tpu.dma_semaphore, #tpu.memory_space<semaphore_mem>>)
    %dma_start3A_52 = arith.constant 2 : i32
    %dma_start3A_53 = arith.constant 0 : i32
    %dma_start3A_54 = tpu.memref_slice %arg3[%dma_start3A_52, %dma_start3A_53] : memref<3x10000xf32, #tpu.memory_space<hbm>> -> memref<1x10000xf32, #tpu.memory_space<hbm>>
    %dma_start3A_55 = tpu.memref_squeeze %dma_start3A_54 : memref<1x10000xf32, #tpu.memory_space<hbm>> -> memref<10000xf32, #tpu.memory_space<hbm>>
    %dma_start3A_56 = arith.constant 0 : i32
    %dma_start3A_57 = tpu.memref_slice %dma_start3A_55[%dma_start3A_56] : memref<10000xf32, #tpu.memory_space<hbm>> -> memref<16xf32, #tpu.memory_space<hbm>>
    %dma_start3A_58 = arith.constant 0 : i32
    %dma_start3A_59 = tpu.memref_slice %arg3[%dma_start3A_52, %dma_start3A_58] : memref<3x10000xf32, #tpu.memory_space<hbm>> -> memref<1x10000xf32, #tpu.memory_space<hbm>>
    %dma_start3A_60 = tpu.memref_squeeze %dma_start3A_59 : memref<1x10000xf32, #tpu.memory_space<hbm>> -> memref<10000xf32, #tpu.memory_space<hbm>>
    %dma_start3A_61 = arith.constant 0 : i32
    %dma_start3A_62 = tpu.memref_slice %dma_start3A_60[%dma_start3A_61] : memref<10000xf32, #tpu.memory_space<hbm>> -> memref<16xf32, #tpu.memory_space<hbm>>
    tpu.enqueue_dma source(%dma_start3A_62 : memref<16xf32, #tpu.memory_space<hbm>>) target(%arg20 : memref<16xf32, #tpu.memory_space<vmem>>) target_semaphore(%arg26 : memref<!tpu.dma_semaphore, #tpu.memory_space<semaphore_mem>>)
    %dma_wait3A = arith.constant 0 : i32
    %dma_wait3A_63 = arith.constant 0 : i32
    %dma_wait3A_64 = tpu.memref_slice %arg3[%dma_wait3A, %dma_wait3A_63] : memref<3x10000xf32, #tpu.memory_space<hbm>> -> memref<1x10000xf32, #tpu.memory_space<hbm>>
    %dma_wait3A_65 = tpu.memref_squeeze %dma_wait3A_64 : memref<1x10000xf32, #tpu.memory_space<hbm>> -> memref<10000xf32, #tpu.memory_space<hbm>>
    %dma_wait3A_66 = arith.constant 0 : i32
    %dma_wait3A_67 = tpu.memref_slice %arg3[%dma_wait3A, %dma_wait3A_66] : memref<3x10000xf32, #tpu.memory_space<hbm>> -> memref<1x10000xf32, #tpu.memory_space<hbm>>
    %dma_wait3A_68 = tpu.memref_squeeze %dma_wait3A_67 : memref<1x10000xf32, #tpu.memory_space<hbm>> -> memref<10000xf32, #tpu.memory_space<hbm>>
    tpu.wait_dma2 semaphore(%arg22 : memref<!tpu.dma_semaphore, #tpu.memory_space<semaphore_mem>>) src(%dma_wait3A_68 : memref<10000xf32, #tpu.memory_space<hbm>>) dst(%arg7 : memref<10000xf32, #tpu.memory_space<vmem>>)
    %dma_wait3A_69 = arith.constant 1 : i32
    %dma_wait3A_70 = arith.constant 0 : i32
    %dma_wait3A_71 = tpu.memref_slice %arg3[%dma_wait3A_69, %dma_wait3A_70] : memref<3x10000xf32, #tpu.memory_space<hbm>> -> memref<1x10000xf32, #tpu.memory_space<hbm>>
    %dma_wait3A_72 = tpu.memref_squeeze %dma_wait3A_71 : memref<1x10000xf32, #tpu.memory_space<hbm>> -> memref<10000xf32, #tpu.memory_space<hbm>>
    %dma_wait3A_73 = arith.constant 0 : i32
    %dma_wait3A_74 = tpu.memref_slice %arg3[%dma_wait3A_69, %dma_wait3A_73] : memref<3x10000xf32, #tpu.memory_space<hbm>> -> memref<1x10000xf32, #tpu.memory_space<hbm>>
    %dma_wait3A_75 = tpu.memref_squeeze %dma_wait3A_74 : memref<1x10000xf32, #tpu.memory_space<hbm>> -> memref<10000xf32, #tpu.memory_space<hbm>>
    tpu.wait_dma2 semaphore(%arg23 : memref<!tpu.dma_semaphore, #tpu.memory_space<semaphore_mem>>) src(%dma_wait3A_75 : memref<10000xf32, #tpu.memory_space<hbm>>) dst(%arg8 : memref<10000xf32, #tpu.memory_space<vmem>>)
    %dma_wait3A_76 = arith.constant 0 : i32
    %dma_wait3A_77 = arith.constant 0 : i32
    %dma_wait3A_78 = arith.constant 0 : i32
    %dma_wait3A_79 = arith.constant 0 : i32
    %dma_wait3A_80 = tpu.memref_slice %arg4[%dma_wait3A_76, %dma_wait3A_77, %dma_wait3A_78, %dma_wait3A_79] : memref<2x32x125x80xi32, #tpu.memory_space<hbm>> -> memref<1x32x125x80xi32, #tpu.memory_space<hbm>>
    %dma_wait3A_81 = tpu.memref_squeeze %dma_wait3A_80 : memref<1x32x125x80xi32, #tpu.memory_space<hbm>> -> memref<32x125x80xi32, #tpu.memory_space<hbm>>
    %dma_wait3A_82 = arith.constant 0 : i32
    %dma_wait3A_83 = arith.constant 0 : i32
    %dma_wait3A_84 = tpu.memref_slice %dma_wait3A_81[%add3A, %dma_wait3A_82, %dma_wait3A_83] : memref<32x125x80xi32, #tpu.memory_space<hbm>> -> memref<1x125x80xi32, #tpu.memory_space<hbm>>
    %dma_wait3A_85 = tpu.memref_squeeze %dma_wait3A_84 : memref<1x125x80xi32, #tpu.memory_space<hbm>> -> memref<125x80xi32, #tpu.memory_space<hbm>>
    %dma_wait3A_86 = arith.constant 0 : i32
    %dma_wait3A_87 = arith.constant 0 : i32
    %dma_wait3A_88 = arith.constant 0 : i32
    %dma_wait3A_89 = tpu.memref_slice %arg4[%dma_wait3A_76, %dma_wait3A_86, %dma_wait3A_87, %dma_wait3A_88] : memref<2x32x125x80xi32, #tpu.memory_space<hbm>> -> memref<1x32x125x80xi32, #tpu.memory_space<hbm>>
    %dma_wait3A_90 = tpu.memref_squeeze %dma_wait3A_89 : memref<1x32x125x80xi32, #tpu.memory_space<hbm>> -> memref<32x125x80xi32, #tpu.memory_space<hbm>>
    %dma_wait3A_91 = arith.constant 0 : i32
    %dma_wait3A_92 = arith.constant 0 : i32
    %dma_wait3A_93 = tpu.memref_slice %dma_wait3A_90[%add3A, %dma_wait3A_91, %dma_wait3A_92] : memref<32x125x80xi32, #tpu.memory_space<hbm>> -> memref<1x125x80xi32, #tpu.memory_space<hbm>>
    %dma_wait3A_94 = tpu.memref_squeeze %dma_wait3A_93 : memref<1x125x80xi32, #tpu.memory_space<hbm>> -> memref<125x80xi32, #tpu.memory_space<hbm>>
    tpu.wait_dma2 semaphore(%arg24 : memref<!tpu.dma_semaphore, #tpu.memory_space<semaphore_mem>>) src(%dma_wait3A_94 : memref<125x80xi32, #tpu.memory_space<hbm>>) dst(%arg9 : memref<125x80xi32, #tpu.memory_space<vmem>>)
    %dma_wait3A_95 = arith.constant 1 : i32
    %dma_wait3A_96 = arith.constant 0 : i32
    %dma_wait3A_97 = arith.constant 0 : i32
    %dma_wait3A_98 = arith.constant 0 : i32
    %dma_wait3A_99 = tpu.memref_slice %arg4[%dma_wait3A_95, %dma_wait3A_96, %dma_wait3A_97, %dma_wait3A_98] : memref<2x32x125x80xi32, #tpu.memory_space<hbm>> -> memref<1x32x125x80xi32, #tpu.memory_space<hbm>>
    %dma_wait3A_100 = tpu.memref_squeeze %dma_wait3A_99 : memref<1x32x125x80xi32, #tpu.memory_space<hbm>> -> memref<32x125x80xi32, #tpu.memory_space<hbm>>
    %dma_wait3A_101 = arith.constant 0 : i32
    %dma_wait3A_102 = arith.constant 0 : i32
    %dma_wait3A_103 = tpu.memref_slice %dma_wait3A_100[%add3A, %dma_wait3A_101, %dma_wait3A_102] : memref<32x125x80xi32, #tpu.memory_space<hbm>> -> memref<1x125x80xi32, #tpu.memory_space<hbm>>
    %dma_wait3A_104 = tpu.memref_squeeze %dma_wait3A_103 : memref<1x125x80xi32, #tpu.memory_space<hbm>> -> memref<125x80xi32, #tpu.memory_space<hbm>>
    %dma_wait3A_105 = arith.constant 0 : i32
    %dma_wait3A_106 = arith.constant 0 : i32
    %dma_wait3A_107 = arith.constant 0 : i32
    %dma_wait3A_108 = tpu.memref_slice %arg4[%dma_wait3A_95, %dma_wait3A_105, %dma_wait3A_106, %dma_wait3A_107] : memref<2x32x125x80xi32, #tpu.memory_space<hbm>> -> memref<1x32x125x80xi32, #tpu.memory_space<hbm>>
    %dma_wait3A_109 = tpu.memref_squeeze %dma_wait3A_108 : memref<1x32x125x80xi32, #tpu.memory_space<hbm>> -> memref<32x125x80xi32, #tpu.memory_space<hbm>>
    %dma_wait3A_110 = arith.constant 0 : i32
    %dma_wait3A_111 = arith.constant 0 : i32
    %dma_wait3A_112 = tpu.memref_slice %dma_wait3A_109[%add3A, %dma_wait3A_110, %dma_wait3A_111] : memref<32x125x80xi32, #tpu.memory_space<hbm>> -> memref<1x125x80xi32, #tpu.memory_space<hbm>>
    %dma_wait3A_113 = tpu.memref_squeeze %dma_wait3A_112 : memref<1x125x80xi32, #tpu.memory_space<hbm>> -> memref<125x80xi32, #tpu.memory_space<hbm>>
    tpu.wait_dma2 semaphore(%arg25 : memref<!tpu.dma_semaphore, #tpu.memory_space<semaphore_mem>>) src(%dma_wait3A_113 : memref<125x80xi32, #tpu.memory_space<hbm>>) dst(%arg10 : memref<125x80xi32, #tpu.memory_space<vmem>>)
    %dma_wait3A_114 = arith.constant 2 : i32
    %dma_wait3A_115 = arith.constant 0 : i32
    %dma_wait3A_116 = tpu.memref_slice %arg3[%dma_wait3A_114, %dma_wait3A_115] : memref<3x10000xf32, #tpu.memory_space<hbm>> -> memref<1x10000xf32, #tpu.memory_space<hbm>>
    %dma_wait3A_117 = tpu.memref_squeeze %dma_wait3A_116 : memref<1x10000xf32, #tpu.memory_space<hbm>> -> memref<10000xf32, #tpu.memory_space<hbm>>
    %dma_wait3A_118 = arith.constant 0 : i32
    %dma_wait3A_119 = tpu.memref_slice %dma_wait3A_117[%dma_wait3A_118] : memref<10000xf32, #tpu.memory_space<hbm>> -> memref<16xf32, #tpu.memory_space<hbm>>
    %dma_wait3A_120 = arith.constant 0 : i32
    %dma_wait3A_121 = tpu.memref_slice %arg3[%dma_wait3A_114, %dma_wait3A_120] : memref<3x10000xf32, #tpu.memory_space<hbm>> -> memref<1x10000xf32, #tpu.memory_space<hbm>>
    %dma_wait3A_122 = tpu.memref_squeeze %dma_wait3A_121 : memref<1x10000xf32, #tpu.memory_space<hbm>> -> memref<10000xf32, #tpu.memory_space<hbm>>
    %dma_wait3A_123 = arith.constant 0 : i32
    %dma_wait3A_124 = tpu.memref_slice %dma_wait3A_122[%dma_wait3A_123] : memref<10000xf32, #tpu.memory_space<hbm>> -> memref<16xf32, #tpu.memory_space<hbm>>
    tpu.wait_dma2 semaphore(%arg26 : memref<!tpu.dma_semaphore, #tpu.memory_space<semaphore_mem>>) src(%dma_wait3A_124 : memref<16xf32, #tpu.memory_space<hbm>>) dst(%arg20 : memref<16xf32, #tpu.memory_space<vmem>>)
    %get3A = arith.constant 0 : index
    %get3A_125 = tpu.vector_load %arg20[%get3A] {strides = array<i32>} : memref<16xf32, #tpu.memory_space<vmem>>, vector<16xf32>,
    %parallel_loop3A = arith.constant 0 : i32
    %parallel_loop3A_126 = arith.constant 125 : i32
    %parallel_loop3A_127 = arith.constant 1 : i32
    scf.for %parallel_loop3A_681 = %parallel_loop3A to %parallel_loop3A_126 step %parallel_loop3A_127  : i32 {
      %parallel_loop3A_682 = arith.constant 0.000000e+00 : f32
      %parallel_loop3A_683 = vector.broadcast %parallel_loop3A_682 : f32 to vector<16xf32>
      %parallel_loop3A_684 = arith.index_cast %parallel_loop3A_681 : i32 to index
      %parallel_loop3A_685 = arith.constant 0 : index
      %parallel_loop3A_686 = tpu.vector_load %arg19[%parallel_loop3A_684, %parallel_loop3A_685] {strides = array<i32>} : memref<125x64xf32, #tpu.memory_space<vmem>>, vector<16xf32>,
      tpu.vector_store %arg19[%parallel_loop3A_684, %parallel_loop3A_685], %parallel_loop3A_683 {strides = array<i32>} : memref<125x64xf32, #tpu.memory_space<vmem>>, vector<16xf32>,
      %parallel_loop3A_687 = arith.constant 0.000000e+00 : f32
      %parallel_loop3A_688 = vector.broadcast %parallel_loop3A_687 : f32 to vector<16xf32>
      %parallel_loop3A_689 = arith.index_cast %parallel_loop3A_681 : i32 to index
      %parallel_loop3A_690 = arith.constant 16 : index
      %parallel_loop3A_691 = tpu.vector_load %arg19[%parallel_loop3A_689, %parallel_loop3A_690] {strides = array<i32>} : memref<125x64xf32, #tpu.memory_space<vmem>>, vector<16xf32>,
      tpu.vector_store %arg19[%parallel_loop3A_689, %parallel_loop3A_690], %parallel_loop3A_688 {strides = array<i32>} : memref<125x64xf32, #tpu.memory_space<vmem>>, vector<16xf32>,
      %parallel_loop3A_692 = arith.constant 0.000000e+00 : f32
      %parallel_loop3A_693 = vector.broadcast %parallel_loop3A_692 : f32 to vector<16xf32>
      %parallel_loop3A_694 = arith.index_cast %parallel_loop3A_681 : i32 to index
      %parallel_loop3A_695 = arith.constant 32 : index
      %parallel_loop3A_696 = tpu.vector_load %arg19[%parallel_loop3A_694, %parallel_loop3A_695] {strides = array<i32>} : memref<125x64xf32, #tpu.memory_space<vmem>>, vector<16xf32>,
      tpu.vector_store %arg19[%parallel_loop3A_694, %parallel_loop3A_695], %parallel_loop3A_693 {strides = array<i32>} : memref<125x64xf32, #tpu.memory_space<vmem>>, vector<16xf32>,
      %parallel_loop3A_697 = arith.constant 0.000000e+00 : f32
      %parallel_loop3A_698 = vector.broadcast %parallel_loop3A_697 : f32 to vector<16xf32>
      %parallel_loop3A_699 = arith.index_cast %parallel_loop3A_681 : i32 to index
      %parallel_loop3A_700 = arith.constant 48 : index
      %parallel_loop3A_701 = tpu.vector_load %arg19[%parallel_loop3A_699, %parallel_loop3A_700] {strides = array<i32>} : memref<125x64xf32, #tpu.memory_space<vmem>>, vector<16xf32>,
      tpu.vector_store %arg19[%parallel_loop3A_699, %parallel_loop3A_700], %parallel_loop3A_698 {strides = array<i32>} : memref<125x64xf32, #tpu.memory_space<vmem>>, vector<16xf32>,
    } {sc.loop_unroll_factor = 4 : i64, sc.parallel_access}
    %parallel_loop3A_128 = arith.constant 0 : i32
    %parallel_loop3A_129 = arith.constant 625 : i32
    %parallel_loop3A_130 = arith.constant 1 : i32
    scf.for %parallel_loop3A_681 = %parallel_loop3A_128 to %parallel_loop3A_129 step %parallel_loop3A_130  : i32 {
      %parallel_loop3A_682 = arith.constant 0.000000e+00 : f32
      %parallel_loop3A_683 = vector.broadcast %parallel_loop3A_682 : f32 to vector<16xf32>
      %parallel_loop3A_684 = arith.constant 16 : i32
      %parallel_loop3A_685 = arith.muli %parallel_loop3A_681, %parallel_loop3A_684 : i32
      %parallel_loop3A_686 = arith.index_cast %parallel_loop3A_685 : i32 to index
      %parallel_loop3A_687 = tpu.vector_load %arg18[%parallel_loop3A_686] {strides = array<i32>} : memref<10000xf32, #tpu.memory_space<vmem>>, vector<16xf32>,
      tpu.vector_store %arg18[%parallel_loop3A_686], %parallel_loop3A_683 {strides = array<i32>} : memref<10000xf32, #tpu.memory_space<vmem>>, vector<16xf32>,
    } {sc.loop_unroll_factor = 4 : i64, sc.parallel_access}
    %mul3A_131 = arith.constant 625 : i32
    %mul3A_132 = arith.muli %arg1, %mul3A_131 : i32
    %add3A_133 = arith.constant 0 : i32
    %add3A_134 = arith.addi %mul3A_132, %add3A_133 : i32
    "tpu.region"() ({
      %run_scoped3A = tpu.sem_alloc : memref<!tpu.dma_semaphore, #tpu.memory_space<semaphore_mem>>
      %dma_start3A_681 = arith.constant 0 : i32
      %dma_start3A_682 = tpu.memref_slice %arg21[%add3A_134, %dma_start3A_681] : memref<10000x64xf32, #tpu.memory_space<vmem_shared>> -> memref<125x64xf32, #tpu.memory_space<vmem_shared>>
      %dma_start3A_683 = arith.constant 0 : i32
      %dma_start3A_684 = tpu.memref_slice %arg21[%add3A_134, %dma_start3A_683] : memref<10000x64xf32, #tpu.memory_space<vmem_shared>> -> memref<125x64xf32, #tpu.memory_space<vmem_shared>>
      tpu.enqueue_dma source(%arg19 : memref<125x64xf32, #tpu.memory_space<vmem>>) target(%dma_start3A_684 : memref<125x64xf32, #tpu.memory_space<vmem_shared>>) target_semaphore(%run_scoped3A : memref<!tpu.dma_semaphore, #tpu.memory_space<semaphore_mem>>)
      %dma_wait3A_685 = arith.constant 0 : i32
      %dma_wait3A_686 = tpu.memref_slice %arg21[%add3A_134, %dma_wait3A_685] : memref<10000x64xf32, #tpu.memory_space<vmem_shared>> -> memref<125x64xf32, #tpu.memory_space<vmem_shared>>
      %dma_wait3A_687 = arith.constant 0 : i32
      %dma_wait3A_688 = tpu.memref_slice %arg21[%add3A_134, %dma_wait3A_687] : memref<10000x64xf32, #tpu.memory_space<vmem_shared>> -> memref<125x64xf32, #tpu.memory_space<vmem_shared>>
      tpu.wait_dma2 semaphore(%run_scoped3A : memref<!tpu.dma_semaphore, #tpu.memory_space<semaphore_mem>>) src(%arg19 : memref<125x64xf32, #tpu.memory_space<vmem>>) dst(%dma_wait3A_688 : memref<125x64xf32, #tpu.memory_space<vmem_shared>>)
      tpu.yield
    }) : () -> ()
    %mul3A_135 = arith.constant 625 : i32
    %mul3A_136 = arith.muli %arg1, %mul3A_135 : i32
    %add3A_137 = arith.constant 125 : i32
    %add3A_138 = arith.addi %mul3A_136, %add3A_137 : i32
    "tpu.region"() ({
      %run_scoped3A = tpu.sem_alloc : memref<!tpu.dma_semaphore, #tpu.memory_space<semaphore_mem>>
      %dma_start3A_681 = arith.constant 0 : i32
      %dma_start3A_682 = tpu.memref_slice %arg21[%add3A_138, %dma_start3A_681] : memref<10000x64xf32, #tpu.memory_space<vmem_shared>> -> memref<125x64xf32, #tpu.memory_space<vmem_shared>>
      %dma_start3A_683 = arith.constant 0 : i32
      %dma_start3A_684 = tpu.memref_slice %arg21[%add3A_138, %dma_start3A_683] : memref<10000x64xf32, #tpu.memory_space<vmem_shared>> -> memref<125x64xf32, #tpu.memory_space<vmem_shared>>
      tpu.enqueue_dma source(%arg19 : memref<125x64xf32, #tpu.memory_space<vmem>>) target(%dma_start3A_684 : memref<125x64xf32, #tpu.memory_space<vmem_shared>>) target_semaphore(%run_scoped3A : memref<!tpu.dma_semaphore, #tpu.memory_space<semaphore_mem>>)
      %dma_wait3A_685 = arith.constant 0 : i32
      %dma_wait3A_686 = tpu.memref_slice %arg21[%add3A_138, %dma_wait3A_685] : memref<10000x64xf32, #tpu.memory_space<vmem_shared>> -> memref<125x64xf32, #tpu.memory_space<vmem_shared>>
      %dma_wait3A_687 = arith.constant 0 : i32
      %dma_wait3A_688 = tpu.memref_slice %arg21[%add3A_138, %dma_wait3A_687] : memref<10000x64xf32, #tpu.memory_space<vmem_shared>> -> memref<125x64xf32, #tpu.memory_space<vmem_shared>>
      tpu.wait_dma2 semaphore(%run_scoped3A : memref<!tpu.dma_semaphore, #tpu.memory_space<semaphore_mem>>) src(%arg19 : memref<125x64xf32, #tpu.memory_space<vmem>>) dst(%dma_wait3A_688 : memref<125x64xf32, #tpu.memory_space<vmem_shared>>)
      tpu.yield
    }) : () -> ()
    %mul3A_139 = arith.constant 625 : i32
    %mul3A_140 = arith.muli %arg1, %mul3A_139 : i32
    %add3A_141 = arith.constant 250 : i32
    %add3A_142 = arith.addi %mul3A_140, %add3A_141 : i32
    "tpu.region"() ({
      %run_scoped3A = tpu.sem_alloc : memref<!tpu.dma_semaphore, #tpu.memory_space<semaphore_mem>>
      %dma_start3A_681 = arith.constant 0 : i32
      %dma_start3A_682 = tpu.memref_slice %arg21[%add3A_142, %dma_start3A_681] : memref<10000x64xf32, #tpu.memory_space<vmem_shared>> -> memref<125x64xf32, #tpu.memory_space<vmem_shared>>
      %dma_start3A_683 = arith.constant 0 : i32
      %dma_start3A_684 = tpu.memref_slice %arg21[%add3A_142, %dma_start3A_683] : memref<10000x64xf32, #tpu.memory_space<vmem_shared>> -> memref<125x64xf32, #tpu.memory_space<vmem_shared>>
      tpu.enqueue_dma source(%arg19 : memref<125x64xf32, #tpu.memory_space<vmem>>) target(%dma_start3A_684 : memref<125x64xf32, #tpu.memory_space<vmem_shared>>) target_semaphore(%run_scoped3A : memref<!tpu.dma_semaphore, #tpu.memory_space<semaphore_mem>>)
      %dma_wait3A_685 = arith.constant 0 : i32
      %dma_wait3A_686 = tpu.memref_slice %arg21[%add3A_142, %dma_wait3A_685] : memref<10000x64xf32, #tpu.memory_space<vmem_shared>> -> memref<125x64xf32, #tpu.memory_space<vmem_shared>>
      %dma_wait3A_687 = arith.constant 0 : i32
      %dma_wait3A_688 = tpu.memref_slice %arg21[%add3A_142, %dma_wait3A_687] : memref<10000x64xf32, #tpu.memory_space<vmem_shared>> -> memref<125x64xf32, #tpu.memory_space<vmem_shared>>
      tpu.wait_dma2 semaphore(%run_scoped3A : memref<!tpu.dma_semaphore, #tpu.memory_space<semaphore_mem>>) src(%arg19 : memref<125x64xf32, #tpu.memory_space<vmem>>) dst(%dma_wait3A_688 : memref<125x64xf32, #tpu.memory_space<vmem_shared>>)
      tpu.yield
    }) : () -> ()
    %mul3A_143 = arith.constant 625 : i32
    %mul3A_144 = arith.muli %arg1, %mul3A_143 : i32
    %add3A_145 = arith.constant 375 : i32
    %add3A_146 = arith.addi %mul3A_144, %add3A_145 : i32
    "tpu.region"() ({
      %run_scoped3A = tpu.sem_alloc : memref<!tpu.dma_semaphore, #tpu.memory_space<semaphore_mem>>
      %dma_start3A_681 = arith.constant 0 : i32
      %dma_start3A_682 = tpu.memref_slice %arg21[%add3A_146, %dma_start3A_681] : memref<10000x64xf32, #tpu.memory_space<vmem_shared>> -> memref<125x64xf32, #tpu.memory_space<vmem_shared>>
      %dma_start3A_683 = arith.constant 0 : i32
      %dma_start3A_684 = tpu.memref_slice %arg21[%add3A_146, %dma_start3A_683] : memref<10000x64xf32, #tpu.memory_space<vmem_shared>> -> memref<125x64xf32, #tpu.memory_space<vmem_shared>>
      tpu.enqueue_dma source(%arg19 : memref<125x64xf32, #tpu.memory_space<vmem>>) target(%dma_start3A_684 : memref<125x64xf32, #tpu.memory_space<vmem_shared>>) target_semaphore(%run_scoped3A : memref<!tpu.dma_semaphore, #tpu.memory_space<semaphore_mem>>)
      %dma_wait3A_685 = arith.constant 0 : i32
      %dma_wait3A_686 = tpu.memref_slice %arg21[%add3A_146, %dma_wait3A_685] : memref<10000x64xf32, #tpu.memory_space<vmem_shared>> -> memref<125x64xf32, #tpu.memory_space<vmem_shared>>
      %dma_wait3A_687 = arith.constant 0 : i32
      %dma_wait3A_688 = tpu.memref_slice %arg21[%add3A_146, %dma_wait3A_687] : memref<10000x64xf32, #tpu.memory_space<vmem_shared>> -> memref<125x64xf32, #tpu.memory_space<vmem_shared>>
      tpu.wait_dma2 semaphore(%run_scoped3A : memref<!tpu.dma_semaphore, #tpu.memory_space<semaphore_mem>>) src(%arg19 : memref<125x64xf32, #tpu.memory_space<vmem>>) dst(%dma_wait3A_688 : memref<125x64xf32, #tpu.memory_space<vmem_shared>>)
      tpu.yield
    }) : () -> ()
    %mul3A_147 = arith.constant 625 : i32
    %mul3A_148 = arith.muli %arg1, %mul3A_147 : i32
    %add3A_149 = arith.constant 500 : i32
    %add3A_150 = arith.addi %mul3A_148, %add3A_149 : i32
    "tpu.region"() ({
      %run_scoped3A = tpu.sem_alloc : memref<!tpu.dma_semaphore, #tpu.memory_space<semaphore_mem>>
      %dma_start3A_681 = arith.constant 0 : i32
      %dma_start3A_682 = tpu.memref_slice %arg21[%add3A_150, %dma_start3A_681] : memref<10000x64xf32, #tpu.memory_space<vmem_shared>> -> memref<125x64xf32, #tpu.memory_space<vmem_shared>>
      %dma_start3A_683 = arith.constant 0 : i32
      %dma_start3A_684 = tpu.memref_slice %arg21[%add3A_150, %dma_start3A_683] : memref<10000x64xf32, #tpu.memory_space<vmem_shared>> -> memref<125x64xf32, #tpu.memory_space<vmem_shared>>
      tpu.enqueue_dma source(%arg19 : memref<125x64xf32, #tpu.memory_space<vmem>>) target(%dma_start3A_684 : memref<125x64xf32, #tpu.memory_space<vmem_shared>>) target_semaphore(%run_scoped3A : memref<!tpu.dma_semaphore, #tpu.memory_space<semaphore_mem>>)
      %dma_wait3A_685 = arith.constant 0 : i32
      %dma_wait3A_686 = tpu.memref_slice %arg21[%add3A_150, %dma_wait3A_685] : memref<10000x64xf32, #tpu.memory_space<vmem_shared>> -> memref<125x64xf32, #tpu.memory_space<vmem_shared>>
      %dma_wait3A_687 = arith.constant 0 : i32
      %dma_wait3A_688 = tpu.memref_slice %arg21[%add3A_150, %dma_wait3A_687] : memref<10000x64xf32, #tpu.memory_space<vmem_shared>> -> memref<125x64xf32, #tpu.memory_space<vmem_shared>>
      tpu.wait_dma2 semaphore(%run_scoped3A : memref<!tpu.dma_semaphore, #tpu.memory_space<semaphore_mem>>) src(%arg19 : memref<125x64xf32, #tpu.memory_space<vmem>>) dst(%dma_wait3A_688 : memref<125x64xf32, #tpu.memory_space<vmem_shared>>)
      tpu.yield
    }) : () -> ()
    %barrier3A = arith.constant 0 : index
    tpu.barrier barrier_id(%barrier3A)
    %get3A_151 = arith.constant 0 : i32
    %get3A_152 = arith.index_cast %get3A_151 : i32 to index
    %get3A_153 = arith.constant 0 : index
    %get3A_154 = tpu.vector_load %arg9[%get3A_152, %get3A_153] {strides = array<i32>} : memref<125x80xi32, #tpu.memory_space<vmem>>, vector<16xi32>,
    %get3A_155 = arith.constant 0 : i32
    %get3A_156 = arith.index_cast %get3A_155 : i32 to index
    %get3A_157 = arith.constant 0 : index
    %get3A_158 = tpu.vector_load %arg10[%get3A_156, %get3A_157] {strides = array<i32>} : memref<125x80xi32, #tpu.memory_space<vmem>>, vector<16xi32>,
    %gather3A = tpu.vector_load_idx %arg7[%get3A_154] : memref<10000xf32, #tpu.memory_space<vmem>>[vector<16xi32>], vector<16xf32>,
    %gather3A_159 = tpu.vector_load_idx %arg8[%get3A_158] : memref<10000xf32, #tpu.memory_space<vmem>>[vector<16xi32>], vector<16xf32>,
    %add3A_160 = arith.addf %gather3A, %gather3A_159 : vector<16xf32>
    %ge3A = arith.constant 0.000000e+00 : f32
    %ge3A_161 = vector.broadcast %ge3A : f32 to vector<16xf32>
    %ge3A_162 = arith.cmpf oge, %add3A_160, %ge3A_161 : vector<16xf32>
    %mul3A_163 = arith.constant 2.000000e-01 : f32
    %mul3A_164 = vector.broadcast %mul3A_163 : f32 to vector<16xf32>
    %mul3A_165 = arith.mulf %mul3A_164, %add3A_160 : vector<16xf32>
    %select_n3A = arith.select %ge3A_162, %add3A_160, %mul3A_165 : vector<16xi1>, vector<16xf32>
    %sub3A = arith.subf %select_n3A, %get3A_125 : vector<16xf32>
    %exp3A = math.exp %sub3A : vector<16xf32>
    %swap3A = arith.constant 0 : i32
    %swap3A_166 = arith.index_cast %swap3A : i32 to index
    %swap3A_167 = arith.constant 0 : index
    %swap3A_168 = tpu.vector_load %arg11[%swap3A_166, %swap3A_167] {strides = array<i32>} : memref<125x80xf32, #tpu.memory_space<vmem>>, vector<16xf32>,
    tpu.vector_store %arg11[%swap3A_166, %swap3A_167], %exp3A {strides = array<i32>} : memref<125x80xf32, #tpu.memory_space<vmem>>, vector<16xf32>,
    tpu.vector_store_idx %arg18[%get3A_158], %exp3A {add = true} : memref<10000xf32, #tpu.memory_space<vmem>>[vector<16xi32>], vector<16xf32>,
    %get3A_169 = arith.constant 0 : i32
    %get3A_170 = arith.index_cast %get3A_169 : i32 to index
    %get3A_171 = arith.constant 16 : index
    %get3A_172 = tpu.vector_load %arg9[%get3A_170, %get3A_171] {strides = array<i32>} : memref<125x80xi32, #tpu.memory_space<vmem>>, vector<16xi32>,
    %get3A_173 = arith.constant 0 : i32
    %get3A_174 = arith.index_cast %get3A_173 : i32 to index
    %get3A_175 = arith.constant 16 : index
    %get3A_176 = tpu.vector_load %arg10[%get3A_174, %get3A_175] {strides = array<i32>} : memref<125x80xi32, #tpu.memory_space<vmem>>, vector<16xi32>,
    %gather3A_177 = tpu.vector_load_idx %arg7[%get3A_172] : memref<10000xf32, #tpu.memory_space<vmem>>[vector<16xi32>], vector<16xf32>,
    %gather3A_178 = tpu.vector_load_idx %arg8[%get3A_176] : memref<10000xf32, #tpu.memory_space<vmem>>[vector<16xi32>], vector<16xf32>,
    %add3A_179 = arith.addf %gather3A_177, %gather3A_178 : vector<16xf32>
    %ge3A_180 = arith.constant 0.000000e+00 : f32
    %ge3A_181 = vector.broadcast %ge3A_180 : f32 to vector<16xf32>
    %ge3A_182 = arith.cmpf oge, %add3A_179, %ge3A_181 : vector<16xf32>
    %mul3A_183 = arith.constant 2.000000e-01 : f32
    %mul3A_184 = vector.broadcast %mul3A_183 : f32 to vector<16xf32>
    %mul3A_185 = arith.mulf %mul3A_184, %add3A_179 : vector<16xf32>
    %select_n3A_186 = arith.select %ge3A_182, %add3A_179, %mul3A_185 : vector<16xi1>, vector<16xf32>
    %sub3A_187 = arith.subf %select_n3A_186, %get3A_125 : vector<16xf32>
    %exp3A_188 = math.exp %sub3A_187 : vector<16xf32>
    %swap3A_189 = arith.constant 0 : i32
    %swap3A_190 = arith.index_cast %swap3A_189 : i32 to index
    %swap3A_191 = arith.constant 16 : index
    %swap3A_192 = tpu.vector_load %arg11[%swap3A_190, %swap3A_191] {strides = array<i32>} : memref<125x80xf32, #tpu.memory_space<vmem>>, vector<16xf32>,
    tpu.vector_store %arg11[%swap3A_190, %swap3A_191], %exp3A_188 {strides = array<i32>} : memref<125x80xf32, #tpu.memory_space<vmem>>, vector<16xf32>,
    tpu.vector_store_idx %arg18[%get3A_176], %exp3A_188 {add = true} : memref<10000xf32, #tpu.memory_space<vmem>>[vector<16xi32>], vector<16xf32>,
    %get3A_193 = arith.constant 0 : i32
    %get3A_194 = arith.index_cast %get3A_193 : i32 to index
    %get3A_195 = arith.constant 32 : index
    %get3A_196 = tpu.vector_load %arg9[%get3A_194, %get3A_195] {strides = array<i32>} : memref<125x80xi32, #tpu.memory_space<vmem>>, vector<16xi32>,
    %get3A_197 = arith.constant 0 : i32
    %get3A_198 = arith.index_cast %get3A_197 : i32 to index
    %get3A_199 = arith.constant 32 : index
    %get3A_200 = tpu.vector_load %arg10[%get3A_198, %get3A_199] {strides = array<i32>} : memref<125x80xi32, #tpu.memory_space<vmem>>, vector<16xi32>,
    %gather3A_201 = tpu.vector_load_idx %arg7[%get3A_196] : memref<10000xf32, #tpu.memory_space<vmem>>[vector<16xi32>], vector<16xf32>,
    %gather3A_202 = tpu.vector_load_idx %arg8[%get3A_200] : memref<10000xf32, #tpu.memory_space<vmem>>[vector<16xi32>], vector<16xf32>,
    %add3A_203 = arith.addf %gather3A_201, %gather3A_202 : vector<16xf32>
    %ge3A_204 = arith.constant 0.000000e+00 : f32
    %ge3A_205 = vector.broadcast %ge3A_204 : f32 to vector<16xf32>
    %ge3A_206 = arith.cmpf oge, %add3A_203, %ge3A_205 : vector<16xf32>
    %mul3A_207 = arith.constant 2.000000e-01 : f32
    %mul3A_208 = vector.broadcast %mul3A_207 : f32 to vector<16xf32>
    %mul3A_209 = arith.mulf %mul3A_208, %add3A_203 : vector<16xf32>
    %select_n3A_210 = arith.select %ge3A_206, %add3A_203, %mul3A_209 : vector<16xi1>, vector<16xf32>
    %sub3A_211 = arith.subf %select_n3A_210, %get3A_125 : vector<16xf32>
    %exp3A_212 = math.exp %sub3A_211 : vector<16xf32>
    %swap3A_213 = arith.constant 0 : i32
    %swap3A_214 = arith.index_cast %swap3A_213 : i32 to index
    %swap3A_215 = arith.constant 32 : index
    %swap3A_216 = tpu.vector_load %arg11[%swap3A_214, %swap3A_215] {strides = array<i32>} : memref<125x80xf32, #tpu.memory_space<vmem>>, vector<16xf32>,
    tpu.vector_store %arg11[%swap3A_214, %swap3A_215], %exp3A_212 {strides = array<i32>} : memref<125x80xf32, #tpu.memory_space<vmem>>, vector<16xf32>,
    tpu.vector_store_idx %arg18[%get3A_200], %exp3A_212 {add = true} : memref<10000xf32, #tpu.memory_space<vmem>>[vector<16xi32>], vector<16xf32>,
    %get3A_217 = arith.constant 0 : i32
    %get3A_218 = arith.index_cast %get3A_217 : i32 to index
    %get3A_219 = arith.constant 48 : index
    %get3A_220 = tpu.vector_load %arg9[%get3A_218, %get3A_219] {strides = array<i32>} : memref<125x80xi32, #tpu.memory_space<vmem>>, vector<16xi32>,
    %get3A_221 = arith.constant 0 : i32
    %get3A_222 = arith.index_cast %get3A_221 : i32 to index
    %get3A_223 = arith.constant 48 : index
    %get3A_224 = tpu.vector_load %arg10[%get3A_222, %get3A_223] {strides = array<i32>} : memref<125x80xi32, #tpu.memory_space<vmem>>, vector<16xi32>,
    %gather3A_225 = tpu.vector_load_idx %arg7[%get3A_220] : memref<10000xf32, #tpu.memory_space<vmem>>[vector<16xi32>], vector<16xf32>,
    %gather3A_226 = tpu.vector_load_idx %arg8[%get3A_224] : memref<10000xf32, #tpu.memory_space<vmem>>[vector<16xi32>], vector<16xf32>,
    %add3A_227 = arith.addf %gather3A_225, %gather3A_226 : vector<16xf32>
    %ge3A_228 = arith.constant 0.000000e+00 : f32
    %ge3A_229 = vector.broadcast %ge3A_228 : f32 to vector<16xf32>
    %ge3A_230 = arith.cmpf oge, %add3A_227, %ge3A_229 : vector<16xf32>
    %mul3A_231 = arith.constant 2.000000e-01 : f32
    %mul3A_232 = vector.broadcast %mul3A_231 : f32 to vector<16xf32>
    %mul3A_233 = arith.mulf %mul3A_232, %add3A_227 : vector<16xf32>
    %select_n3A_234 = arith.select %ge3A_230, %add3A_227, %mul3A_233 : vector<16xi1>, vector<16xf32>
    %sub3A_235 = arith.subf %select_n3A_234, %get3A_125 : vector<16xf32>
    %exp3A_236 = math.exp %sub3A_235 : vector<16xf32>
    %swap3A_237 = arith.constant 0 : i32
    %swap3A_238 = arith.index_cast %swap3A_237 : i32 to index
    %swap3A_239 = arith.constant 48 : index
    %swap3A_240 = tpu.vector_load %arg11[%swap3A_238, %swap3A_239] {strides = array<i32>} : memref<125x80xf32, #tpu.memory_space<vmem>>, vector<16xf32>,
    tpu.vector_store %arg11[%swap3A_238, %swap3A_239], %exp3A_236 {strides = array<i32>} : memref<125x80xf32, #tpu.memory_space<vmem>>, vector<16xf32>,
    tpu.vector_store_idx %arg18[%get3A_224], %exp3A_236 {add = true} : memref<10000xf32, #tpu.memory_space<vmem>>[vector<16xi32>], vector<16xf32>,
    %get3A_241 = arith.constant 0 : i32
    %get3A_242 = arith.index_cast %get3A_241 : i32 to index
    %get3A_243 = arith.constant 64 : index
    %get3A_244 = tpu.vector_load %arg9[%get3A_242, %get3A_243] {strides = array<i32>} : memref<125x80xi32, #tpu.memory_space<vmem>>, vector<16xi32>,
    %get3A_245 = arith.constant 0 : i32
    %get3A_246 = arith.index_cast %get3A_245 : i32 to index
    %get3A_247 = arith.constant 64 : index
    %get3A_248 = tpu.vector_load %arg10[%get3A_246, %get3A_247] {strides = array<i32>} : memref<125x80xi32, #tpu.memory_space<vmem>>, vector<16xi32>,
    %gather3A_249 = tpu.vector_load_idx %arg7[%get3A_244] : memref<10000xf32, #tpu.memory_space<vmem>>[vector<16xi32>], vector<16xf32>,
    %gather3A_250 = tpu.vector_load_idx %arg8[%get3A_248] : memref<10000xf32, #tpu.memory_space<vmem>>[vector<16xi32>], vector<16xf32>,
    %add3A_251 = arith.addf %gather3A_249, %gather3A_250 : vector<16xf32>
    %ge3A_252 = arith.constant 0.000000e+00 : f32
    %ge3A_253 = vector.broadcast %ge3A_252 : f32 to vector<16xf32>
    %ge3A_254 = arith.cmpf oge, %add3A_251, %ge3A_253 : vector<16xf32>
    %mul3A_255 = arith.constant 2.000000e-01 : f32
    %mul3A_256 = vector.broadcast %mul3A_255 : f32 to vector<16xf32>
    %mul3A_257 = arith.mulf %mul3A_256, %add3A_251 : vector<16xf32>
    %select_n3A_258 = arith.select %ge3A_254, %add3A_251, %mul3A_257 : vector<16xi1>, vector<16xf32>
    %sub3A_259 = arith.subf %select_n3A_258, %get3A_125 : vector<16xf32>
    %exp3A_260 = math.exp %sub3A_259 : vector<16xf32>
    %swap3A_261 = arith.constant 0 : i32
    %swap3A_262 = arith.index_cast %swap3A_261 : i32 to index
    %swap3A_263 = arith.constant 64 : index
    %swap3A_264 = tpu.vector_load %arg11[%swap3A_262, %swap3A_263] {strides = array<i32>} : memref<125x80xf32, #tpu.memory_space<vmem>>, vector<16xf32>,
    tpu.vector_store %arg11[%swap3A_262, %swap3A_263], %exp3A_260 {strides = array<i32>} : memref<125x80xf32, #tpu.memory_space<vmem>>, vector<16xf32>,
    tpu.vector_store_idx %arg18[%get3A_248], %exp3A_260 {add = true} : memref<10000xf32, #tpu.memory_space<vmem>>[vector<16xi32>], vector<16xf32>,
    %get3A_265 = arith.constant 1 : i32
    %get3A_266 = arith.index_cast %get3A_265 : i32 to index
    %get3A_267 = arith.constant 0 : index
    %get3A_268 = tpu.vector_load %arg9[%get3A_266, %get3A_267] {strides = array<i32>} : memref<125x80xi32, #tpu.memory_space<vmem>>, vector<16xi32>,
    %get3A_269 = arith.constant 1 : i32
    %get3A_270 = arith.index_cast %get3A_269 : i32 to index
    %get3A_271 = arith.constant 0 : index
    %get3A_272 = tpu.vector_load %arg10[%get3A_270, %get3A_271] {strides = array<i32>} : memref<125x80xi32, #tpu.memory_space<vmem>>, vector<16xi32>,
    %gather3A_273 = tpu.vector_load_idx %arg7[%get3A_268] : memref<10000xf32, #tpu.memory_space<vmem>>[vector<16xi32>], vector<16xf32>,
    %gather3A_274 = tpu.vector_load_idx %arg8[%get3A_272] : memref<10000xf32, #tpu.memory_space<vmem>>[vector<16xi32>], vector<16xf32>,
    %add3A_275 = arith.addf %gather3A_273, %gather3A_274 : vector<16xf32>
    %ge3A_276 = arith.constant 0.000000e+00 : f32
    %ge3A_277 = vector.broadcast %ge3A_276 : f32 to vector<16xf32>
    %ge3A_278 = arith.cmpf oge, %add3A_275, %ge3A_277 : vector<16xf32>
    %mul3A_279 = arith.constant 2.000000e-01 : f32
    %mul3A_280 = vector.broadcast %mul3A_279 : f32 to vector<16xf32>
    %mul3A_281 = arith.mulf %mul3A_280, %add3A_275 : vector<16xf32>
    %select_n3A_282 = arith.select %ge3A_278, %add3A_275, %mul3A_281 : vector<16xi1>, vector<16xf32>
    %sub3A_283 = arith.subf %select_n3A_282, %get3A_125 : vector<16xf32>
    %exp3A_284 = math.exp %sub3A_283 : vector<16xf32>
    %swap3A_285 = arith.constant 1 : i32
    %swap3A_286 = arith.index_cast %swap3A_285 : i32 to index
    %swap3A_287 = arith.constant 0 : index
    %swap3A_288 = tpu.vector_load %arg11[%swap3A_286, %swap3A_287] {strides = array<i32>} : memref<125x80xf32, #tpu.memory_space<vmem>>, vector<16xf32>,
    tpu.vector_store %arg11[%swap3A_286, %swap3A_287], %exp3A_284 {strides = array<i32>} : memref<125x80xf32, #tpu.memory_space<vmem>>, vector<16xf32>,
    tpu.vector_store_idx %arg18[%get3A_272], %exp3A_284 {add = true} : memref<10000xf32, #tpu.memory_space<vmem>>[vector<16xi32>], vector<16xf32>,
    %get3A_289 = arith.constant 1 : i32
    %get3A_290 = arith.index_cast %get3A_289 : i32 to index
    %get3A_291 = arith.constant 16 : index
    %get3A_292 = tpu.vector_load %arg9[%get3A_290, %get3A_291] {strides = array<i32>} : memref<125x80xi32, #tpu.memory_space<vmem>>, vector<16xi32>,
    %get3A_293 = arith.constant 1 : i32
    %get3A_294 = arith.index_cast %get3A_293 : i32 to index
    %get3A_295 = arith.constant 16 : index
    %get3A_296 = tpu.vector_load %arg10[%get3A_294, %get3A_295] {strides = array<i32>} : memref<125x80xi32, #tpu.memory_space<vmem>>, vector<16xi32>,
    %gather3A_297 = tpu.vector_load_idx %arg7[%get3A_292] : memref<10000xf32, #tpu.memory_space<vmem>>[vector<16xi32>], vector<16xf32>,
    %gather3A_298 = tpu.vector_load_idx %arg8[%get3A_296] : memref<10000xf32, #tpu.memory_space<vmem>>[vector<16xi32>], vector<16xf32>,
    %add3A_299 = arith.addf %gather3A_297, %gather3A_298 : vector<16xf32>
    %ge3A_300 = arith.constant 0.000000e+00 : f32
    %ge3A_301 = vector.broadcast %ge3A_300 : f32 to vector<16xf32>
    %ge3A_302 = arith.cmpf oge, %add3A_299, %ge3A_301 : vector<16xf32>
    %mul3A_303 = arith.constant 2.000000e-01 : f32
    %mul3A_304 = vector.broadcast %mul3A_303 : f32 to vector<16xf32>
    %mul3A_305 = arith.mulf %mul3A_304, %add3A_299 : vector<16xf32>
    %select_n3A_306 = arith.select %ge3A_302, %add3A_299, %mul3A_305 : vector<16xi1>, vector<16xf32>
    %sub3A_307 = arith.subf %select_n3A_306, %get3A_125 : vector<16xf32>
    %exp3A_308 = math.exp %sub3A_307 : vector<16xf32>
    %swap3A_309 = arith.constant 1 : i32
    %swap3A_310 = arith.index_cast %swap3A_309 : i32 to index
    %swap3A_311 = arith.constant 16 : index
    %swap3A_312 = tpu.vector_load %arg11[%swap3A_310, %swap3A_311] {strides = array<i32>} : memref<125x80xf32, #tpu.memory_space<vmem>>, vector<16xf32>,
    tpu.vector_store %arg11[%swap3A_310, %swap3A_311], %exp3A_308 {strides = array<i32>} : memref<125x80xf32, #tpu.memory_space<vmem>>, vector<16xf32>,
    tpu.vector_store_idx %arg18[%get3A_296], %exp3A_308 {add = true} : memref<10000xf32, #tpu.memory_space<vmem>>[vector<16xi32>], vector<16xf32>,
    %get3A_313 = arith.constant 1 : i32
    %get3A_314 = arith.index_cast %get3A_313 : i32 to index
    %get3A_315 = arith.constant 32 : index
    %get3A_316 = tpu.vector_load %arg9[%get3A_314, %get3A_315] {strides = array<i32>} : memref<125x80xi32, #tpu.memory_space<vmem>>, vector<16xi32>,
    %get3A_317 = arith.constant 1 : i32
    %get3A_318 = arith.index_cast %get3A_317 : i32 to index
    %get3A_319 = arith.constant 32 : index
    %get3A_320 = tpu.vector_load %arg10[%get3A_318, %get3A_319] {strides = array<i32>} : memref<125x80xi32, #tpu.memory_space<vmem>>, vector<16xi32>,
    %gather3A_321 = tpu.vector_load_idx %arg7[%get3A_316] : memref<10000xf32, #tpu.memory_space<vmem>>[vector<16xi32>], vector<16xf32>,
    %gather3A_322 = tpu.vector_load_idx %arg8[%get3A_320] : memref<10000xf32, #tpu.memory_space<vmem>>[vector<16xi32>], vector<16xf32>,
    %add3A_323 = arith.addf %gather3A_321, %gather3A_322 : vector<16xf32>
    %ge3A_324 = arith.constant 0.000000e+00 : f32
    %ge3A_325 = vector.broadcast %ge3A_324 : f32 to vector<16xf32>
    %ge3A_326 = arith.cmpf oge, %add3A_323, %ge3A_325 : vector<16xf32>
    %mul3A_327 = arith.constant 2.000000e-01 : f32
    %mul3A_328 = vector.broadcast %mul3A_327 : f32 to vector<16xf32>
    %mul3A_329 = arith.mulf %mul3A_328, %add3A_323 : vector<16xf32>
    %select_n3A_330 = arith.select %ge3A_326, %add3A_323, %mul3A_329 : vector<16xi1>, vector<16xf32>
    %sub3A_331 = arith.subf %select_n3A_330, %get3A_125 : vector<16xf32>
    %exp3A_332 = math.exp %sub3A_331 : vector<16xf32>
    %swap3A_333 = arith.constant 1 : i32
    %swap3A_334 = arith.index_cast %swap3A_333 : i32 to index
    %swap3A_335 = arith.constant 32 : index
    %swap3A_336 = tpu.vector_load %arg11[%swap3A_334, %swap3A_335] {strides = array<i32>} : memref<125x80xf32, #tpu.memory_space<vmem>>, vector<16xf32>,
    tpu.vector_store %arg11[%swap3A_334, %swap3A_335], %exp3A_332 {strides = array<i32>} : memref<125x80xf32, #tpu.memory_space<vmem>>, vector<16xf32>,
    tpu.vector_store_idx %arg18[%get3A_320], %exp3A_332 {add = true} : memref<10000xf32, #tpu.memory_space<vmem>>[vector<16xi32>], vector<16xf32>,
    %get3A_337 = arith.constant 1 : i32
    %get3A_338 = arith.index_cast %get3A_337 : i32 to index
    %get3A_339 = arith.constant 48 : index
    %get3A_340 = tpu.vector_load %arg9[%get3A_338, %get3A_339] {strides = array<i32>} : memref<125x80xi32, #tpu.memory_space<vmem>>, vector<16xi32>,
    %get3A_341 = arith.constant 1 : i32
    %get3A_342 = arith.index_cast %get3A_341 : i32 to index
    %get3A_343 = arith.constant 48 : index
    %get3A_344 = tpu.vector_load %arg10[%get3A_342, %get3A_343] {strides = array<i32>} : memref<125x80xi32, #tpu.memory_space<vmem>>, vector<16xi32>,
    %gather3A_345 = tpu.vector_load_idx %arg7[%get3A_340] : memref<10000xf32, #tpu.memory_space<vmem>>[vector<16xi32>], vector<16xf32>,
    %gather3A_346 = tpu.vector_load_idx %arg8[%get3A_344] : memref<10000xf32, #tpu.memory_space<vmem>>[vector<16xi32>], vector<16xf32>,
    %add3A_347 = arith.addf %gather3A_345, %gather3A_346 : vector<16xf32>
    %ge3A_348 = arith.constant 0.000000e+00 : f32
    %ge3A_349 = vector.broadcast %ge3A_348 : f32 to vector<16xf32>
    %ge3A_350 = arith.cmpf oge, %add3A_347, %ge3A_349 : vector<16xf32>
    %mul3A_351 = arith.constant 2.000000e-01 : f32
    %mul3A_352 = vector.broadcast %mul3A_351 : f32 to vector<16xf32>
    %mul3A_353 = arith.mulf %mul3A_352, %add3A_347 : vector<16xf32>
    %select_n3A_354 = arith.select %ge3A_350, %add3A_347, %mul3A_353 : vector<16xi1>, vector<16xf32>
    %sub3A_355 = arith.subf %select_n3A_354, %get3A_125 : vector<16xf32>
    %exp3A_356 = math.exp %sub3A_355 : vector<16xf32>
    %swap3A_357 = arith.constant 1 : i32
    %swap3A_358 = arith.index_cast %swap3A_357 : i32 to index
    %swap3A_359 = arith.constant 48 : index
    %swap3A_360 = tpu.vector_load %arg11[%swap3A_358, %swap3A_359] {strides = array<i32>} : memref<125x80xf32, #tpu.memory_space<vmem>>, vector<16xf32>,
    tpu.vector_store %arg11[%swap3A_358, %swap3A_359], %exp3A_356 {strides = array<i32>} : memref<125x80xf32, #tpu.memory_space<vmem>>, vector<16xf32>,
    tpu.vector_store_idx %arg18[%get3A_344], %exp3A_356 {add = true} : memref<10000xf32, #tpu.memory_space<vmem>>[vector<16xi32>], vector<16xf32>,
    %get3A_361 = arith.constant 1 : i32
    %get3A_362 = arith.index_cast %get3A_361 : i32 to index
    %get3A_363 = arith.constant 64 : index
    %get3A_364 = tpu.vector_load %arg9[%get3A_362, %get3A_363] {strides = array<i32>} : memref<125x80xi32, #tpu.memory_space<vmem>>, vector<16xi32>,
    %get3A_365 = arith.constant 1 : i32
    %get3A_366 = arith.index_cast %get3A_365 : i32 to index
    %get3A_367 = arith.constant 64 : index
    %get3A_368 = tpu.vector_load %arg10[%get3A_366, %get3A_367] {strides = array<i32>} : memref<125x80xi32, #tpu.memory_space<vmem>>, vector<16xi32>,
    %gather3A_369 = tpu.vector_load_idx %arg7[%get3A_364] : memref<10000xf32, #tpu.memory_space<vmem>>[vector<16xi32>], vector<16xf32>,
    %gather3A_370 = tpu.vector_load_idx %arg8[%get3A_368] : memref<10000xf32, #tpu.memory_space<vmem>>[vector<16xi32>], vector<16xf32>,
    %add3A_371 = arith.addf %gather3A_369, %gather3A_370 : vector<16xf32>
    %ge3A_372 = arith.constant 0.000000e+00 : f32
    %ge3A_373 = vector.broadcast %ge3A_372 : f32 to vector<16xf32>
    %ge3A_374 = arith.cmpf oge, %add3A_371, %ge3A_373 : vector<16xf32>
    %mul3A_375 = arith.constant 2.000000e-01 : f32
    %mul3A_376 = vector.broadcast %mul3A_375 : f32 to vector<16xf32>
    %mul3A_377 = arith.mulf %mul3A_376, %add3A_371 : vector<16xf32>
    %select_n3A_378 = arith.select %ge3A_374, %add3A_371, %mul3A_377 : vector<16xi1>, vector<16xf32>
    %sub3A_379 = arith.subf %select_n3A_378, %get3A_125 : vector<16xf32>
    %exp3A_380 = math.exp %sub3A_379 : vector<16xf32>
    %swap3A_381 = arith.constant 1 : i32
    %swap3A_382 = arith.index_cast %swap3A_381 : i32 to index
    %swap3A_383 = arith.constant 64 : index
    %swap3A_384 = tpu.vector_load %arg11[%swap3A_382, %swap3A_383] {strides = array<i32>} : memref<125x80xf32, #tpu.memory_space<vmem>>, vector<16xf32>,
    tpu.vector_store %arg11[%swap3A_382, %swap3A_383], %exp3A_380 {strides = array<i32>} : memref<125x80xf32, #tpu.memory_space<vmem>>, vector<16xf32>,
    tpu.vector_store_idx %arg18[%get3A_368], %exp3A_380 {add = true} : memref<10000xf32, #tpu.memory_space<vmem>>[vector<16xi32>], vector<16xf32>,
    %dma_start3A_385 = arith.constant 0 : i32
    %dma_start3A_386 = arith.constant 0 : i32
    %dma_start3A_387 = tpu.memref_slice %arg9[%dma_start3A_385, %dma_start3A_386] : memref<125x80xi32, #tpu.memory_space<vmem>> -> memref<1x80xi32, #tpu.memory_space<vmem>>
    %dma_start3A_388 = tpu.memref_squeeze %dma_start3A_387 : memref<1x80xi32, #tpu.memory_space<vmem>> -> memref<80xi32, #tpu.memory_space<vmem>>
    %dma_start3A_389 = arith.constant 0 : i32
    %dma_start3A_390 = arith.constant 0 : i32
    %dma_start3A_391 = tpu.memref_slice %arg2[%dma_start3A_389, %dma_start3A_390] : memref<10000x64xbf16, #tpu.memory_space<hbm>> -> memref<10000x64xbf16, #tpu.memory_space<hbm>>
    tpu.enqueue_indirect_dma source(%dma_start3A_391 : memref<10000x64xbf16, #tpu.memory_space<hbm>>) target(%arg12 : memref<80x64xbf16, #tpu.memory_space<vmem>>) offsets(%dma_start3A_388 : memref<80xi32, #tpu.memory_space<vmem>>) semaphore(%arg22 : memref<!tpu.dma_semaphore, #tpu.memory_space<semaphore_mem>>)
    %dma_start3A_392 = arith.constant 1 : i32
    %dma_start3A_393 = arith.constant 0 : i32
    %dma_start3A_394 = tpu.memref_slice %arg9[%dma_start3A_392, %dma_start3A_393] : memref<125x80xi32, #tpu.memory_space<vmem>> -> memref<1x80xi32, #tpu.memory_space<vmem>>
    %dma_start3A_395 = tpu.memref_squeeze %dma_start3A_394 : memref<1x80xi32, #tpu.memory_space<vmem>> -> memref<80xi32, #tpu.memory_space<vmem>>
    %dma_start3A_396 = arith.constant 0 : i32
    %dma_start3A_397 = arith.constant 0 : i32
    %dma_start3A_398 = tpu.memref_slice %arg2[%dma_start3A_396, %dma_start3A_397] : memref<10000x64xbf16, #tpu.memory_space<hbm>> -> memref<10000x64xbf16, #tpu.memory_space<hbm>>
    tpu.enqueue_indirect_dma source(%dma_start3A_398 : memref<10000x64xbf16, #tpu.memory_space<hbm>>) target(%arg13 : memref<80x64xbf16, #tpu.memory_space<vmem>>) offsets(%dma_start3A_395 : memref<80xi32, #tpu.memory_space<vmem>>) semaphore(%arg23 : memref<!tpu.dma_semaphore, #tpu.memory_space<semaphore_mem>>)
    %get3A_399 = arith.constant 2 : i32
    %get3A_400 = arith.index_cast %get3A_399 : i32 to index
    %get3A_401 = arith.constant 0 : index
    %get3A_402 = tpu.vector_load %arg9[%get3A_400, %get3A_401] {strides = array<i32>} : memref<125x80xi32, #tpu.memory_space<vmem>>, vector<16xi32>,
    %get3A_403 = arith.constant 2 : i32
    %get3A_404 = arith.index_cast %get3A_403 : i32 to index
    %get3A_405 = arith.constant 0 : index
    %get3A_406 = tpu.vector_load %arg10[%get3A_404, %get3A_405] {strides = array<i32>} : memref<125x80xi32, #tpu.memory_space<vmem>>, vector<16xi32>,
    %gather3A_407 = tpu.vector_load_idx %arg7[%get3A_402] : memref<10000xf32, #tpu.memory_space<vmem>>[vector<16xi32>], vector<16xf32>,
    %gather3A_408 = tpu.vector_load_idx %arg8[%get3A_406] : memref<10000xf32, #tpu.memory_space<vmem>>[vector<16xi32>], vector<16xf32>,
    %add3A_409 = arith.addf %gather3A_407, %gather3A_408 : vector<16xf32>
    %ge3A_410 = arith.constant 0.000000e+00 : f32
    %ge3A_411 = vector.broadcast %ge3A_410 : f32 to vector<16xf32>
    %ge3A_412 = arith.cmpf oge, %add3A_409, %ge3A_411 : vector<16xf32>
    %mul3A_413 = arith.constant 2.000000e-01 : f32
    %mul3A_414 = vector.broadcast %mul3A_413 : f32 to vector<16xf32>
    %mul3A_415 = arith.mulf %mul3A_414, %add3A_409 : vector<16xf32>
    %select_n3A_416 = arith.select %ge3A_412, %add3A_409, %mul3A_415 : vector<16xi1>, vector<16xf32>
    %sub3A_417 = arith.subf %select_n3A_416, %get3A_125 : vector<16xf32>
    %exp3A_418 = math.exp %sub3A_417 : vector<16xf32>
    %swap3A_419 = arith.constant 2 : i32
    %swap3A_420 = arith.index_cast %swap3A_419 : i32 to index
    %swap3A_421 = arith.constant 0 : index
    %swap3A_422 = tpu.vector_load %arg11[%swap3A_420, %swap3A_421] {strides = array<i32>} : memref<125x80xf32, #tpu.memory_space<vmem>>, vector<16xf32>,
    tpu.vector_store %arg11[%swap3A_420, %swap3A_421], %exp3A_418 {strides = array<i32>} : memref<125x80xf32, #tpu.memory_space<vmem>>, vector<16xf32>,
    tpu.vector_store_idx %arg18[%get3A_406], %exp3A_418 {add = true} : memref<10000xf32, #tpu.memory_space<vmem>>[vector<16xi32>], vector<16xf32>,
    %get3A_423 = arith.constant 2 : i32
    %get3A_424 = arith.index_cast %get3A_423 : i32 to index
    %get3A_425 = arith.constant 16 : index
    %get3A_426 = tpu.vector_load %arg9[%get3A_424, %get3A_425] {strides = array<i32>} : memref<125x80xi32, #tpu.memory_space<vmem>>, vector<16xi32>,
    %get3A_427 = arith.constant 2 : i32
    %get3A_428 = arith.index_cast %get3A_427 : i32 to index
    %get3A_429 = arith.constant 16 : index
    %get3A_430 = tpu.vector_load %arg10[%get3A_428, %get3A_429] {strides = array<i32>} : memref<125x80xi32, #tpu.memory_space<vmem>>, vector<16xi32>,
    %gather3A_431 = tpu.vector_load_idx %arg7[%get3A_426] : memref<10000xf32, #tpu.memory_space<vmem>>[vector<16xi32>], vector<16xf32>,
    %gather3A_432 = tpu.vector_load_idx %arg8[%get3A_430] : memref<10000xf32, #tpu.memory_space<vmem>>[vector<16xi32>], vector<16xf32>,
    %add3A_433 = arith.addf %gather3A_431, %gather3A_432 : vector<16xf32>
    %ge3A_434 = arith.constant 0.000000e+00 : f32
    %ge3A_435 = vector.broadcast %ge3A_434 : f32 to vector<16xf32>
    %ge3A_436 = arith.cmpf oge, %add3A_433, %ge3A_435 : vector<16xf32>
    %mul3A_437 = arith.constant 2.000000e-01 : f32
    %mul3A_438 = vector.broadcast %mul3A_437 : f32 to vector<16xf32>
    %mul3A_439 = arith.mulf %mul3A_438, %add3A_433 : vector<16xf32>
    %select_n3A_440 = arith.select %ge3A_436, %add3A_433, %mul3A_439 : vector<16xi1>, vector<16xf32>
    %sub3A_441 = arith.subf %select_n3A_440, %get3A_125 : vector<16xf32>
    %exp3A_442 = math.exp %sub3A_441 : vector<16xf32>
    %swap3A_443 = arith.constant 2 : i32
    %swap3A_444 = arith.index_cast %swap3A_443 : i32 to index
    %swap3A_445 = arith.constant 16 : index
    %swap3A_446 = tpu.vector_load %arg11[%swap3A_444, %swap3A_445] {strides = array<i32>} : memref<125x80xf32, #tpu.memory_space<vmem>>, vector<16xf32>,
    tpu.vector_store %arg11[%swap3A_444, %swap3A_445], %exp3A_442 {strides = array<i32>} : memref<125x80xf32, #tpu.memory_space<vmem>>, vector<16xf32>,
    tpu.vector_store_idx %arg18[%get3A_430], %exp3A_442 {add = true} : memref<10000xf32, #tpu.memory_space<vmem>>[vector<16xi32>], vector<16xf32>,
    %get3A_447 = arith.constant 2 : i32
    %get3A_448 = arith.index_cast %get3A_447 : i32 to index
    %get3A_449 = arith.constant 32 : index
    %get3A_450 = tpu.vector_load %arg9[%get3A_448, %get3A_449] {strides = array<i32>} : memref<125x80xi32, #tpu.memory_space<vmem>>, vector<16xi32>,
    %get3A_451 = arith.constant 2 : i32
    %get3A_452 = arith.index_cast %get3A_451 : i32 to index
    %get3A_453 = arith.constant 32 : index
    %get3A_454 = tpu.vector_load %arg10[%get3A_452, %get3A_453] {strides = array<i32>} : memref<125x80xi32, #tpu.memory_space<vmem>>, vector<16xi32>,
    %gather3A_455 = tpu.vector_load_idx %arg7[%get3A_450] : memref<10000xf32, #tpu.memory_space<vmem>>[vector<16xi32>], vector<16xf32>,
    %gather3A_456 = tpu.vector_load_idx %arg8[%get3A_454] : memref<10000xf32, #tpu.memory_space<vmem>>[vector<16xi32>], vector<16xf32>,
    %add3A_457 = arith.addf %gather3A_455, %gather3A_456 : vector<16xf32>
    %ge3A_458 = arith.constant 0.000000e+00 : f32
    %ge3A_459 = vector.broadcast %ge3A_458 : f32 to vector<16xf32>
    %ge3A_460 = arith.cmpf oge, %add3A_457, %ge3A_459 : vector<16xf32>
    %mul3A_461 = arith.constant 2.000000e-01 : f32
    %mul3A_462 = vector.broadcast %mul3A_461 : f32 to vector<16xf32>
    %mul3A_463 = arith.mulf %mul3A_462, %add3A_457 : vector<16xf32>
    %select_n3A_464 = arith.select %ge3A_460, %add3A_457, %mul3A_463 : vector<16xi1>, vector<16xf32>
    %sub3A_465 = arith.subf %select_n3A_464, %get3A_125 : vector<16xf32>
    %exp3A_466 = math.exp %sub3A_465 : vector<16xf32>
    %swap3A_467 = arith.constant 2 : i32
    %swap3A_468 = arith.index_cast %swap3A_467 : i32 to index
    %swap3A_469 = arith.constant 32 : index
    %swap3A_470 = tpu.vector_load %arg11[%swap3A_468, %swap3A_469] {strides = array<i32>} : memref<125x80xf32, #tpu.memory_space<vmem>>, vector<16xf32>,
    tpu.vector_store %arg11[%swap3A_468, %swap3A_469], %exp3A_466 {strides = array<i32>} : memref<125x80xf32, #tpu.memory_space<vmem>>, vector<16xf32>,
    tpu.vector_store_idx %arg18[%get3A_454], %exp3A_466 {add = true} : memref<10000xf32, #tpu.memory_space<vmem>>[vector<16xi32>], vector<16xf32>,
    %get3A_471 = arith.constant 2 : i32
    %get3A_472 = arith.index_cast %get3A_471 : i32 to index
    %get3A_473 = arith.constant 48 : index
    %get3A_474 = tpu.vector_load %arg9[%get3A_472, %get3A_473] {strides = array<i32>} : memref<125x80xi32, #tpu.memory_space<vmem>>, vector<16xi32>,
    %get3A_475 = arith.constant 2 : i32
    %get3A_476 = arith.index_cast %get3A_475 : i32 to index
    %get3A_477 = arith.constant 48 : index
    %get3A_478 = tpu.vector_load %arg10[%get3A_476, %get3A_477] {strides = array<i32>} : memref<125x80xi32, #tpu.memory_space<vmem>>, vector<16xi32>,
    %gather3A_479 = tpu.vector_load_idx %arg7[%get3A_474] : memref<10000xf32, #tpu.memory_space<vmem>>[vector<16xi32>], vector<16xf32>,
    %gather3A_480 = tpu.vector_load_idx %arg8[%get3A_478] : memref<10000xf32, #tpu.memory_space<vmem>>[vector<16xi32>], vector<16xf32>,
    %add3A_481 = arith.addf %gather3A_479, %gather3A_480 : vector<16xf32>
    %ge3A_482 = arith.constant 0.000000e+00 : f32
    %ge3A_483 = vector.broadcast %ge3A_482 : f32 to vector<16xf32>
    %ge3A_484 = arith.cmpf oge, %add3A_481, %ge3A_483 : vector<16xf32>
    %mul3A_485 = arith.constant 2.000000e-01 : f32
    %mul3A_486 = vector.broadcast %mul3A_485 : f32 to vector<16xf32>
    %mul3A_487 = arith.mulf %mul3A_486, %add3A_481 : vector<16xf32>
    %select_n3A_488 = arith.select %ge3A_484, %add3A_481, %mul3A_487 : vector<16xi1>, vector<16xf32>
    %sub3A_489 = arith.subf %select_n3A_488, %get3A_125 : vector<16xf32>
    %exp3A_490 = math.exp %sub3A_489 : vector<16xf32>
    %swap3A_491 = arith.constant 2 : i32
    %swap3A_492 = arith.index_cast %swap3A_491 : i32 to index
    %swap3A_493 = arith.constant 48 : index
    %swap3A_494 = tpu.vector_load %arg11[%swap3A_492, %swap3A_493] {strides = array<i32>} : memref<125x80xf32, #tpu.memory_space<vmem>>, vector<16xf32>,
    tpu.vector_store %arg11[%swap3A_492, %swap3A_493], %exp3A_490 {strides = array<i32>} : memref<125x80xf32, #tpu.memory_space<vmem>>, vector<16xf32>,
    tpu.vector_store_idx %arg18[%get3A_478], %exp3A_490 {add = true} : memref<10000xf32, #tpu.memory_space<vmem>>[vector<16xi32>], vector<16xf32>,
    %get3A_495 = arith.constant 2 : i32
    %get3A_496 = arith.index_cast %get3A_495 : i32 to index
    %get3A_497 = arith.constant 64 : index
    %get3A_498 = tpu.vector_load %arg9[%get3A_496, %get3A_497] {strides = array<i32>} : memref<125x80xi32, #tpu.memory_space<vmem>>, vector<16xi32>,
    %get3A_499 = arith.constant 2 : i32
    %get3A_500 = arith.index_cast %get3A_499 : i32 to index
    %get3A_501 = arith.constant 64 : index
    %get3A_502 = tpu.vector_load %arg10[%get3A_500, %get3A_501] {strides = array<i32>} : memref<125x80xi32, #tpu.memory_space<vmem>>, vector<16xi32>,
    %gather3A_503 = tpu.vector_load_idx %arg7[%get3A_498] : memref<10000xf32, #tpu.memory_space<vmem>>[vector<16xi32>], vector<16xf32>,
    %gather3A_504 = tpu.vector_load_idx %arg8[%get3A_502] : memref<10000xf32, #tpu.memory_space<vmem>>[vector<16xi32>], vector<16xf32>,
    %add3A_505 = arith.addf %gather3A_503, %gather3A_504 : vector<16xf32>
    %ge3A_506 = arith.constant 0.000000e+00 : f32
    %ge3A_507 = vector.broadcast %ge3A_506 : f32 to vector<16xf32>
    %ge3A_508 = arith.cmpf oge, %add3A_505, %ge3A_507 : vector<16xf32>
    %mul3A_509 = arith.constant 2.000000e-01 : f32
    %mul3A_510 = vector.broadcast %mul3A_509 : f32 to vector<16xf32>
    %mul3A_511 = arith.mulf %mul3A_510, %add3A_505 : vector<16xf32>
    %select_n3A_512 = arith.select %ge3A_508, %add3A_505, %mul3A_511 : vector<16xi1>, vector<16xf32>
    %sub3A_513 = arith.subf %select_n3A_512, %get3A_125 : vector<16xf32>
    %exp3A_514 = math.exp %sub3A_513 : vector<16xf32>
    %swap3A_515 = arith.constant 2 : i32
    %swap3A_516 = arith.index_cast %swap3A_515 : i32 to index
    %swap3A_517 = arith.constant 64 : index
    %swap3A_518 = tpu.vector_load %arg11[%swap3A_516, %swap3A_517] {strides = array<i32>} : memref<125x80xf32, #tpu.memory_space<vmem>>, vector<16xf32>,
    tpu.vector_store %arg11[%swap3A_516, %swap3A_517], %exp3A_514 {strides = array<i32>} : memref<125x80xf32, #tpu.memory_space<vmem>>, vector<16xf32>,
    tpu.vector_store_idx %arg18[%get3A_502], %exp3A_514 {add = true} : memref<10000xf32, #tpu.memory_space<vmem>>[vector<16xi32>], vector<16xf32>,
    %dma_wait3A_519 = arith.constant 0 : i32
    %dma_wait3A_520 = arith.constant 0 : i32
    %dma_wait3A_521 = tpu.memref_slice %arg9[%dma_wait3A_519, %dma_wait3A_520] : memref<125x80xi32, #tpu.memory_space<vmem>> -> memref<1x80xi32, #tpu.memory_space<vmem>>
    %dma_wait3A_522 = tpu.memref_squeeze %dma_wait3A_521 : memref<1x80xi32, #tpu.memory_space<vmem>> -> memref<80xi32, #tpu.memory_space<vmem>>
    %dma_wait3A_523 = arith.constant 0 : i32
    %dma_wait3A_524 = arith.constant 0 : i32
    %dma_wait3A_525 = tpu.memref_slice %arg2[%dma_wait3A_523, %dma_wait3A_524] : memref<10000x64xbf16, #tpu.memory_space<hbm>> -> memref<10000x64xbf16, #tpu.memory_space<hbm>>
    tpu.wait_indirect_dma semaphore(%arg22 : memref<!tpu.dma_semaphore, #tpu.memory_space<semaphore_mem>>) src(%dma_wait3A_525 : memref<10000x64xbf16, #tpu.memory_space<hbm>>) dst(%arg12 : memref<80x64xbf16, #tpu.memory_space<vmem>>)
    %parallel_loop3A_526 = arith.constant 0 : i32
    %parallel_loop3A_527 = arith.constant 80 : i32
    %parallel_loop3A_528 = arith.constant 1 : i32
    scf.for %parallel_loop3A_681 = %parallel_loop3A_526 to %parallel_loop3A_527 step %parallel_loop3A_528  : i32 {
      %parallel_loop3A_682 = arith.constant 0 : i32
      %parallel_loop3A_683 = vector.broadcast %parallel_loop3A_682 : i32 to vector<16xi32>
      %parallel_loop3A_684 = vector.broadcast %parallel_loop3A_681 : i32 to vector<16xi32>
      %parallel_loop3A_685 = tpu.vector_load_idx %arg11[%parallel_loop3A_683, %parallel_loop3A_684] : memref<125x80xf32, #tpu.memory_space<vmem>>[vector<16xi32>, vector<16xi32>], vector<16xf32>,
      %parallel_loop3A_686 = arith.index_cast %parallel_loop3A_681 : i32 to index
      %parallel_loop3A_687 = arith.constant 0 : index
      %parallel_loop3A_688 = tpu.vector_load %arg12[%parallel_loop3A_686, %parallel_loop3A_687] {strides = array<i32>} : memref<80x64xbf16, #tpu.memory_space<vmem>>, vector<32xbf16>,
      %parallel_loop3A_689 = tpu.unpack_subelements %parallel_loop3A_688, 0 {pack_format = #tpu.pack_format<interleaved>} : vector<32xbf16> -> vector<16xf32>
      %parallel_loop3A_690 = tpu.unpack_subelements %parallel_loop3A_688, 1 {pack_format = #tpu.pack_format<interleaved>} : vector<32xbf16> -> vector<16xf32>
      %parallel_loop3A_691 = arith.mulf %parallel_loop3A_689, %parallel_loop3A_685 : vector<16xf32>
      %parallel_loop3A_692 = arith.index_cast %parallel_loop3A_681 : i32 to index
      %parallel_loop3A_693 = arith.constant 0 : index
      %parallel_loop3A_694 = tpu.vector_load %arg15[%parallel_loop3A_692, %parallel_loop3A_693] {strides = array<i32>} : memref<80x64xf32, #tpu.memory_space<vmem>>, vector<16xf32>,
      tpu.vector_store %arg15[%parallel_loop3A_692, %parallel_loop3A_693], %parallel_loop3A_691 {strides = array<i32>} : memref<80x64xf32, #tpu.memory_space<vmem>>, vector<16xf32>,
      %parallel_loop3A_695 = arith.mulf %parallel_loop3A_690, %parallel_loop3A_685 : vector<16xf32>
      %parallel_loop3A_696 = arith.index_cast %parallel_loop3A_681 : i32 to index
      %parallel_loop3A_697 = arith.constant 16 : index
      %parallel_loop3A_698 = tpu.vector_load %arg15[%parallel_loop3A_696, %parallel_loop3A_697] {strides = array<i32>} : memref<80x64xf32, #tpu.memory_space<vmem>>, vector<16xf32>,
      tpu.vector_store %arg15[%parallel_loop3A_696, %parallel_loop3A_697], %parallel_loop3A_695 {strides = array<i32>} : memref<80x64xf32, #tpu.memory_space<vmem>>, vector<16xf32>,
      %parallel_loop3A_699 = arith.index_cast %parallel_loop3A_681 : i32 to index
      %parallel_loop3A_700 = arith.constant 32 : index
      %parallel_loop3A_701 = tpu.vector_load %arg12[%parallel_loop3A_699, %parallel_loop3A_700] {strides = array<i32>} : memref<80x64xbf16, #tpu.memory_space<vmem>>, vector<32xbf16>,
      %parallel_loop3A_702 = tpu.unpack_subelements %parallel_loop3A_701, 0 {pack_format = #tpu.pack_format<interleaved>} : vector<32xbf16> -> vector<16xf32>
      %parallel_loop3A_703 = tpu.unpack_subelements %parallel_loop3A_701, 1 {pack_format = #tpu.pack_format<interleaved>} : vector<32xbf16> -> vector<16xf32>
      %parallel_loop3A_704 = arith.mulf %parallel_loop3A_702, %parallel_loop3A_685 : vector<16xf32>
      %parallel_loop3A_705 = arith.index_cast %parallel_loop3A_681 : i32 to index
      %parallel_loop3A_706 = arith.constant 32 : index
      %parallel_loop3A_707 = tpu.vector_load %arg15[%parallel_loop3A_705, %parallel_loop3A_706] {strides = array<i32>} : memref<80x64xf32, #tpu.memory_space<vmem>>, vector<16xf32>,
      tpu.vector_store %arg15[%parallel_loop3A_705, %parallel_loop3A_706], %parallel_loop3A_704 {strides = array<i32>} : memref<80x64xf32, #tpu.memory_space<vmem>>, vector<16xf32>,
      %parallel_loop3A_708 = arith.mulf %parallel_loop3A_703, %parallel_loop3A_685 : vector<16xf32>
      %parallel_loop3A_709 = arith.index_cast %parallel_loop3A_681 : i32 to index
      %parallel_loop3A_710 = arith.constant 48 : index
      %parallel_loop3A_711 = tpu.vector_load %arg15[%parallel_loop3A_709, %parallel_loop3A_710] {strides = array<i32>} : memref<80x64xf32, #tpu.memory_space<vmem>>, vector<16xf32>,
      tpu.vector_store %arg15[%parallel_loop3A_709, %parallel_loop3A_710], %parallel_loop3A_708 {strides = array<i32>} : memref<80x64xf32, #tpu.memory_space<vmem>>, vector<16xf32>,
    } {sc.loop_unroll_factor = 4 : i64, sc.parallel_access}
    %dma_start3A_529 = arith.constant 0 : i32
    %dma_start3A_530 = arith.constant 0 : i32
    %dma_start3A_531 = tpu.memref_slice %arg10[%dma_start3A_529, %dma_start3A_530] : memref<125x80xi32, #tpu.memory_space<vmem>> -> memref<1x80xi32, #tpu.memory_space<vmem>>
    %dma_start3A_532 = tpu.memref_squeeze %dma_start3A_531 : memref<1x80xi32, #tpu.memory_space<vmem>> -> memref<80xi32, #tpu.memory_space<vmem>>
    %dma_start3A_533 = arith.constant 0 : i32
    %dma_start3A_534 = arith.constant 0 : i32
    %dma_start3A_535 = tpu.memref_slice %arg21[%dma_start3A_533, %dma_start3A_534] : memref<10000x64xf32, #tpu.memory_space<vmem_shared>> -> memref<10000x64xf32, #tpu.memory_space<vmem_shared>>
    tpu.enqueue_indirect_dma source(%arg15 : memref<80x64xf32, #tpu.memory_space<vmem>>) target(%dma_start3A_535 : memref<10000x64xf32, #tpu.memory_space<vmem_shared>>) offsets(%dma_start3A_532 : memref<80xi32, #tpu.memory_space<vmem>>) semaphore(%arg25 : memref<!tpu.dma_semaphore, #tpu.memory_space<semaphore_mem>>) {add = true}
    %dma_start3A_536 = arith.constant 2 : i32
    %dma_start3A_537 = arith.constant 0 : i32
    %dma_start3A_538 = tpu.memref_slice %arg9[%dma_start3A_536, %dma_start3A_537] : memref<125x80xi32, #tpu.memory_space<vmem>> -> memref<1x80xi32, #tpu.memory_space<vmem>>
    %dma_start3A_539 = tpu.memref_squeeze %dma_start3A_538 : memref<1x80xi32, #tpu.memory_space<vmem>> -> memref<80xi32, #tpu.memory_space<vmem>>
    %dma_start3A_540 = arith.constant 0 : i32
    %dma_start3A_541 = arith.constant 0 : i32
    %dma_start3A_542 = tpu.memref_slice %arg2[%dma_start3A_540, %dma_start3A_541] : memref<10000x64xbf16, #tpu.memory_space<hbm>> -> memref<10000x64xbf16, #tpu.memory_space<hbm>>
    tpu.enqueue_indirect_dma source(%dma_start3A_542 : memref<10000x64xbf16, #tpu.memory_space<hbm>>) target(%arg14 : memref<80x64xbf16, #tpu.memory_space<vmem>>) offsets(%dma_start3A_539 : memref<80xi32, #tpu.memory_space<vmem>>) semaphore(%arg24 : memref<!tpu.dma_semaphore, #tpu.memory_space<semaphore_mem>>)
    %scan3A = arith.constant 0 : i32
    %scan3A_543 = arith.constant 41 : i32
    %scan3A_544 = arith.addi %scan3A, %scan3A_543 : i32
    %scan3A_545 = arith.constant 1 : i32
    scf.for %scan3A_681 = %scan3A to %scan3A_544 step %scan3A_545  : i32 {
      %mul3A_682 = arith.constant 1 : i32
      %mul3A_683 = arith.muli %scan3A_681, %mul3A_682 : i32
      %add3A_684 = arith.constant 0 : i32
      %add3A_685 = arith.addi %add3A_684, %mul3A_683 : i32
      %mul3A_686 = arith.constant 3 : i32
      %mul3A_687 = arith.muli %mul3A_686, %add3A_685 : i32
      %add3A_688 = arith.constant 1 : i32
      %add3A_689 = arith.addi %add3A_688, %mul3A_687 : i32
      %add3A_690 = arith.constant 2 : i32
      %add3A_691 = arith.addi %add3A_689, %add3A_690 : i32
      %get3A_692 = arith.index_cast %add3A_691 : i32 to index
      %get3A_693 = arith.constant 0 : index
      %get3A_694 = tpu.vector_load %arg9[%get3A_692, %get3A_693] {strides = array<i32>} : memref<125x80xi32, #tpu.memory_space<vmem>>, vector<16xi32>,
      %get3A_695 = arith.index_cast %add3A_691 : i32 to index
      %get3A_696 = arith.constant 0 : index
      %get3A_697 = tpu.vector_load %arg10[%get3A_695, %get3A_696] {strides = array<i32>} : memref<125x80xi32, #tpu.memory_space<vmem>>, vector<16xi32>,
      %gather3A_698 = tpu.vector_load_idx %arg7[%get3A_694] : memref<10000xf32, #tpu.memory_space<vmem>>[vector<16xi32>], vector<16xf32>,
      %gather3A_699 = tpu.vector_load_idx %arg8[%get3A_697] : memref<10000xf32, #tpu.memory_space<vmem>>[vector<16xi32>], vector<16xf32>,
      %add3A_700 = arith.addf %gather3A_698, %gather3A_699 : vector<16xf32>
      %ge3A_701 = arith.constant 0.000000e+00 : f32
      %ge3A_702 = vector.broadcast %ge3A_701 : f32 to vector<16xf32>
      %ge3A_703 = arith.cmpf oge, %add3A_700, %ge3A_702 : vector<16xf32>
      %mul3A_704 = arith.constant 2.000000e-01 : f32
      %mul3A_705 = vector.broadcast %mul3A_704 : f32 to vector<16xf32>
      %mul3A_706 = arith.mulf %mul3A_705, %add3A_700 : vector<16xf32>
      %select_n3A_707 = arith.select %ge3A_703, %add3A_700, %mul3A_706 : vector<16xi1>, vector<16xf32>
      %sub3A_708 = arith.subf %select_n3A_707, %get3A_125 : vector<16xf32>
      %exp3A_709 = math.exp %sub3A_708 : vector<16xf32>
      %swap3A_710 = arith.index_cast %add3A_691 : i32 to index
      %swap3A_711 = arith.constant 0 : index
      %swap3A_712 = tpu.vector_load %arg11[%swap3A_710, %swap3A_711] {strides = array<i32>} : memref<125x80xf32, #tpu.memory_space<vmem>>, vector<16xf32>,
      tpu.vector_store %arg11[%swap3A_710, %swap3A_711], %exp3A_709 {strides = array<i32>} : memref<125x80xf32, #tpu.memory_space<vmem>>, vector<16xf32>,
      tpu.vector_store_idx %arg18[%get3A_697], %exp3A_709 {add = true} : memref<10000xf32, #tpu.memory_space<vmem>>[vector<16xi32>], vector<16xf32>,
      %get3A_713 = arith.index_cast %add3A_691 : i32 to index
      %get3A_714 = arith.constant 16 : index
      %get3A_715 = tpu.vector_load %arg9[%get3A_713, %get3A_714] {strides = array<i32>} : memref<125x80xi32, #tpu.memory_space<vmem>>, vector<16xi32>,
      %get3A_716 = arith.index_cast %add3A_691 : i32 to index
      %get3A_717 = arith.constant 16 : index
      %get3A_718 = tpu.vector_load %arg10[%get3A_716, %get3A_717] {strides = array<i32>} : memref<125x80xi32, #tpu.memory_space<vmem>>, vector<16xi32>,
      %gather3A_719 = tpu.vector_load_idx %arg7[%get3A_715] : memref<10000xf32, #tpu.memory_space<vmem>>[vector<16xi32>], vector<16xf32>,
      %gather3A_720 = tpu.vector_load_idx %arg8[%get3A_718] : memref<10000xf32, #tpu.memory_space<vmem>>[vector<16xi32>], vector<16xf32>,
      %add3A_721 = arith.addf %gather3A_719, %gather3A_720 : vector<16xf32>
      %ge3A_722 = arith.constant 0.000000e+00 : f32
      %ge3A_723 = vector.broadcast %ge3A_722 : f32 to vector<16xf32>
      %ge3A_724 = arith.cmpf oge, %add3A_721, %ge3A_723 : vector<16xf32>
      %mul3A_725 = arith.constant 2.000000e-01 : f32
      %mul3A_726 = vector.broadcast %mul3A_725 : f32 to vector<16xf32>
      %mul3A_727 = arith.mulf %mul3A_726, %add3A_721 : vector<16xf32>
      %select_n3A_728 = arith.select %ge3A_724, %add3A_721, %mul3A_727 : vector<16xi1>, vector<16xf32>
      %sub3A_729 = arith.subf %select_n3A_728, %get3A_125 : vector<16xf32>
      %exp3A_730 = math.exp %sub3A_729 : vector<16xf32>
      %swap3A_731 = arith.index_cast %add3A_691 : i32 to index
      %swap3A_732 = arith.constant 16 : index
      %swap3A_733 = tpu.vector_load %arg11[%swap3A_731, %swap3A_732] {strides = array<i32>} : memref<125x80xf32, #tpu.memory_space<vmem>>, vector<16xf32>,
      tpu.vector_store %arg11[%swap3A_731, %swap3A_732], %exp3A_730 {strides = array<i32>} : memref<125x80xf32, #tpu.memory_space<vmem>>, vector<16xf32>,
      tpu.vector_store_idx %arg18[%get3A_718], %exp3A_730 {add = true} : memref<10000xf32, #tpu.memory_space<vmem>>[vector<16xi32>], vector<16xf32>,
      %get3A_734 = arith.index_cast %add3A_691 : i32 to index
      %get3A_735 = arith.constant 32 : index
      %get3A_736 = tpu.vector_load %arg9[%get3A_734, %get3A_735] {strides = array<i32>} : memref<125x80xi32, #tpu.memory_space<vmem>>, vector<16xi32>,
      %get3A_737 = arith.index_cast %add3A_691 : i32 to index
      %get3A_738 = arith.constant 32 : index
      %get3A_739 = tpu.vector_load %arg10[%get3A_737, %get3A_738] {strides = array<i32>} : memref<125x80xi32, #tpu.memory_space<vmem>>, vector<16xi32>,
      %gather3A_740 = tpu.vector_load_idx %arg7[%get3A_736] : memref<10000xf32, #tpu.memory_space<vmem>>[vector<16xi32>], vector<16xf32>,
      %gather3A_741 = tpu.vector_load_idx %arg8[%get3A_739] : memref<10000xf32, #tpu.memory_space<vmem>>[vector<16xi32>], vector<16xf32>,
      %add3A_742 = arith.addf %gather3A_740, %gather3A_741 : vector<16xf32>
      %ge3A_743 = arith.constant 0.000000e+00 : f32
      %ge3A_744 = vector.broadcast %ge3A_743 : f32 to vector<16xf32>
      %ge3A_745 = arith.cmpf oge, %add3A_742, %ge3A_744 : vector<16xf32>
      %mul3A_746 = arith.constant 2.000000e-01 : f32
      %mul3A_747 = vector.broadcast %mul3A_746 : f32 to vector<16xf32>
      %mul3A_748 = arith.mulf %mul3A_747, %add3A_742 : vector<16xf32>
      %select_n3A_749 = arith.select %ge3A_745, %add3A_742, %mul3A_748 : vector<16xi1>, vector<16xf32>
      %sub3A_750 = arith.subf %select_n3A_749, %get3A_125 : vector<16xf32>
      %exp3A_751 = math.exp %sub3A_750 : vector<16xf32>
      %swap3A_752 = arith.index_cast %add3A_691 : i32 to index
      %swap3A_753 = arith.constant 32 : index
      %swap3A_754 = tpu.vector_load %arg11[%swap3A_752, %swap3A_753] {strides = array<i32>} : memref<125x80xf32, #tpu.memory_space<vmem>>, vector<16xf32>,
      tpu.vector_store %arg11[%swap3A_752, %swap3A_753], %exp3A_751 {strides = array<i32>} : memref<125x80xf32, #tpu.memory_space<vmem>>, vector<16xf32>,
      tpu.vector_store_idx %arg18[%get3A_739], %exp3A_751 {add = true} : memref<10000xf32, #tpu.memory_space<vmem>>[vector<16xi32>], vector<16xf32>,
      %get3A_755 = arith.index_cast %add3A_691 : i32 to index
      %get3A_756 = arith.constant 48 : index
      %get3A_757 = tpu.vector_load %arg9[%get3A_755, %get3A_756] {strides = array<i32>} : memref<125x80xi32, #tpu.memory_space<vmem>>, vector<16xi32>,
      %get3A_758 = arith.index_cast %add3A_691 : i32 to index
      %get3A_759 = arith.constant 48 : index
      %get3A_760 = tpu.vector_load %arg10[%get3A_758, %get3A_759] {strides = array<i32>} : memref<125x80xi32, #tpu.memory_space<vmem>>, vector<16xi32>,
      %gather3A_761 = tpu.vector_load_idx %arg7[%get3A_757] : memref<10000xf32, #tpu.memory_space<vmem>>[vector<16xi32>], vector<16xf32>,
      %gather3A_762 = tpu.vector_load_idx %arg8[%get3A_760] : memref<10000xf32, #tpu.memory_space<vmem>>[vector<16xi32>], vector<16xf32>,
      %add3A_763 = arith.addf %gather3A_761, %gather3A_762 : vector<16xf32>
      %ge3A_764 = arith.constant 0.000000e+00 : f32
      %ge3A_765 = vector.broadcast %ge3A_764 : f32 to vector<16xf32>
      %ge3A_766 = arith.cmpf oge, %add3A_763, %ge3A_765 : vector<16xf32>
      %mul3A_767 = arith.constant 2.000000e-01 : f32
      %mul3A_768 = vector.broadcast %mul3A_767 : f32 to vector<16xf32>
      %mul3A_769 = arith.mulf %mul3A_768, %add3A_763 : vector<16xf32>
      %select_n3A_770 = arith.select %ge3A_766, %add3A_763, %mul3A_769 : vector<16xi1>, vector<16xf32>
      %sub3A_771 = arith.subf %select_n3A_770, %get3A_125 : vector<16xf32>
      %exp3A_772 = math.exp %sub3A_771 : vector<16xf32>
      %swap3A_773 = arith.index_cast %add3A_691 : i32 to index
      %swap3A_774 = arith.constant 48 : index
      %swap3A_775 = tpu.vector_load %arg11[%swap3A_773, %swap3A_774] {strides = array<i32>} : memref<125x80xf32, #tpu.memory_space<vmem>>, vector<16xf32>,
      tpu.vector_store %arg11[%swap3A_773, %swap3A_774], %exp3A_772 {strides = array<i32>} : memref<125x80xf32, #tpu.memory_space<vmem>>, vector<16xf32>,
      tpu.vector_store_idx %arg18[%get3A_760], %exp3A_772 {add = true} : memref<10000xf32, #tpu.memory_space<vmem>>[vector<16xi32>], vector<16xf32>,
      %get3A_776 = arith.index_cast %add3A_691 : i32 to index
      %get3A_777 = arith.constant 64 : index
      %get3A_778 = tpu.vector_load %arg9[%get3A_776, %get3A_777] {strides = array<i32>} : memref<125x80xi32, #tpu.memory_space<vmem>>, vector<16xi32>,
      %get3A_779 = arith.index_cast %add3A_691 : i32 to index
      %get3A_780 = arith.constant 64 : index
      %get3A_781 = tpu.vector_load %arg10[%get3A_779, %get3A_780] {strides = array<i32>} : memref<125x80xi32, #tpu.memory_space<vmem>>, vector<16xi32>,
      %gather3A_782 = tpu.vector_load_idx %arg7[%get3A_778] : memref<10000xf32, #tpu.memory_space<vmem>>[vector<16xi32>], vector<16xf32>,
      %gather3A_783 = tpu.vector_load_idx %arg8[%get3A_781] : memref<10000xf32, #tpu.memory_space<vmem>>[vector<16xi32>], vector<16xf32>,
      %add3A_784 = arith.addf %gather3A_782, %gather3A_783 : vector<16xf32>
      %ge3A_785 = arith.constant 0.000000e+00 : f32
      %ge3A_786 = vector.broadcast %ge3A_785 : f32 to vector<16xf32>
      %ge3A_787 = arith.cmpf oge, %add3A_784, %ge3A_786 : vector<16xf32>
      %mul3A_788 = arith.constant 2.000000e-01 : f32
      %mul3A_789 = vector.broadcast %mul3A_788 : f32 to vector<16xf32>
      %mul3A_790 = arith.mulf %mul3A_789, %add3A_784 : vector<16xf32>
      %select_n3A_791 = arith.select %ge3A_787, %add3A_784, %mul3A_790 : vector<16xi1>, vector<16xf32>
      %sub3A_792 = arith.subf %select_n3A_791, %get3A_125 : vector<16xf32>
      %exp3A_793 = math.exp %sub3A_792 : vector<16xf32>
      %swap3A_794 = arith.index_cast %add3A_691 : i32 to index
      %swap3A_795 = arith.constant 64 : index
      %swap3A_796 = tpu.vector_load %arg11[%swap3A_794, %swap3A_795] {strides = array<i32>} : memref<125x80xf32, #tpu.memory_space<vmem>>, vector<16xf32>,
      tpu.vector_store %arg11[%swap3A_794, %swap3A_795], %exp3A_793 {strides = array<i32>} : memref<125x80xf32, #tpu.memory_space<vmem>>, vector<16xf32>,
      tpu.vector_store_idx %arg18[%get3A_781], %exp3A_793 {add = true} : memref<10000xf32, #tpu.memory_space<vmem>>[vector<16xi32>], vector<16xf32>,
      %dma_wait3A_797 = arith.constant 0 : i32
      %dma_wait3A_798 = tpu.memref_slice %arg9[%add3A_689, %dma_wait3A_797] : memref<125x80xi32, #tpu.memory_space<vmem>> -> memref<1x80xi32, #tpu.memory_space<vmem>>
      %dma_wait3A_799 = tpu.memref_squeeze %dma_wait3A_798 : memref<1x80xi32, #tpu.memory_space<vmem>> -> memref<80xi32, #tpu.memory_space<vmem>>
      %dma_wait3A_800 = arith.constant 0 : i32
      %dma_wait3A_801 = arith.constant 0 : i32
      %dma_wait3A_802 = tpu.memref_slice %arg2[%dma_wait3A_800, %dma_wait3A_801] : memref<10000x64xbf16, #tpu.memory_space<hbm>> -> memref<10000x64xbf16, #tpu.memory_space<hbm>>
      tpu.wait_indirect_dma semaphore(%arg23 : memref<!tpu.dma_semaphore, #tpu.memory_space<semaphore_mem>>) src(%dma_wait3A_802 : memref<10000x64xbf16, #tpu.memory_space<hbm>>) dst(%arg13 : memref<80x64xbf16, #tpu.memory_space<vmem>>)
      %parallel_loop3A_803 = arith.constant 0 : i32
      %parallel_loop3A_804 = arith.constant 80 : i32
      %parallel_loop3A_805 = arith.constant 1 : i32
      scf.for %parallel_loop3A_1004 = %parallel_loop3A_803 to %parallel_loop3A_804 step %parallel_loop3A_805  : i32 {
        %parallel_loop3A_1005 = vector.broadcast %add3A_689 : i32 to vector<16xi32>
        %parallel_loop3A_1006 = vector.broadcast %parallel_loop3A_1004 : i32 to vector<16xi32>
        %parallel_loop3A_1007 = tpu.vector_load_idx %arg11[%parallel_loop3A_1005, %parallel_loop3A_1006] : memref<125x80xf32, #tpu.memory_space<vmem>>[vector<16xi32>, vector<16xi32>], vector<16xf32>,
        %parallel_loop3A_1008 = arith.index_cast %parallel_loop3A_1004 : i32 to index
        %parallel_loop3A_1009 = arith.constant 0 : index
        %parallel_loop3A_1010 = tpu.vector_load %arg13[%parallel_loop3A_1008, %parallel_loop3A_1009] {strides = array<i32>} : memref<80x64xbf16, #tpu.memory_space<vmem>>, vector<32xbf16>,
        %parallel_loop3A_1011 = tpu.unpack_subelements %parallel_loop3A_1010, 0 {pack_format = #tpu.pack_format<interleaved>} : vector<32xbf16> -> vector<16xf32>
        %parallel_loop3A_1012 = tpu.unpack_subelements %parallel_loop3A_1010, 1 {pack_format = #tpu.pack_format<interleaved>} : vector<32xbf16> -> vector<16xf32>
        %parallel_loop3A_1013 = arith.mulf %parallel_loop3A_1011, %parallel_loop3A_1007 : vector<16xf32>
        %parallel_loop3A_1014 = arith.index_cast %parallel_loop3A_1004 : i32 to index
        %parallel_loop3A_1015 = arith.constant 0 : index
        %parallel_loop3A_1016 = tpu.vector_load %arg16[%parallel_loop3A_1014, %parallel_loop3A_1015] {strides = array<i32>} : memref<80x64xf32, #tpu.memory_space<vmem>>, vector<16xf32>,
        tpu.vector_store %arg16[%parallel_loop3A_1014, %parallel_loop3A_1015], %parallel_loop3A_1013 {strides = array<i32>} : memref<80x64xf32, #tpu.memory_space<vmem>>, vector<16xf32>,
        %parallel_loop3A_1017 = arith.mulf %parallel_loop3A_1012, %parallel_loop3A_1007 : vector<16xf32>
        %parallel_loop3A_1018 = arith.index_cast %parallel_loop3A_1004 : i32 to index
        %parallel_loop3A_1019 = arith.constant 16 : index
        %parallel_loop3A_1020 = tpu.vector_load %arg16[%parallel_loop3A_1018, %parallel_loop3A_1019] {strides = array<i32>} : memref<80x64xf32, #tpu.memory_space<vmem>>, vector<16xf32>,
        tpu.vector_store %arg16[%parallel_loop3A_1018, %parallel_loop3A_1019], %parallel_loop3A_1017 {strides = array<i32>} : memref<80x64xf32, #tpu.memory_space<vmem>>, vector<16xf32>,
        %parallel_loop3A_1021 = arith.index_cast %parallel_loop3A_1004 : i32 to index
        %parallel_loop3A_1022 = arith.constant 32 : index
        %parallel_loop3A_1023 = tpu.vector_load %arg13[%parallel_loop3A_1021, %parallel_loop3A_1022] {strides = array<i32>} : memref<80x64xbf16, #tpu.memory_space<vmem>>, vector<32xbf16>,
        %parallel_loop3A_1024 = tpu.unpack_subelements %parallel_loop3A_1023, 0 {pack_format = #tpu.pack_format<interleaved>} : vector<32xbf16> -> vector<16xf32>
        %parallel_loop3A_1025 = tpu.unpack_subelements %parallel_loop3A_1023, 1 {pack_format = #tpu.pack_format<interleaved>} : vector<32xbf16> -> vector<16xf32>
        %parallel_loop3A_1026 = arith.mulf %parallel_loop3A_1024, %parallel_loop3A_1007 : vector<16xf32>
        %parallel_loop3A_1027 = arith.index_cast %parallel_loop3A_1004 : i32 to index
        %parallel_loop3A_1028 = arith.constant 32 : index
        %parallel_loop3A_1029 = tpu.vector_load %arg16[%parallel_loop3A_1027, %parallel_loop3A_1028] {strides = array<i32>} : memref<80x64xf32, #tpu.memory_space<vmem>>, vector<16xf32>,
        tpu.vector_store %arg16[%parallel_loop3A_1027, %parallel_loop3A_1028], %parallel_loop3A_1026 {strides = array<i32>} : memref<80x64xf32, #tpu.memory_space<vmem>>, vector<16xf32>,
        %parallel_loop3A_1030 = arith.mulf %parallel_loop3A_1025, %parallel_loop3A_1007 : vector<16xf32>
        %parallel_loop3A_1031 = arith.index_cast %parallel_loop3A_1004 : i32 to index
        %parallel_loop3A_1032 = arith.constant 48 : index
        %parallel_loop3A_1033 = tpu.vector_load %arg16[%parallel_loop3A_1031, %parallel_loop3A_1032] {strides = array<i32>} : memref<80x64xf32, #tpu.memory_space<vmem>>, vector<16xf32>,
        tpu.vector_store %arg16[%parallel_loop3A_1031, %parallel_loop3A_1032], %parallel_loop3A_1030 {strides = array<i32>} : memref<80x64xf32, #tpu.memory_space<vmem>>, vector<16xf32>,
      } {sc.loop_unroll_factor = 4 : i64, sc.parallel_access}
      %dma_start3A_806 = arith.constant 0 : i32
      %dma_start3A_807 = tpu.memref_slice %arg10[%add3A_689, %dma_start3A_806] : memref<125x80xi32, #tpu.memory_space<vmem>> -> memref<1x80xi32, #tpu.memory_space<vmem>>
      %dma_start3A_808 = tpu.memref_squeeze %dma_start3A_807 : memref<1x80xi32, #tpu.memory_space<vmem>> -> memref<80xi32, #tpu.memory_space<vmem>>
      %dma_start3A_809 = arith.constant 0 : i32
      %dma_start3A_810 = arith.constant 0 : i32
      %dma_start3A_811 = tpu.memref_slice %arg21[%dma_start3A_809, %dma_start3A_810] : memref<10000x64xf32, #tpu.memory_space<vmem_shared>> -> memref<10000x64xf32, #tpu.memory_space<vmem_shared>>
      tpu.enqueue_indirect_dma source(%arg16 : memref<80x64xf32, #tpu.memory_space<vmem>>) target(%dma_start3A_811 : memref<10000x64xf32, #tpu.memory_space<vmem_shared>>) offsets(%dma_start3A_808 : memref<80xi32, #tpu.memory_space<vmem>>) semaphore(%arg26 : memref<!tpu.dma_semaphore, #tpu.memory_space<semaphore_mem>>) {add = true}
      %sub3A_812 = arith.constant 1 : i32
      %sub3A_813 = arith.subi %add3A_689, %sub3A_812 : i32
      %dma_wait3A_814 = arith.constant 0 : i32
      %dma_wait3A_815 = tpu.memref_slice %arg10[%sub3A_813, %dma_wait3A_814] : memref<125x80xi32, #tpu.memory_space<vmem>> -> memref<1x80xi32, #tpu.memory_space<vmem>>
      %dma_wait3A_816 = tpu.memref_squeeze %dma_wait3A_815 : memref<1x80xi32, #tpu.memory_space<vmem>> -> memref<80xi32, #tpu.memory_space<vmem>>
      %dma_wait3A_817 = arith.constant 0 : i32
      %dma_wait3A_818 = arith.constant 0 : i32
      %dma_wait3A_819 = tpu.memref_slice %arg21[%dma_wait3A_817, %dma_wait3A_818] : memref<10000x64xf32, #tpu.memory_space<vmem_shared>> -> memref<10000x64xf32, #tpu.memory_space<vmem_shared>>
      tpu.wait_indirect_dma semaphore(%arg25 : memref<!tpu.dma_semaphore, #tpu.memory_space<semaphore_mem>>) src(%arg15 : memref<80x64xf32, #tpu.memory_space<vmem>>) dst(%dma_wait3A_819 : memref<10000x64xf32, #tpu.memory_space<vmem_shared>>)
      %add3A_820 = arith.constant 2 : i32
      %add3A_821 = arith.addi %add3A_689, %add3A_820 : i32
      %dma_start3A_822 = arith.constant 0 : i32
      %dma_start3A_823 = tpu.memref_slice %arg9[%add3A_821, %dma_start3A_822] : memref<125x80xi32, #tpu.memory_space<vmem>> -> memref<1x80xi32, #tpu.memory_space<vmem>>
      %dma_start3A_824 = tpu.memref_squeeze %dma_start3A_823 : memref<1x80xi32, #tpu.memory_space<vmem>> -> memref<80xi32, #tpu.memory_space<vmem>>
      %dma_start3A_825 = arith.constant 0 : i32
      %dma_start3A_826 = arith.constant 0 : i32
      %dma_start3A_827 = tpu.memref_slice %arg2[%dma_start3A_825, %dma_start3A_826] : memref<10000x64xbf16, #tpu.memory_space<hbm>> -> memref<10000x64xbf16, #tpu.memory_space<hbm>>
      tpu.enqueue_indirect_dma source(%dma_start3A_827 : memref<10000x64xbf16, #tpu.memory_space<hbm>>) target(%arg12 : memref<80x64xbf16, #tpu.memory_space<vmem>>) offsets(%dma_start3A_824 : memref<80xi32, #tpu.memory_space<vmem>>) semaphore(%arg22 : memref<!tpu.dma_semaphore, #tpu.memory_space<semaphore_mem>>)
      %add3A_828 = arith.constant 1 : i32
      %add3A_829 = arith.addi %add3A_689, %add3A_828 : i32
      %add3A_830 = arith.constant 2 : i32
      %add3A_831 = arith.addi %add3A_829, %add3A_830 : i32
      %get3A_832 = arith.index_cast %add3A_831 : i32 to index
      %get3A_833 = arith.constant 0 : index
      %get3A_834 = tpu.vector_load %arg9[%get3A_832, %get3A_833] {strides = array<i32>} : memref<125x80xi32, #tpu.memory_space<vmem>>, vector<16xi32>,
      %get3A_835 = arith.index_cast %add3A_831 : i32 to index
      %get3A_836 = arith.constant 0 : index
      %get3A_837 = tpu.vector_load %arg10[%get3A_835, %get3A_836] {strides = array<i32>} : memref<125x80xi32, #tpu.memory_space<vmem>>, vector<16xi32>,
      %gather3A_838 = tpu.vector_load_idx %arg7[%get3A_834] : memref<10000xf32, #tpu.memory_space<vmem>>[vector<16xi32>], vector<16xf32>,
      %gather3A_839 = tpu.vector_load_idx %arg8[%get3A_837] : memref<10000xf32, #tpu.memory_space<vmem>>[vector<16xi32>], vector<16xf32>,
      %add3A_840 = arith.addf %gather3A_838, %gather3A_839 : vector<16xf32>
      %ge3A_841 = arith.constant 0.000000e+00 : f32
      %ge3A_842 = vector.broadcast %ge3A_841 : f32 to vector<16xf32>
      %ge3A_843 = arith.cmpf oge, %add3A_840, %ge3A_842 : vector<16xf32>
      %mul3A_844 = arith.constant 2.000000e-01 : f32
      %mul3A_845 = vector.broadcast %mul3A_844 : f32 to vector<16xf32>
      %mul3A_846 = arith.mulf %mul3A_845, %add3A_840 : vector<16xf32>
      %select_n3A_847 = arith.select %ge3A_843, %add3A_840, %mul3A_846 : vector<16xi1>, vector<16xf32>
      %sub3A_848 = arith.subf %select_n3A_847, %get3A_125 : vector<16xf32>
      %exp3A_849 = math.exp %sub3A_848 : vector<16xf32>
      %swap3A_850 = arith.index_cast %add3A_831 : i32 to index
      %swap3A_851 = arith.constant 0 : index
      %swap3A_852 = tpu.vector_load %arg11[%swap3A_850, %swap3A_851] {strides = array<i32>} : memref<125x80xf32, #tpu.memory_space<vmem>>, vector<16xf32>,
      tpu.vector_store %arg11[%swap3A_850, %swap3A_851], %exp3A_849 {strides = array<i32>} : memref<125x80xf32, #tpu.memory_space<vmem>>, vector<16xf32>,
      tpu.vector_store_idx %arg18[%get3A_837], %exp3A_849 {add = true} : memref<10000xf32, #tpu.memory_space<vmem>>[vector<16xi32>], vector<16xf32>,
      %get3A_853 = arith.index_cast %add3A_831 : i32 to index
      %get3A_854 = arith.constant 16 : index
      %get3A_855 = tpu.vector_load %arg9[%get3A_853, %get3A_854] {strides = array<i32>} : memref<125x80xi32, #tpu.memory_space<vmem>>, vector<16xi32>,
      %get3A_856 = arith.index_cast %add3A_831 : i32 to index
      %get3A_857 = arith.constant 16 : index
      %get3A_858 = tpu.vector_load %arg10[%get3A_856, %get3A_857] {strides = array<i32>} : memref<125x80xi32, #tpu.memory_space<vmem>>, vector<16xi32>,
      %gather3A_859 = tpu.vector_load_idx %arg7[%get3A_855] : memref<10000xf32, #tpu.memory_space<vmem>>[vector<16xi32>], vector<16xf32>,
      %gather3A_860 = tpu.vector_load_idx %arg8[%get3A_858] : memref<10000xf32, #tpu.memory_space<vmem>>[vector<16xi32>], vector<16xf32>,
      %add3A_861 = arith.addf %gather3A_859, %gather3A_860 : vector<16xf32>
      %ge3A_862 = arith.constant 0.000000e+00 : f32
      %ge3A_863 = vector.broadcast %ge3A_862 : f32 to vector<16xf32>
      %ge3A_864 = arith.cmpf oge, %add3A_861, %ge3A_863 : vector<16xf32>
      %mul3A_865 = arith.constant 2.000000e-01 : f32
      %mul3A_866 = vector.broadcast %mul3A_865 : f32 to vector<16xf32>
      %mul3A_867 = arith.mulf %mul3A_866, %add3A_861 : vector<16xf32>
      %select_n3A_868 = arith.select %ge3A_864, %add3A_861, %mul3A_867 : vector<16xi1>, vector<16xf32>
      %sub3A_869 = arith.subf %select_n3A_868, %get3A_125 : vector<16xf32>
      %exp3A_870 = math.exp %sub3A_869 : vector<16xf32>
      %swap3A_871 = arith.index_cast %add3A_831 : i32 to index
      %swap3A_872 = arith.constant 16 : index
      %swap3A_873 = tpu.vector_load %arg11[%swap3A_871, %swap3A_872] {strides = array<i32>} : memref<125x80xf32, #tpu.memory_space<vmem>>, vector<16xf32>,
      tpu.vector_store %arg11[%swap3A_871, %swap3A_872], %exp3A_870 {strides = array<i32>} : memref<125x80xf32, #tpu.memory_space<vmem>>, vector<16xf32>,
      tpu.vector_store_idx %arg18[%get3A_858], %exp3A_870 {add = true} : memref<10000xf32, #tpu.memory_space<vmem>>[vector<16xi32>], vector<16xf32>,
      %get3A_874 = arith.index_cast %add3A_831 : i32 to index
      %get3A_875 = arith.constant 32 : index
      %get3A_876 = tpu.vector_load %arg9[%get3A_874, %get3A_875] {strides = array<i32>} : memref<125x80xi32, #tpu.memory_space<vmem>>, vector<16xi32>,
      %get3A_877 = arith.index_cast %add3A_831 : i32 to index
      %get3A_878 = arith.constant 32 : index
      %get3A_879 = tpu.vector_load %arg10[%get3A_877, %get3A_878] {strides = array<i32>} : memref<125x80xi32, #tpu.memory_space<vmem>>, vector<16xi32>,
      %gather3A_880 = tpu.vector_load_idx %arg7[%get3A_876] : memref<10000xf32, #tpu.memory_space<vmem>>[vector<16xi32>], vector<16xf32>,
      %gather3A_881 = tpu.vector_load_idx %arg8[%get3A_879] : memref<10000xf32, #tpu.memory_space<vmem>>[vector<16xi32>], vector<16xf32>,
      %add3A_882 = arith.addf %gather3A_880, %gather3A_881 : vector<16xf32>
      %ge3A_883 = arith.constant 0.000000e+00 : f32
      %ge3A_884 = vector.broadcast %ge3A_883 : f32 to vector<16xf32>
      %ge3A_885 = arith.cmpf oge, %add3A_882, %ge3A_884 : vector<16xf32>
      %mul3A_886 = arith.constant 2.000000e-01 : f32
      %mul3A_887 = vector.broadcast %mul3A_886 : f32 to vector<16xf32>
      %mul3A_888 = arith.mulf %mul3A_887, %add3A_882 : vector<16xf32>
      %select_n3A_889 = arith.select %ge3A_885, %add3A_882, %mul3A_888 : vector<16xi1>, vector<16xf32>
      %sub3A_890 = arith.subf %select_n3A_889, %get3A_125 : vector<16xf32>
      %exp3A_891 = math.exp %sub3A_890 : vector<16xf32>
      %swap3A_892 = arith.index_cast %add3A_831 : i32 to index
      %swap3A_893 = arith.constant 32 : index
      %swap3A_894 = tpu.vector_load %arg11[%swap3A_892, %swap3A_893] {strides = array<i32>} : memref<125x80xf32, #tpu.memory_space<vmem>>, vector<16xf32>,
      tpu.vector_store %arg11[%swap3A_892, %swap3A_893], %exp3A_891 {strides = array<i32>} : memref<125x80xf32, #tpu.memory_space<vmem>>, vector<16xf32>,
      tpu.vector_store_idx %arg18[%get3A_879], %exp3A_891 {add = true} : memref<10000xf32, #tpu.memory_space<vmem>>[vector<16xi32>], vector<16xf32>,
      %get3A_895 = arith.index_cast %add3A_831 : i32 to index
      %get3A_896 = arith.constant 48 : index
      %get3A_897 = tpu.vector_load %arg9[%get3A_895, %get3A_896] {strides = array<i32>} : memref<125x80xi32, #tpu.memory_space<vmem>>, vector<16xi32>,
      %get3A_898 = arith.index_cast %add3A_831 : i32 to index
      %get3A_899 = arith.constant 48 : index
      %get3A_900 = tpu.vector_load %arg10[%get3A_898, %get3A_899] {strides = array<i32>} : memref<125x80xi32, #tpu.memory_space<vmem>>, vector<16xi32>,
      %gather3A_901 = tpu.vector_load_idx %arg7[%get3A_897] : memref<10000xf32, #tpu.memory_space<vmem>>[vector<16xi32>], vector<16xf32>,
      %gather3A_902 = tpu.vector_load_idx %arg8[%get3A_900] : memref<10000xf32, #tpu.memory_space<vmem>>[vector<16xi32>], vector<16xf32>,
      %add3A_903 = arith.addf %gather3A_901, %gather3A_902 : vector<16xf32>
      %ge3A_904 = arith.constant 0.000000e+00 : f32
      %ge3A_905 = vector.broadcast %ge3A_904 : f32 to vector<16xf32>
      %ge3A_906 = arith.cmpf oge, %add3A_903, %ge3A_905 : vector<16xf32>
      %mul3A_907 = arith.constant 2.000000e-01 : f32
      %mul3A_908 = vector.broadcast %mul3A_907 : f32 to vector<16xf32>
      %mul3A_909 = arith.mulf %mul3A_908, %add3A_903 : vector<16xf32>
      %select_n3A_910 = arith.select %ge3A_906, %add3A_903, %mul3A_909 : vector<16xi1>, vector<16xf32>
      %sub3A_911 = arith.subf %select_n3A_910, %get3A_125 : vector<16xf32>
      %exp3A_912 = math.exp %sub3A_911 : vector<16xf32>
      %swap3A_913 = arith.index_cast %add3A_831 : i32 to index
      %swap3A_914 = arith.constant 48 : index
      %swap3A_915 = tpu.vector_load %arg11[%swap3A_913, %swap3A_914] {strides = array<i32>} : memref<125x80xf32, #tpu.memory_space<vmem>>, vector<16xf32>,
      tpu.vector_store %arg11[%swap3A_913, %swap3A_914], %exp3A_912 {strides = array<i32>} : memref<125x80xf32, #tpu.memory_space<vmem>>, vector<16xf32>,
      tpu.vector_store_idx %arg18[%get3A_900], %exp3A_912 {add = true} : memref<10000xf32, #tpu.memory_space<vmem>>[vector<16xi32>], vector<16xf32>,
      %get3A_916 = arith.index_cast %add3A_831 : i32 to index
      %get3A_917 = arith.constant 64 : index
      %get3A_918 = tpu.vector_load %arg9[%get3A_916, %get3A_917] {strides = array<i32>} : memref<125x80xi32, #tpu.memory_space<vmem>>, vector<16xi32>,
      %get3A_919 = arith.index_cast %add3A_831 : i32 to index
      %get3A_920 = arith.constant 64 : index
      %get3A_921 = tpu.vector_load %arg10[%get3A_919, %get3A_920] {strides = array<i32>} : memref<125x80xi32, #tpu.memory_space<vmem>>, vector<16xi32>,
      %gather3A_922 = tpu.vector_load_idx %arg7[%get3A_918] : memref<10000xf32, #tpu.memory_space<vmem>>[vector<16xi32>], vector<16xf32>,
      %gather3A_923 = tpu.vector_load_idx %arg8[%get3A_921] : memref<10000xf32, #tpu.memory_space<vmem>>[vector<16xi32>], vector<16xf32>,
      %add3A_924 = arith.addf %gather3A_922, %gather3A_923 : vector<16xf32>
      %ge3A_925 = arith.constant 0.000000e+00 : f32
      %ge3A_926 = vector.broadcast %ge3A_925 : f32 to vector<16xf32>
      %ge3A_927 = arith.cmpf oge, %add3A_924, %ge3A_926 : vector<16xf32>
      %mul3A_928 = arith.constant 2.000000e-01 : f32
      %mul3A_929 = vector.broadcast %mul3A_928 : f32 to vector<16xf32>
      %mul3A_930 = arith.mulf %mul3A_929, %add3A_924 : vector<16xf32>
      %select_n3A_931 = arith.select %ge3A_927, %add3A_924, %mul3A_930 : vector<16xi1>, vector<16xf32>
      %sub3A_932 = arith.subf %select_n3A_931, %get3A_125 : vector<16xf32>
      %exp3A_933 = math.exp %sub3A_932 : vector<16xf32>
      %swap3A_934 = arith.index_cast %add3A_831 : i32 to index
      %swap3A_935 = arith.constant 64 : index
      %swap3A_936 = tpu.vector_load %arg11[%swap3A_934, %swap3A_935] {strides = array<i32>} : memref<125x80xf32, #tpu.memory_space<vmem>>, vector<16xf32>,
      tpu.vector_store %arg11[%swap3A_934, %swap3A_935], %exp3A_933 {strides = array<i32>} : memref<125x80xf32, #tpu.memory_space<vmem>>, vector<16xf32>,
      tpu.vector_store_idx %arg18[%get3A_921], %exp3A_933 {add = true} : memref<10000xf32, #tpu.memory_space<vmem>>[vector<16xi32>], vector<16xf32>,
      %dma_wait3A_937 = arith.constant 0 : i32
      %dma_wait3A_938 = tpu.memref_slice %arg9[%add3A_829, %dma_wait3A_937] : memref<125x80xi32, #tpu.memory_space<vmem>> -> memref<1x80xi32, #tpu.memory_space<vmem>>
      %dma_wait3A_939 = tpu.memref_squeeze %dma_wait3A_938 : memref<1x80xi32, #tpu.memory_space<vmem>> -> memref<80xi32, #tpu.memory_space<vmem>>
      %dma_wait3A_940 = arith.constant 0 : i32
      %dma_wait3A_941 = arith.constant 0 : i32
      %dma_wait3A_942 = tpu.memref_slice %arg2[%dma_wait3A_940, %dma_wait3A_941] : memref<10000x64xbf16, #tpu.memory_space<hbm>> -> memref<10000x64xbf16, #tpu.memory_space<hbm>>
      tpu.wait_indirect_dma semaphore(%arg24 : memref<!tpu.dma_semaphore, #tpu.memory_space<semaphore_mem>>) src(%dma_wait3A_942 : memref<10000x64xbf16, #tpu.memory_space<hbm>>) dst(%arg14 : memref<80x64xbf16, #tpu.memory_space<vmem>>)
      %parallel_loop3A_943 = arith.constant 0 : i32
      %parallel_loop3A_944 = arith.constant 80 : i32
      %parallel_loop3A_945 = arith.constant 1 : i32
      scf.for %parallel_loop3A_1004 = %parallel_loop3A_943 to %parallel_loop3A_944 step %parallel_loop3A_945  : i32 {
        %parallel_loop3A_1005 = vector.broadcast %add3A_829 : i32 to vector<16xi32>
        %parallel_loop3A_1006 = vector.broadcast %parallel_loop3A_1004 : i32 to vector<16xi32>
        %parallel_loop3A_1007 = tpu.vector_load_idx %arg11[%parallel_loop3A_1005, %parallel_loop3A_1006] : memref<125x80xf32, #tpu.memory_space<vmem>>[vector<16xi32>, vector<16xi32>], vector<16xf32>,
        %parallel_loop3A_1008 = arith.index_cast %parallel_loop3A_1004 : i32 to index
        %parallel_loop3A_1009 = arith.constant 0 : index
        %parallel_loop3A_1010 = tpu.vector_load %arg14[%parallel_loop3A_1008, %parallel_loop3A_1009] {strides = array<i32>} : memref<80x64xbf16, #tpu.memory_space<vmem>>, vector<32xbf16>,
        %parallel_loop3A_1011 = tpu.unpack_subelements %parallel_loop3A_1010, 0 {pack_format = #tpu.pack_format<interleaved>} : vector<32xbf16> -> vector<16xf32>
        %parallel_loop3A_1012 = tpu.unpack_subelements %parallel_loop3A_1010, 1 {pack_format = #tpu.pack_format<interleaved>} : vector<32xbf16> -> vector<16xf32>
        %parallel_loop3A_1013 = arith.mulf %parallel_loop3A_1011, %parallel_loop3A_1007 : vector<16xf32>
        %parallel_loop3A_1014 = arith.index_cast %parallel_loop3A_1004 : i32 to index
        %parallel_loop3A_1015 = arith.constant 0 : index
        %parallel_loop3A_1016 = tpu.vector_load %arg17[%parallel_loop3A_1014, %parallel_loop3A_1015] {strides = array<i32>} : memref<80x64xf32, #tpu.memory_space<vmem>>, vector<16xf32>,
        tpu.vector_store %arg17[%parallel_loop3A_1014, %parallel_loop3A_1015], %parallel_loop3A_1013 {strides = array<i32>} : memref<80x64xf32, #tpu.memory_space<vmem>>, vector<16xf32>,
        %parallel_loop3A_1017 = arith.mulf %parallel_loop3A_1012, %parallel_loop3A_1007 : vector<16xf32>
        %parallel_loop3A_1018 = arith.index_cast %parallel_loop3A_1004 : i32 to index
        %parallel_loop3A_1019 = arith.constant 16 : index
        %parallel_loop3A_1020 = tpu.vector_load %arg17[%parallel_loop3A_1018, %parallel_loop3A_1019] {strides = array<i32>} : memref<80x64xf32, #tpu.memory_space<vmem>>, vector<16xf32>,
        tpu.vector_store %arg17[%parallel_loop3A_1018, %parallel_loop3A_1019], %parallel_loop3A_1017 {strides = array<i32>} : memref<80x64xf32, #tpu.memory_space<vmem>>, vector<16xf32>,
        %parallel_loop3A_1021 = arith.index_cast %parallel_loop3A_1004 : i32 to index
        %parallel_loop3A_1022 = arith.constant 32 : index
        %parallel_loop3A_1023 = tpu.vector_load %arg14[%parallel_loop3A_1021, %parallel_loop3A_1022] {strides = array<i32>} : memref<80x64xbf16, #tpu.memory_space<vmem>>, vector<32xbf16>,
        %parallel_loop3A_1024 = tpu.unpack_subelements %parallel_loop3A_1023, 0 {pack_format = #tpu.pack_format<interleaved>} : vector<32xbf16> -> vector<16xf32>
        %parallel_loop3A_1025 = tpu.unpack_subelements %parallel_loop3A_1023, 1 {pack_format = #tpu.pack_format<interleaved>} : vector<32xbf16> -> vector<16xf32>
        %parallel_loop3A_1026 = arith.mulf %parallel_loop3A_1024, %parallel_loop3A_1007 : vector<16xf32>
        %parallel_loop3A_1027 = arith.index_cast %parallel_loop3A_1004 : i32 to index
        %parallel_loop3A_1028 = arith.constant 32 : index
        %parallel_loop3A_1029 = tpu.vector_load %arg17[%parallel_loop3A_1027, %parallel_loop3A_1028] {strides = array<i32>} : memref<80x64xf32, #tpu.memory_space<vmem>>, vector<16xf32>,
        tpu.vector_store %arg17[%parallel_loop3A_1027, %parallel_loop3A_1028], %parallel_loop3A_1026 {strides = array<i32>} : memref<80x64xf32, #tpu.memory_space<vmem>>, vector<16xf32>,
        %parallel_loop3A_1030 = arith.mulf %parallel_loop3A_1025, %parallel_loop3A_1007 : vector<16xf32>
        %parallel_loop3A_1031 = arith.index_cast %parallel_loop3A_1004 : i32 to index
        %parallel_loop3A_1032 = arith.constant 48 : index
        %parallel_loop3A_1033 = tpu.vector_load %arg17[%parallel_loop3A_1031, %parallel_loop3A_1032] {strides = array<i32>} : memref<80x64xf32, #tpu.memory_space<vmem>>, vector<16xf32>,
        tpu.vector_store %arg17[%parallel_loop3A_1031, %parallel_loop3A_1032], %parallel_loop3A_1030 {strides = array<i32>} : memref<80x64xf32, #tpu.memory_space<vmem>>, vector<16xf32>,
      } {sc.loop_unroll_factor = 4 : i64, sc.parallel_access}
      %dma_start3A_946 = arith.constant 0 : i32
      %dma_start3A_947 = tpu.memref_slice %arg10[%add3A_829, %dma_start3A_946] : memref<125x80xi32, #tpu.memory_space<vmem>> -> memref<1x80xi32, #tpu.memory_space<vmem>>
      %dma_start3A_948 = tpu.memref_squeeze %dma_start3A_947 : memref<1x80xi32, #tpu.memory_space<vmem>> -> memref<80xi32, #tpu.memory_space<vmem>>
      %dma_start3A_949 = arith.constant 0 : i32
      %dma_start3A_950 = arith.constant 0 : i32
      %dma_start3A_951 = tpu.memref_slice %arg21[%dma_start3A_949, %dma_start3A_950] : memref<10000x64xf32, #tpu.memory_space<vmem_shared>> -> memref<10000x64xf32, #tpu.memory_space<vmem_shared>>
      tpu.enqueue_indirect_dma source(%arg17 : memref<80x64xf32, #tpu.memory_space<vmem>>) target(%dma_start3A_951 : memref<10000x64xf32, #tpu.memory_space<vmem_shared>>) offsets(%dma_start3A_948 : memref<80xi32, #tpu.memory_space<vmem>>) semaphore(%arg27 : memref<!tpu.dma_semaphore, #tpu.memory_space<semaphore_mem>>) {add = true}
      %sub3A_952 = arith.constant 1 : i32
      %sub3A_953 = arith.subi %add3A_829, %sub3A_952 : i32
      %dma_wait3A_954 = arith.constant 0 : i32
      %dma_wait3A_955 = tpu.memref_slice %arg10[%sub3A_953, %dma_wait3A_954] : memref<125x80xi32, #tpu.memory_space<vmem>> -> memref<1x80xi32, #tpu.memory_space<vmem>>
      %dma_wait3A_956 = tpu.memref_squeeze %dma_wait3A_955 : memref<1x80xi32, #tpu.memory_space<vmem>> -> memref<80xi32, #tpu.memory_space<vmem>>
      %dma_wait3A_957 = arith.constant 0 : i32
      %dma_wait3A_958 = arith.constant 0 : i32
      %dma_wait3A_959 = tpu.memref_slice %arg21[%dma_wait3A_957, %dma_wait3A_958] : memref<10000x64xf32, #tpu.memory_space<vmem_shared>> -> memref<10000x64xf32, #tpu.memory_space<vmem_shared>>
      tpu.wait_indirect_dma semaphore(%arg26 : memref<!tpu.dma_semaphore, #tpu.memory_space<semaphore_mem>>) src(%arg16 : memref<80x64xf32, #tpu.memory_space<vmem>>) dst(%dma_wait3A_959 : memref<10000x64xf32, #tpu.memory_space<vmem_shared>>)
      %add3A_960 = arith.constant 2 : i32
      %add3A_961 = arith.addi %add3A_829, %add3A_960 : i32
      %dma_start3A_962 = arith.constant 0 : i32
      %dma_start3A_963 = tpu.memref_slice %arg9[%add3A_961, %dma_start3A_962] : memref<125x80xi32, #tpu.memory_space<vmem>> -> memref<1x80xi32, #tpu.memory_space<vmem>>
      %dma_start3A_964 = tpu.memref_squeeze %dma_start3A_963 : memref<1x80xi32, #tpu.memory_space<vmem>> -> memref<80xi32, #tpu.memory_space<vmem>>
      %dma_start3A_965 = arith.constant 0 : i32
      %dma_start3A_966 = arith.constant 0 : i32
      %dma_start3A_967 = tpu.memref_slice %arg2[%dma_start3A_965, %dma_start3A_966] : memref<10000x64xbf16, #tpu.memory_space<hbm>> -> memref<10000x64xbf16, #tpu.memory_space<hbm>>
      tpu.enqueue_indirect_dma source(%dma_start3A_967 : memref<10000x64xbf16, #tpu.memory_space<hbm>>) target(%arg13 : memref<80x64xbf16, #tpu.memory_space<vmem>>) offsets(%dma_start3A_964 : memref<80xi32, #tpu.memory_space<vmem>>) semaphore(%arg23 : memref<!tpu.dma_semaphore, #tpu.memory_space<semaphore_mem>>)
      %add3A_968 = arith.constant 2 : i32
      %add3A_969 = arith.addi %add3A_689, %add3A_968 : i32
      %add3A_970 = arith.constant 2 : i32
      %add3A_971 = arith.addi %add3A_969, %add3A_970 : i32
      %lt3A = arith.constant 125 : i32
      %lt3A_972 = arith.cmpi slt, %add3A_971, %lt3A : i32
      %convert_element_type3A = arith.extui %lt3A_972 : i1 to i32
      %cond3A = arith.constant 0 : i32
      %cond3A_973 = arith.cmpi ne, %convert_element_type3A, %cond3A : i32
      scf.if %cond3A_973 {
        %add3A_1004 = arith.constant 2 : i32
        %add3A_1005 = arith.addi %add3A_969, %add3A_1004 : i32
        %get3A_1006 = arith.index_cast %add3A_1005 : i32 to index
        %get3A_1007 = arith.constant 0 : index
        %get3A_1008 = tpu.vector_load %arg9[%get3A_1006, %get3A_1007] {strides = array<i32>} : memref<125x80xi32, #tpu.memory_space<vmem>>, vector<16xi32>,
        %get3A_1009 = arith.index_cast %add3A_1005 : i32 to index
        %get3A_1010 = arith.constant 0 : index
        %get3A_1011 = tpu.vector_load %arg10[%get3A_1009, %get3A_1010] {strides = array<i32>} : memref<125x80xi32, #tpu.memory_space<vmem>>, vector<16xi32>,
        %gather3A_1012 = tpu.vector_load_idx %arg7[%get3A_1008] : memref<10000xf32, #tpu.memory_space<vmem>>[vector<16xi32>], vector<16xf32>,
        %gather3A_1013 = tpu.vector_load_idx %arg8[%get3A_1011] : memref<10000xf32, #tpu.memory_space<vmem>>[vector<16xi32>], vector<16xf32>,
        %add3A_1014 = arith.addf %gather3A_1012, %gather3A_1013 : vector<16xf32>
        %ge3A_1015 = arith.constant 0.000000e+00 : f32
        %ge3A_1016 = vector.broadcast %ge3A_1015 : f32 to vector<16xf32>
        %ge3A_1017 = arith.cmpf oge, %add3A_1014, %ge3A_1016 : vector<16xf32>
        %mul3A_1018 = arith.constant 2.000000e-01 : f32
        %mul3A_1019 = vector.broadcast %mul3A_1018 : f32 to vector<16xf32>
        %mul3A_1020 = arith.mulf %mul3A_1019, %add3A_1014 : vector<16xf32>
        %select_n3A_1021 = arith.select %ge3A_1017, %add3A_1014, %mul3A_1020 : vector<16xi1>, vector<16xf32>
        %sub3A_1022 = arith.subf %select_n3A_1021, %get3A_125 : vector<16xf32>
        %exp3A_1023 = math.exp %sub3A_1022 : vector<16xf32>
        %swap3A_1024 = arith.index_cast %add3A_1005 : i32 to index
        %swap3A_1025 = arith.constant 0 : index
        %swap3A_1026 = tpu.vector_load %arg11[%swap3A_1024, %swap3A_1025] {strides = array<i32>} : memref<125x80xf32, #tpu.memory_space<vmem>>, vector<16xf32>,
        tpu.vector_store %arg11[%swap3A_1024, %swap3A_1025], %exp3A_1023 {strides = array<i32>} : memref<125x80xf32, #tpu.memory_space<vmem>>, vector<16xf32>,
        tpu.vector_store_idx %arg18[%get3A_1011], %exp3A_1023 {add = true} : memref<10000xf32, #tpu.memory_space<vmem>>[vector<16xi32>], vector<16xf32>,
        %get3A_1027 = arith.index_cast %add3A_1005 : i32 to index
        %get3A_1028 = arith.constant 16 : index
        %get3A_1029 = tpu.vector_load %arg9[%get3A_1027, %get3A_1028] {strides = array<i32>} : memref<125x80xi32, #tpu.memory_space<vmem>>, vector<16xi32>,
        %get3A_1030 = arith.index_cast %add3A_1005 : i32 to index
        %get3A_1031 = arith.constant 16 : index
        %get3A_1032 = tpu.vector_load %arg10[%get3A_1030, %get3A_1031] {strides = array<i32>} : memref<125x80xi32, #tpu.memory_space<vmem>>, vector<16xi32>,
        %gather3A_1033 = tpu.vector_load_idx %arg7[%get3A_1029] : memref<10000xf32, #tpu.memory_space<vmem>>[vector<16xi32>], vector<16xf32>,
        %gather3A_1034 = tpu.vector_load_idx %arg8[%get3A_1032] : memref<10000xf32, #tpu.memory_space<vmem>>[vector<16xi32>], vector<16xf32>,
        %add3A_1035 = arith.addf %gather3A_1033, %gather3A_1034 : vector<16xf32>
        %ge3A_1036 = arith.constant 0.000000e+00 : f32
        %ge3A_1037 = vector.broadcast %ge3A_1036 : f32 to vector<16xf32>
        %ge3A_1038 = arith.cmpf oge, %add3A_1035, %ge3A_1037 : vector<16xf32>
        %mul3A_1039 = arith.constant 2.000000e-01 : f32
        %mul3A_1040 = vector.broadcast %mul3A_1039 : f32 to vector<16xf32>
        %mul3A_1041 = arith.mulf %mul3A_1040, %add3A_1035 : vector<16xf32>
        %select_n3A_1042 = arith.select %ge3A_1038, %add3A_1035, %mul3A_1041 : vector<16xi1>, vector<16xf32>
        %sub3A_1043 = arith.subf %select_n3A_1042, %get3A_125 : vector<16xf32>
        %exp3A_1044 = math.exp %sub3A_1043 : vector<16xf32>
        %swap3A_1045 = arith.index_cast %add3A_1005 : i32 to index
        %swap3A_1046 = arith.constant 16 : index
        %swap3A_1047 = tpu.vector_load %arg11[%swap3A_1045, %swap3A_1046] {strides = array<i32>} : memref<125x80xf32, #tpu.memory_space<vmem>>, vector<16xf32>,
        tpu.vector_store %arg11[%swap3A_1045, %swap3A_1046], %exp3A_1044 {strides = array<i32>} : memref<125x80xf32, #tpu.memory_space<vmem>>, vector<16xf32>,
        tpu.vector_store_idx %arg18[%get3A_1032], %exp3A_1044 {add = true} : memref<10000xf32, #tpu.memory_space<vmem>>[vector<16xi32>], vector<16xf32>,
        %get3A_1048 = arith.index_cast %add3A_1005 : i32 to index
        %get3A_1049 = arith.constant 32 : index
        %get3A_1050 = tpu.vector_load %arg9[%get3A_1048, %get3A_1049] {strides = array<i32>} : memref<125x80xi32, #tpu.memory_space<vmem>>, vector<16xi32>,
        %get3A_1051 = arith.index_cast %add3A_1005 : i32 to index
        %get3A_1052 = arith.constant 32 : index
        %get3A_1053 = tpu.vector_load %arg10[%get3A_1051, %get3A_1052] {strides = array<i32>} : memref<125x80xi32, #tpu.memory_space<vmem>>, vector<16xi32>,
        %gather3A_1054 = tpu.vector_load_idx %arg7[%get3A_1050] : memref<10000xf32, #tpu.memory_space<vmem>>[vector<16xi32>], vector<16xf32>,
        %gather3A_1055 = tpu.vector_load_idx %arg8[%get3A_1053] : memref<10000xf32, #tpu.memory_space<vmem>>[vector<16xi32>], vector<16xf32>,
        %add3A_1056 = arith.addf %gather3A_1054, %gather3A_1055 : vector<16xf32>
        %ge3A_1057 = arith.constant 0.000000e+00 : f32
        %ge3A_1058 = vector.broadcast %ge3A_1057 : f32 to vector<16xf32>
        %ge3A_1059 = arith.cmpf oge, %add3A_1056, %ge3A_1058 : vector<16xf32>
        %mul3A_1060 = arith.constant 2.000000e-01 : f32
        %mul3A_1061 = vector.broadcast %mul3A_1060 : f32 to vector<16xf32>
        %mul3A_1062 = arith.mulf %mul3A_1061, %add3A_1056 : vector<16xf32>
        %select_n3A_1063 = arith.select %ge3A_1059, %add3A_1056, %mul3A_1062 : vector<16xi1>, vector<16xf32>
        %sub3A_1064 = arith.subf %select_n3A_1063, %get3A_125 : vector<16xf32>
        %exp3A_1065 = math.exp %sub3A_1064 : vector<16xf32>
        %swap3A_1066 = arith.index_cast %add3A_1005 : i32 to index
        %swap3A_1067 = arith.constant 32 : index
        %swap3A_1068 = tpu.vector_load %arg11[%swap3A_1066, %swap3A_1067] {strides = array<i32>} : memref<125x80xf32, #tpu.memory_space<vmem>>, vector<16xf32>,
        tpu.vector_store %arg11[%swap3A_1066, %swap3A_1067], %exp3A_1065 {strides = array<i32>} : memref<125x80xf32, #tpu.memory_space<vmem>>, vector<16xf32>,
        tpu.vector_store_idx %arg18[%get3A_1053], %exp3A_1065 {add = true} : memref<10000xf32, #tpu.memory_space<vmem>>[vector<16xi32>], vector<16xf32>,
        %get3A_1069 = arith.index_cast %add3A_1005 : i32 to index
        %get3A_1070 = arith.constant 48 : index
        %get3A_1071 = tpu.vector_load %arg9[%get3A_1069, %get3A_1070] {strides = array<i32>} : memref<125x80xi32, #tpu.memory_space<vmem>>, vector<16xi32>,
        %get3A_1072 = arith.index_cast %add3A_1005 : i32 to index
        %get3A_1073 = arith.constant 48 : index
        %get3A_1074 = tpu.vector_load %arg10[%get3A_1072, %get3A_1073] {strides = array<i32>} : memref<125x80xi32, #tpu.memory_space<vmem>>, vector<16xi32>,
        %gather3A_1075 = tpu.vector_load_idx %arg7[%get3A_1071] : memref<10000xf32, #tpu.memory_space<vmem>>[vector<16xi32>], vector<16xf32>,
        %gather3A_1076 = tpu.vector_load_idx %arg8[%get3A_1074] : memref<10000xf32, #tpu.memory_space<vmem>>[vector<16xi32>], vector<16xf32>,
        %add3A_1077 = arith.addf %gather3A_1075, %gather3A_1076 : vector<16xf32>
        %ge3A_1078 = arith.constant 0.000000e+00 : f32
        %ge3A_1079 = vector.broadcast %ge3A_1078 : f32 to vector<16xf32>
        %ge3A_1080 = arith.cmpf oge, %add3A_1077, %ge3A_1079 : vector<16xf32>
        %mul3A_1081 = arith.constant 2.000000e-01 : f32
        %mul3A_1082 = vector.broadcast %mul3A_1081 : f32 to vector<16xf32>
        %mul3A_1083 = arith.mulf %mul3A_1082, %add3A_1077 : vector<16xf32>
        %select_n3A_1084 = arith.select %ge3A_1080, %add3A_1077, %mul3A_1083 : vector<16xi1>, vector<16xf32>
        %sub3A_1085 = arith.subf %select_n3A_1084, %get3A_125 : vector<16xf32>
        %exp3A_1086 = math.exp %sub3A_1085 : vector<16xf32>
        %swap3A_1087 = arith.index_cast %add3A_1005 : i32 to index
        %swap3A_1088 = arith.constant 48 : index
        %swap3A_1089 = tpu.vector_load %arg11[%swap3A_1087, %swap3A_1088] {strides = array<i32>} : memref<125x80xf32, #tpu.memory_space<vmem>>, vector<16xf32>,
        tpu.vector_store %arg11[%swap3A_1087, %swap3A_1088], %exp3A_1086 {strides = array<i32>} : memref<125x80xf32, #tpu.memory_space<vmem>>, vector<16xf32>,
        tpu.vector_store_idx %arg18[%get3A_1074], %exp3A_1086 {add = true} : memref<10000xf32, #tpu.memory_space<vmem>>[vector<16xi32>], vector<16xf32>,
        %get3A_1090 = arith.index_cast %add3A_1005 : i32 to index
        %get3A_1091 = arith.constant 64 : index
        %get3A_1092 = tpu.vector_load %arg9[%get3A_1090, %get3A_1091] {strides = array<i32>} : memref<125x80xi32, #tpu.memory_space<vmem>>, vector<16xi32>,
        %get3A_1093 = arith.index_cast %add3A_1005 : i32 to index
        %get3A_1094 = arith.constant 64 : index
        %get3A_1095 = tpu.vector_load %arg10[%get3A_1093, %get3A_1094] {strides = array<i32>} : memref<125x80xi32, #tpu.memory_space<vmem>>, vector<16xi32>,
        %gather3A_1096 = tpu.vector_load_idx %arg7[%get3A_1092] : memref<10000xf32, #tpu.memory_space<vmem>>[vector<16xi32>], vector<16xf32>,
        %gather3A_1097 = tpu.vector_load_idx %arg8[%get3A_1095] : memref<10000xf32, #tpu.memory_space<vmem>>[vector<16xi32>], vector<16xf32>,
        %add3A_1098 = arith.addf %gather3A_1096, %gather3A_1097 : vector<16xf32>
        %ge3A_1099 = arith.constant 0.000000e+00 : f32
        %ge3A_1100 = vector.broadcast %ge3A_1099 : f32 to vector<16xf32>
        %ge3A_1101 = arith.cmpf oge, %add3A_1098, %ge3A_1100 : vector<16xf32>
        %mul3A_1102 = arith.constant 2.000000e-01 : f32
        %mul3A_1103 = vector.broadcast %mul3A_1102 : f32 to vector<16xf32>
        %mul3A_1104 = arith.mulf %mul3A_1103, %add3A_1098 : vector<16xf32>
        %select_n3A_1105 = arith.select %ge3A_1101, %add3A_1098, %mul3A_1104 : vector<16xi1>, vector<16xf32>
        %sub3A_1106 = arith.subf %select_n3A_1105, %get3A_125 : vector<16xf32>
        %exp3A_1107 = math.exp %sub3A_1106 : vector<16xf32>
        %swap3A_1108 = arith.index_cast %add3A_1005 : i32 to index
        %swap3A_1109 = arith.constant 64 : index
        %swap3A_1110 = tpu.vector_load %arg11[%swap3A_1108, %swap3A_1109] {strides = array<i32>} : memref<125x80xf32, #tpu.memory_space<vmem>>, vector<16xf32>,
        tpu.vector_store %arg11[%swap3A_1108, %swap3A_1109], %exp3A_1107 {strides = array<i32>} : memref<125x80xf32, #tpu.memory_space<vmem>>, vector<16xf32>,
        tpu.vector_store_idx %arg18[%get3A_1095], %exp3A_1107 {add = true} : memref<10000xf32, #tpu.memory_space<vmem>>[vector<16xi32>], vector<16xf32>,
      } else {
      }
      %dma_wait3A_974 = arith.constant 0 : i32
      %dma_wait3A_975 = tpu.memref_slice %arg9[%add3A_969, %dma_wait3A_974] : memref<125x80xi32, #tpu.memory_space<vmem>> -> memref<1x80xi32, #tpu.memory_space<vmem>>
      %dma_wait3A_976 = tpu.memref_squeeze %dma_wait3A_975 : memref<1x80xi32, #tpu.memory_space<vmem>> -> memref<80xi32, #tpu.memory_space<vmem>>
      %dma_wait3A_977 = arith.constant 0 : i32
      %dma_wait3A_978 = arith.constant 0 : i32
      %dma_wait3A_979 = tpu.memref_slice %arg2[%dma_wait3A_977, %dma_wait3A_978] : memref<10000x64xbf16, #tpu.memory_space<hbm>> -> memref<10000x64xbf16, #tpu.memory_space<hbm>>
      tpu.wait_indirect_dma semaphore(%arg22 : memref<!tpu.dma_semaphore, #tpu.memory_space<semaphore_mem>>) src(%dma_wait3A_979 : memref<10000x64xbf16, #tpu.memory_space<hbm>>) dst(%arg12 : memref<80x64xbf16, #tpu.memory_space<vmem>>)
      %parallel_loop3A_980 = arith.constant 0 : i32
      %parallel_loop3A_981 = arith.constant 80 : i32
      %parallel_loop3A_982 = arith.constant 1 : i32
      scf.for %parallel_loop3A_1004 = %parallel_loop3A_980 to %parallel_loop3A_981 step %parallel_loop3A_982  : i32 {
        %parallel_loop3A_1005 = vector.broadcast %add3A_969 : i32 to vector<16xi32>
        %parallel_loop3A_1006 = vector.broadcast %parallel_loop3A_1004 : i32 to vector<16xi32>
        %parallel_loop3A_1007 = tpu.vector_load_idx %arg11[%parallel_loop3A_1005, %parallel_loop3A_1006] : memref<125x80xf32, #tpu.memory_space<vmem>>[vector<16xi32>, vector<16xi32>], vector<16xf32>,
        %parallel_loop3A_1008 = arith.index_cast %parallel_loop3A_1004 : i32 to index
        %parallel_loop3A_1009 = arith.constant 0 : index
        %parallel_loop3A_1010 = tpu.vector_load %arg12[%parallel_loop3A_1008, %parallel_loop3A_1009] {strides = array<i32>} : memref<80x64xbf16, #tpu.memory_space<vmem>>, vector<32xbf16>,
        %parallel_loop3A_1011 = tpu.unpack_subelements %parallel_loop3A_1010, 0 {pack_format = #tpu.pack_format<interleaved>} : vector<32xbf16> -> vector<16xf32>
        %parallel_loop3A_1012 = tpu.unpack_subelements %parallel_loop3A_1010, 1 {pack_format = #tpu.pack_format<interleaved>} : vector<32xbf16> -> vector<16xf32>
        %parallel_loop3A_1013 = arith.mulf %parallel_loop3A_1011, %parallel_loop3A_1007 : vector<16xf32>
        %parallel_loop3A_1014 = arith.index_cast %parallel_loop3A_1004 : i32 to index
        %parallel_loop3A_1015 = arith.constant 0 : index
        %parallel_loop3A_1016 = tpu.vector_load %arg15[%parallel_loop3A_1014, %parallel_loop3A_1015] {strides = array<i32>} : memref<80x64xf32, #tpu.memory_space<vmem>>, vector<16xf32>,
        tpu.vector_store %arg15[%parallel_loop3A_1014, %parallel_loop3A_1015], %parallel_loop3A_1013 {strides = array<i32>} : memref<80x64xf32, #tpu.memory_space<vmem>>, vector<16xf32>,
        %parallel_loop3A_1017 = arith.mulf %parallel_loop3A_1012, %parallel_loop3A_1007 : vector<16xf32>
        %parallel_loop3A_1018 = arith.index_cast %parallel_loop3A_1004 : i32 to index
        %parallel_loop3A_1019 = arith.constant 16 : index
        %parallel_loop3A_1020 = tpu.vector_load %arg15[%parallel_loop3A_1018, %parallel_loop3A_1019] {strides = array<i32>} : memref<80x64xf32, #tpu.memory_space<vmem>>, vector<16xf32>,
        tpu.vector_store %arg15[%parallel_loop3A_1018, %parallel_loop3A_1019], %parallel_loop3A_1017 {strides = array<i32>} : memref<80x64xf32, #tpu.memory_space<vmem>>, vector<16xf32>,
        %parallel_loop3A_1021 = arith.index_cast %parallel_loop3A_1004 : i32 to index
        %parallel_loop3A_1022 = arith.constant 32 : index
        %parallel_loop3A_1023 = tpu.vector_load %arg12[%parallel_loop3A_1021, %parallel_loop3A_1022] {strides = array<i32>} : memref<80x64xbf16, #tpu.memory_space<vmem>>, vector<32xbf16>,
        %parallel_loop3A_1024 = tpu.unpack_subelements %parallel_loop3A_1023, 0 {pack_format = #tpu.pack_format<interleaved>} : vector<32xbf16> -> vector<16xf32>
        %parallel_loop3A_1025 = tpu.unpack_subelements %parallel_loop3A_1023, 1 {pack_format = #tpu.pack_format<interleaved>} : vector<32xbf16> -> vector<16xf32>
        %parallel_loop3A_1026 = arith.mulf %parallel_loop3A_1024, %parallel_loop3A_1007 : vector<16xf32>
        %parallel_loop3A_1027 = arith.index_cast %parallel_loop3A_1004 : i32 to index
        %parallel_loop3A_1028 = arith.constant 32 : index
        %parallel_loop3A_1029 = tpu.vector_load %arg15[%parallel_loop3A_1027, %parallel_loop3A_1028] {strides = array<i32>} : memref<80x64xf32, #tpu.memory_space<vmem>>, vector<16xf32>,
        tpu.vector_store %arg15[%parallel_loop3A_1027, %parallel_loop3A_1028], %parallel_loop3A_1026 {strides = array<i32>} : memref<80x64xf32, #tpu.memory_space<vmem>>, vector<16xf32>,
        %parallel_loop3A_1030 = arith.mulf %parallel_loop3A_1025, %parallel_loop3A_1007 : vector<16xf32>
        %parallel_loop3A_1031 = arith.index_cast %parallel_loop3A_1004 : i32 to index
        %parallel_loop3A_1032 = arith.constant 48 : index
        %parallel_loop3A_1033 = tpu.vector_load %arg15[%parallel_loop3A_1031, %parallel_loop3A_1032] {strides = array<i32>} : memref<80x64xf32, #tpu.memory_space<vmem>>, vector<16xf32>,
        tpu.vector_store %arg15[%parallel_loop3A_1031, %parallel_loop3A_1032], %parallel_loop3A_1030 {strides = array<i32>} : memref<80x64xf32, #tpu.memory_space<vmem>>, vector<16xf32>,
      } {sc.loop_unroll_factor = 4 : i64, sc.parallel_access}
      %dma_start3A_983 = arith.constant 0 : i32
      %dma_start3A_984 = tpu.memref_slice %arg10[%add3A_969, %dma_start3A_983] : memref<125x80xi32, #tpu.memory_space<vmem>> -> memref<1x80xi32, #tpu.memory_space<vmem>>
      %dma_start3A_985 = tpu.memref_squeeze %dma_start3A_984 : memref<1x80xi32, #tpu.memory_space<vmem>> -> memref<80xi32, #tpu.memory_space<vmem>>
      %dma_start3A_986 = arith.constant 0 : i32
      %dma_start3A_987 = arith.constant 0 : i32
      %dma_start3A_988 = tpu.memref_slice %arg21[%dma_start3A_986, %dma_start3A_987] : memref<10000x64xf32, #tpu.memory_space<vmem_shared>> -> memref<10000x64xf32, #tpu.memory_space<vmem_shared>>
      tpu.enqueue_indirect_dma source(%arg15 : memref<80x64xf32, #tpu.memory_space<vmem>>) target(%dma_start3A_988 : memref<10000x64xf32, #tpu.memory_space<vmem_shared>>) offsets(%dma_start3A_985 : memref<80xi32, #tpu.memory_space<vmem>>) semaphore(%arg25 : memref<!tpu.dma_semaphore, #tpu.memory_space<semaphore_mem>>) {add = true}
      %sub3A_989 = arith.constant 1 : i32
      %sub3A_990 = arith.subi %add3A_969, %sub3A_989 : i32
      %dma_wait3A_991 = arith.constant 0 : i32
      %dma_wait3A_992 = tpu.memref_slice %arg10[%sub3A_990, %dma_wait3A_991] : memref<125x80xi32, #tpu.memory_space<vmem>> -> memref<1x80xi32, #tpu.memory_space<vmem>>
      %dma_wait3A_993 = tpu.memref_squeeze %dma_wait3A_992 : memref<1x80xi32, #tpu.memory_space<vmem>> -> memref<80xi32, #tpu.memory_space<vmem>>
      %dma_wait3A_994 = arith.constant 0 : i32
      %dma_wait3A_995 = arith.constant 0 : i32
      %dma_wait3A_996 = tpu.memref_slice %arg21[%dma_wait3A_994, %dma_wait3A_995] : memref<10000x64xf32, #tpu.memory_space<vmem_shared>> -> memref<10000x64xf32, #tpu.memory_space<vmem_shared>>
      tpu.wait_indirect_dma semaphore(%arg27 : memref<!tpu.dma_semaphore, #tpu.memory_space<semaphore_mem>>) src(%arg17 : memref<80x64xf32, #tpu.memory_space<vmem>>) dst(%dma_wait3A_996 : memref<10000x64xf32, #tpu.memory_space<vmem_shared>>)
      %add3A_997 = arith.constant 2 : i32
      %add3A_998 = arith.addi %add3A_969, %add3A_997 : i32
      %lt3A_999 = arith.constant 125 : i32
      %lt3A_1000 = arith.cmpi slt, %add3A_998, %lt3A_999 : i32
      %convert_element_type3A_1001 = arith.extui %lt3A_1000 : i1 to i32
      %cond3A_1002 = arith.constant 0 : i32
      %cond3A_1003 = arith.cmpi ne, %convert_element_type3A_1001, %cond3A_1002 : i32
      scf.if %cond3A_1003 {
        %add3A_1004 = arith.constant 2 : i32
        %add3A_1005 = arith.addi %add3A_969, %add3A_1004 : i32
        %dma_start3A_1006 = arith.constant 0 : i32
        %dma_start3A_1007 = tpu.memref_slice %arg9[%add3A_1005, %dma_start3A_1006] : memref<125x80xi32, #tpu.memory_space<vmem>> -> memref<1x80xi32, #tpu.memory_space<vmem>>
        %dma_start3A_1008 = tpu.memref_squeeze %dma_start3A_1007 : memref<1x80xi32, #tpu.memory_space<vmem>> -> memref<80xi32, #tpu.memory_space<vmem>>
        %dma_start3A_1009 = arith.constant 0 : i32
        %dma_start3A_1010 = arith.constant 0 : i32
        %dma_start3A_1011 = tpu.memref_slice %arg2[%dma_start3A_1009, %dma_start3A_1010] : memref<10000x64xbf16, #tpu.memory_space<hbm>> -> memref<10000x64xbf16, #tpu.memory_space<hbm>>
        tpu.enqueue_indirect_dma source(%dma_start3A_1011 : memref<10000x64xbf16, #tpu.memory_space<hbm>>) target(%arg14 : memref<80x64xbf16, #tpu.memory_space<vmem>>) offsets(%dma_start3A_1008 : memref<80xi32, #tpu.memory_space<vmem>>) semaphore(%arg24 : memref<!tpu.dma_semaphore, #tpu.memory_space<semaphore_mem>>)
      } else {
      }
    }
    %scan3A_546 = arith.constant 41 : i32
    %dma_wait3A_547 = arith.constant 124 : i32
    %dma_wait3A_548 = arith.constant 0 : i32
    %dma_wait3A_549 = tpu.memref_slice %arg9[%dma_wait3A_547, %dma_wait3A_548] : memref<125x80xi32, #tpu.memory_space<vmem>> -> memref<1x80xi32, #tpu.memory_space<vmem>>
    %dma_wait3A_550 = tpu.memref_squeeze %dma_wait3A_549 : memref<1x80xi32, #tpu.memory_space<vmem>> -> memref<80xi32, #tpu.memory_space<vmem>>
    %dma_wait3A_551 = arith.constant 0 : i32
    %dma_wait3A_552 = arith.constant 0 : i32
    %dma_wait3A_553 = tpu.memref_slice %arg2[%dma_wait3A_551, %dma_wait3A_552] : memref<10000x64xbf16, #tpu.memory_space<hbm>> -> memref<10000x64xbf16, #tpu.memory_space<hbm>>
    tpu.wait_indirect_dma semaphore(%arg23 : memref<!tpu.dma_semaphore, #tpu.memory_space<semaphore_mem>>) src(%dma_wait3A_553 : memref<10000x64xbf16, #tpu.memory_space<hbm>>) dst(%arg13 : memref<80x64xbf16, #tpu.memory_space<vmem>>)
    %parallel_loop3A_554 = arith.constant 0 : i32
    %parallel_loop3A_555 = arith.constant 80 : i32
    %parallel_loop3A_556 = arith.constant 1 : i32
    scf.for %parallel_loop3A_681 = %parallel_loop3A_554 to %parallel_loop3A_555 step %parallel_loop3A_556  : i32 {
      %parallel_loop3A_682 = arith.constant 124 : i32
      %parallel_loop3A_683 = vector.broadcast %parallel_loop3A_682 : i32 to vector<16xi32>
      %parallel_loop3A_684 = vector.broadcast %parallel_loop3A_681 : i32 to vector<16xi32>
      %parallel_loop3A_685 = tpu.vector_load_idx %arg11[%parallel_loop3A_683, %parallel_loop3A_684] : memref<125x80xf32, #tpu.memory_space<vmem>>[vector<16xi32>, vector<16xi32>], vector<16xf32>,
      %parallel_loop3A_686 = arith.index_cast %parallel_loop3A_681 : i32 to index
      %parallel_loop3A_687 = arith.constant 0 : index
      %parallel_loop3A_688 = tpu.vector_load %arg13[%parallel_loop3A_686, %parallel_loop3A_687] {strides = array<i32>} : memref<80x64xbf16, #tpu.memory_space<vmem>>, vector<32xbf16>,
      %parallel_loop3A_689 = tpu.unpack_subelements %parallel_loop3A_688, 0 {pack_format = #tpu.pack_format<interleaved>} : vector<32xbf16> -> vector<16xf32>
      %parallel_loop3A_690 = tpu.unpack_subelements %parallel_loop3A_688, 1 {pack_format = #tpu.pack_format<interleaved>} : vector<32xbf16> -> vector<16xf32>
      %parallel_loop3A_691 = arith.mulf %parallel_loop3A_689, %parallel_loop3A_685 : vector<16xf32>
      %parallel_loop3A_692 = arith.index_cast %parallel_loop3A_681 : i32 to index
      %parallel_loop3A_693 = arith.constant 0 : index
      %parallel_loop3A_694 = tpu.vector_load %arg16[%parallel_loop3A_692, %parallel_loop3A_693] {strides = array<i32>} : memref<80x64xf32, #tpu.memory_space<vmem>>, vector<16xf32>,
      tpu.vector_store %arg16[%parallel_loop3A_692, %parallel_loop3A_693], %parallel_loop3A_691 {strides = array<i32>} : memref<80x64xf32, #tpu.memory_space<vmem>>, vector<16xf32>,
      %parallel_loop3A_695 = arith.mulf %parallel_loop3A_690, %parallel_loop3A_685 : vector<16xf32>
      %parallel_loop3A_696 = arith.index_cast %parallel_loop3A_681 : i32 to index
      %parallel_loop3A_697 = arith.constant 16 : index
      %parallel_loop3A_698 = tpu.vector_load %arg16[%parallel_loop3A_696, %parallel_loop3A_697] {strides = array<i32>} : memref<80x64xf32, #tpu.memory_space<vmem>>, vector<16xf32>,
      tpu.vector_store %arg16[%parallel_loop3A_696, %parallel_loop3A_697], %parallel_loop3A_695 {strides = array<i32>} : memref<80x64xf32, #tpu.memory_space<vmem>>, vector<16xf32>,
      %parallel_loop3A_699 = arith.index_cast %parallel_loop3A_681 : i32 to index
      %parallel_loop3A_700 = arith.constant 32 : index
      %parallel_loop3A_701 = tpu.vector_load %arg13[%parallel_loop3A_699, %parallel_loop3A_700] {strides = array<i32>} : memref<80x64xbf16, #tpu.memory_space<vmem>>, vector<32xbf16>,
      %parallel_loop3A_702 = tpu.unpack_subelements %parallel_loop3A_701, 0 {pack_format = #tpu.pack_format<interleaved>} : vector<32xbf16> -> vector<16xf32>
      %parallel_loop3A_703 = tpu.unpack_subelements %parallel_loop3A_701, 1 {pack_format = #tpu.pack_format<interleaved>} : vector<32xbf16> -> vector<16xf32>
      %parallel_loop3A_704 = arith.mulf %parallel_loop3A_702, %parallel_loop3A_685 : vector<16xf32>
      %parallel_loop3A_705 = arith.index_cast %parallel_loop3A_681 : i32 to index
      %parallel_loop3A_706 = arith.constant 32 : index
      %parallel_loop3A_707 = tpu.vector_load %arg16[%parallel_loop3A_705, %parallel_loop3A_706] {strides = array<i32>} : memref<80x64xf32, #tpu.memory_space<vmem>>, vector<16xf32>,
      tpu.vector_store %arg16[%parallel_loop3A_705, %parallel_loop3A_706], %parallel_loop3A_704 {strides = array<i32>} : memref<80x64xf32, #tpu.memory_space<vmem>>, vector<16xf32>,
      %parallel_loop3A_708 = arith.mulf %parallel_loop3A_703, %parallel_loop3A_685 : vector<16xf32>
      %parallel_loop3A_709 = arith.index_cast %parallel_loop3A_681 : i32 to index
      %parallel_loop3A_710 = arith.constant 48 : index
      %parallel_loop3A_711 = tpu.vector_load %arg16[%parallel_loop3A_709, %parallel_loop3A_710] {strides = array<i32>} : memref<80x64xf32, #tpu.memory_space<vmem>>, vector<16xf32>,
      tpu.vector_store %arg16[%parallel_loop3A_709, %parallel_loop3A_710], %parallel_loop3A_708 {strides = array<i32>} : memref<80x64xf32, #tpu.memory_space<vmem>>, vector<16xf32>,
    } {sc.loop_unroll_factor = 4 : i64, sc.parallel_access}
    %dma_start3A_557 = arith.constant 124 : i32
    %dma_start3A_558 = arith.constant 0 : i32
    %dma_start3A_559 = tpu.memref_slice %arg10[%dma_start3A_557, %dma_start3A_558] : memref<125x80xi32, #tpu.memory_space<vmem>> -> memref<1x80xi32, #tpu.memory_space<vmem>>
    %dma_start3A_560 = tpu.memref_squeeze %dma_start3A_559 : memref<1x80xi32, #tpu.memory_space<vmem>> -> memref<80xi32, #tpu.memory_space<vmem>>
    %dma_start3A_561 = arith.constant 0 : i32
    %dma_start3A_562 = arith.constant 0 : i32
    %dma_start3A_563 = tpu.memref_slice %arg21[%dma_start3A_561, %dma_start3A_562] : memref<10000x64xf32, #tpu.memory_space<vmem_shared>> -> memref<10000x64xf32, #tpu.memory_space<vmem_shared>>
    tpu.enqueue_indirect_dma source(%arg16 : memref<80x64xf32, #tpu.memory_space<vmem>>) target(%dma_start3A_563 : memref<10000x64xf32, #tpu.memory_space<vmem_shared>>) offsets(%dma_start3A_560 : memref<80xi32, #tpu.memory_space<vmem>>) semaphore(%arg26 : memref<!tpu.dma_semaphore, #tpu.memory_space<semaphore_mem>>) {add = true}
    %dma_wait3A_564 = arith.constant 123 : i32
    %dma_wait3A_565 = arith.constant 0 : i32
    %dma_wait3A_566 = tpu.memref_slice %arg10[%dma_wait3A_564, %dma_wait3A_565] : memref<125x80xi32, #tpu.memory_space<vmem>> -> memref<1x80xi32, #tpu.memory_space<vmem>>
    %dma_wait3A_567 = tpu.memref_squeeze %dma_wait3A_566 : memref<1x80xi32, #tpu.memory_space<vmem>> -> memref<80xi32, #tpu.memory_space<vmem>>
    %dma_wait3A_568 = arith.constant 0 : i32
    %dma_wait3A_569 = arith.constant 0 : i32
    %dma_wait3A_570 = tpu.memref_slice %arg21[%dma_wait3A_568, %dma_wait3A_569] : memref<10000x64xf32, #tpu.memory_space<vmem_shared>> -> memref<10000x64xf32, #tpu.memory_space<vmem_shared>>
    tpu.wait_indirect_dma semaphore(%arg25 : memref<!tpu.dma_semaphore, #tpu.memory_space<semaphore_mem>>) src(%arg15 : memref<80x64xf32, #tpu.memory_space<vmem>>) dst(%dma_wait3A_570 : memref<10000x64xf32, #tpu.memory_space<vmem_shared>>)
    %dma_wait3A_571 = arith.constant 124 : i32
    %dma_wait3A_572 = arith.constant 0 : i32
    %dma_wait3A_573 = tpu.memref_slice %arg10[%dma_wait3A_571, %dma_wait3A_572] : memref<125x80xi32, #tpu.memory_space<vmem>> -> memref<1x80xi32, #tpu.memory_space<vmem>>
    %dma_wait3A_574 = tpu.memref_squeeze %dma_wait3A_573 : memref<1x80xi32, #tpu.memory_space<vmem>> -> memref<80xi32, #tpu.memory_space<vmem>>
    %dma_wait3A_575 = arith.constant 0 : i32
    %dma_wait3A_576 = arith.constant 0 : i32
    %dma_wait3A_577 = tpu.memref_slice %arg21[%dma_wait3A_575, %dma_wait3A_576] : memref<10000x64xf32, #tpu.memory_space<vmem_shared>> -> memref<10000x64xf32, #tpu.memory_space<vmem_shared>>
    tpu.wait_indirect_dma semaphore(%arg26 : memref<!tpu.dma_semaphore, #tpu.memory_space<semaphore_mem>>) src(%arg16 : memref<80x64xf32, #tpu.memory_space<vmem>>) dst(%dma_wait3A_577 : memref<10000x64xf32, #tpu.memory_space<vmem_shared>>)
    %barrier3A_578 = arith.constant 0 : index
    tpu.barrier barrier_id(%barrier3A_578)
    %dma_start3A_579 = arith.constant 0 : i32
    %dma_start3A_580 = tpu.memref_slice %arg6[%add3A, %dma_start3A_579] : memref<32x10000xf32, #tpu.memory_space<hbm>> -> memref<1x10000xf32, #tpu.memory_space<hbm>>
    %dma_start3A_581 = tpu.memref_squeeze %dma_start3A_580 : memref<1x10000xf32, #tpu.memory_space<hbm>> -> memref<10000xf32, #tpu.memory_space<hbm>>
    %dma_start3A_582 = arith.constant 0 : i32
    %dma_start3A_583 = tpu.memref_slice %arg6[%add3A, %dma_start3A_582] : memref<32x10000xf32, #tpu.memory_space<hbm>> -> memref<1x10000xf32, #tpu.memory_space<hbm>>
    %dma_start3A_584 = tpu.memref_squeeze %dma_start3A_583 : memref<1x10000xf32, #tpu.memory_space<hbm>> -> memref<10000xf32, #tpu.memory_space<hbm>>
    tpu.enqueue_dma source(%arg18 : memref<10000xf32, #tpu.memory_space<vmem>>) target(%dma_start3A_584 : memref<10000xf32, #tpu.memory_space<hbm>>) target_semaphore(%arg22 : memref<!tpu.dma_semaphore, #tpu.memory_space<semaphore_mem>>)
    %mul3A_585 = arith.constant 625 : i32
    %mul3A_586 = arith.muli %arg1, %mul3A_585 : i32
    %add3A_587 = arith.constant 0 : i32
    %add3A_588 = arith.addi %mul3A_586, %add3A_587 : i32
    %mul3A_589 = arith.constant 64 : i32
    %mul3A_590 = arith.muli %arg0, %mul3A_589 : i32
    %dma_start3A_591 = tpu.memref_slice %arg5[%add3A_588, %mul3A_590] : memref<10000x128xf32, #tpu.memory_space<hbm>> -> memref<125x64xf32, #tpu.memory_space<hbm>>
    %dma_start3A_592 = arith.constant 0 : i32
    %dma_start3A_593 = tpu.memref_slice %arg21[%add3A_588, %dma_start3A_592] : memref<10000x64xf32, #tpu.memory_space<vmem_shared>> -> memref<125x64xf32, #tpu.memory_space<vmem_shared>>
    tpu.enqueue_dma source(%dma_start3A_593 : memref<125x64xf32, #tpu.memory_space<vmem_shared>>) target(%dma_start3A_591 : memref<125x64xf32, #tpu.memory_space<hbm>>) target_semaphore(%arg25 : memref<!tpu.dma_semaphore, #tpu.memory_space<semaphore_mem>>)
    %mul3A_594 = arith.constant 625 : i32
    %mul3A_595 = arith.muli %arg1, %mul3A_594 : i32
    %add3A_596 = arith.constant 125 : i32
    %add3A_597 = arith.addi %mul3A_595, %add3A_596 : i32
    %mul3A_598 = arith.constant 64 : i32
    %mul3A_599 = arith.muli %arg0, %mul3A_598 : i32
    %dma_start3A_600 = tpu.memref_slice %arg5[%add3A_597, %mul3A_599] : memref<10000x128xf32, #tpu.memory_space<hbm>> -> memref<125x64xf32, #tpu.memory_space<hbm>>
    %dma_start3A_601 = arith.constant 0 : i32
    %dma_start3A_602 = tpu.memref_slice %arg21[%add3A_597, %dma_start3A_601] : memref<10000x64xf32, #tpu.memory_space<vmem_shared>> -> memref<125x64xf32, #tpu.memory_space<vmem_shared>>
    tpu.enqueue_dma source(%dma_start3A_602 : memref<125x64xf32, #tpu.memory_space<vmem_shared>>) target(%dma_start3A_600 : memref<125x64xf32, #tpu.memory_space<hbm>>) target_semaphore(%arg26 : memref<!tpu.dma_semaphore, #tpu.memory_space<semaphore_mem>>)
    %mul3A_603 = arith.constant 625 : i32
    %mul3A_604 = arith.muli %arg1, %mul3A_603 : i32
    %add3A_605 = arith.constant 250 : i32
    %add3A_606 = arith.addi %mul3A_604, %add3A_605 : i32
    %mul3A_607 = arith.constant 64 : i32
    %mul3A_608 = arith.muli %arg0, %mul3A_607 : i32
    %dma_start3A_609 = tpu.memref_slice %arg5[%add3A_606, %mul3A_608] : memref<10000x128xf32, #tpu.memory_space<hbm>> -> memref<125x64xf32, #tpu.memory_space<hbm>>
    %dma_start3A_610 = arith.constant 0 : i32
    %dma_start3A_611 = tpu.memref_slice %arg21[%add3A_606, %dma_start3A_610] : memref<10000x64xf32, #tpu.memory_space<vmem_shared>> -> memref<125x64xf32, #tpu.memory_space<vmem_shared>>
    tpu.enqueue_dma source(%dma_start3A_611 : memref<125x64xf32, #tpu.memory_space<vmem_shared>>) target(%dma_start3A_609 : memref<125x64xf32, #tpu.memory_space<hbm>>) target_semaphore(%arg27 : memref<!tpu.dma_semaphore, #tpu.memory_space<semaphore_mem>>)
    %mul3A_612 = arith.constant 625 : i32
    %mul3A_613 = arith.muli %arg1, %mul3A_612 : i32
    %add3A_614 = arith.constant 375 : i32
    %add3A_615 = arith.addi %mul3A_613, %add3A_614 : i32
    %mul3A_616 = arith.constant 64 : i32
    %mul3A_617 = arith.muli %arg0, %mul3A_616 : i32
    %dma_start3A_618 = tpu.memref_slice %arg5[%add3A_615, %mul3A_617] : memref<10000x128xf32, #tpu.memory_space<hbm>> -> memref<125x64xf32, #tpu.memory_space<hbm>>
    %dma_start3A_619 = arith.constant 0 : i32
    %dma_start3A_620 = tpu.memref_slice %arg21[%add3A_615, %dma_start3A_619] : memref<10000x64xf32, #tpu.memory_space<vmem_shared>> -> memref<125x64xf32, #tpu.memory_space<vmem_shared>>
    tpu.enqueue_dma source(%dma_start3A_620 : memref<125x64xf32, #tpu.memory_space<vmem_shared>>) target(%dma_start3A_618 : memref<125x64xf32, #tpu.memory_space<hbm>>) target_semaphore(%arg25 : memref<!tpu.dma_semaphore, #tpu.memory_space<semaphore_mem>>)
    %mul3A_621 = arith.constant 625 : i32
    %mul3A_622 = arith.muli %arg1, %mul3A_621 : i32
    %add3A_623 = arith.constant 500 : i32
    %add3A_624 = arith.addi %mul3A_622, %add3A_623 : i32
    %mul3A_625 = arith.constant 64 : i32
    %mul3A_626 = arith.muli %arg0, %mul3A_625 : i32
    %dma_start3A_627 = tpu.memref_slice %arg5[%add3A_624, %mul3A_626] : memref<10000x128xf32, #tpu.memory_space<hbm>> -> memref<125x64xf32, #tpu.memory_space<hbm>>
    %dma_start3A_628 = arith.constant 0 : i32
    %dma_start3A_629 = tpu.memref_slice %arg21[%add3A_624, %dma_start3A_628] : memref<10000x64xf32, #tpu.memory_space<vmem_shared>> -> memref<125x64xf32, #tpu.memory_space<vmem_shared>>
    tpu.enqueue_dma source(%dma_start3A_629 : memref<125x64xf32, #tpu.memory_space<vmem_shared>>) target(%dma_start3A_627 : memref<125x64xf32, #tpu.memory_space<hbm>>) target_semaphore(%arg26 : memref<!tpu.dma_semaphore, #tpu.memory_space<semaphore_mem>>)
    %dma_wait3A_630 = arith.constant 0 : i32
    %dma_wait3A_631 = tpu.memref_slice %arg6[%add3A, %dma_wait3A_630] : memref<32x10000xf32, #tpu.memory_space<hbm>> -> memref<1x10000xf32, #tpu.memory_space<hbm>>
    %dma_wait3A_632 = tpu.memref_squeeze %dma_wait3A_631 : memref<1x10000xf32, #tpu.memory_space<hbm>> -> memref<10000xf32, #tpu.memory_space<hbm>>
    %dma_wait3A_633 = arith.constant 0 : i32
    %dma_wait3A_634 = tpu.memref_slice %arg6[%add3A, %dma_wait3A_633] : memref<32x10000xf32, #tpu.memory_space<hbm>> -> memref<1x10000xf32, #tpu.memory_space<hbm>>
    %dma_wait3A_635 = tpu.memref_squeeze %dma_wait3A_634 : memref<1x10000xf32, #tpu.memory_space<hbm>> -> memref<10000xf32, #tpu.memory_space<hbm>>
    tpu.wait_dma2 semaphore(%arg22 : memref<!tpu.dma_semaphore, #tpu.memory_space<semaphore_mem>>) src(%arg18 : memref<10000xf32, #tpu.memory_space<vmem>>) dst(%dma_wait3A_635 : memref<10000xf32, #tpu.memory_space<hbm>>)
    %mul3A_636 = arith.constant 625 : i32
    %mul3A_637 = arith.muli %arg1, %mul3A_636 : i32
    %add3A_638 = arith.constant 0 : i32
    %add3A_639 = arith.addi %mul3A_637, %add3A_638 : i32
    %mul3A_640 = arith.constant 64 : i32
    %mul3A_641 = arith.muli %arg0, %mul3A_640 : i32
    %dma_wait3A_642 = tpu.memref_slice %arg5[%add3A_639, %mul3A_641] : memref<10000x128xf32, #tpu.memory_space<hbm>> -> memref<125x64xf32, #tpu.memory_space<hbm>>
    %dma_wait3A_643 = arith.constant 0 : i32
    %dma_wait3A_644 = tpu.memref_slice %arg21[%add3A_639, %dma_wait3A_643] : memref<10000x64xf32, #tpu.memory_space<vmem_shared>> -> memref<125x64xf32, #tpu.memory_space<vmem_shared>>
    tpu.wait_dma2 semaphore(%arg25 : memref<!tpu.dma_semaphore, #tpu.memory_space<semaphore_mem>>) src(%dma_wait3A_644 : memref<125x64xf32, #tpu.memory_space<vmem_shared>>) dst(%dma_wait3A_642 : memref<125x64xf32, #tpu.memory_space<hbm>>)
    %mul3A_645 = arith.constant 625 : i32
    %mul3A_646 = arith.muli %arg1, %mul3A_645 : i32
    %add3A_647 = arith.constant 125 : i32
    %add3A_648 = arith.addi %mul3A_646, %add3A_647 : i32
    %mul3A_649 = arith.constant 64 : i32
    %mul3A_650 = arith.muli %arg0, %mul3A_649 : i32
    %dma_wait3A_651 = tpu.memref_slice %arg5[%add3A_648, %mul3A_650] : memref<10000x128xf32, #tpu.memory_space<hbm>> -> memref<125x64xf32, #tpu.memory_space<hbm>>
    %dma_wait3A_652 = arith.constant 0 : i32
    %dma_wait3A_653 = tpu.memref_slice %arg21[%add3A_648, %dma_wait3A_652] : memref<10000x64xf32, #tpu.memory_space<vmem_shared>> -> memref<125x64xf32, #tpu.memory_space<vmem_shared>>
    tpu.wait_dma2 semaphore(%arg26 : memref<!tpu.dma_semaphore, #tpu.memory_space<semaphore_mem>>) src(%dma_wait3A_653 : memref<125x64xf32, #tpu.memory_space<vmem_shared>>) dst(%dma_wait3A_651 : memref<125x64xf32, #tpu.memory_space<hbm>>)
    %mul3A_654 = arith.constant 625 : i32
    %mul3A_655 = arith.muli %arg1, %mul3A_654 : i32
    %add3A_656 = arith.constant 250 : i32
    %add3A_657 = arith.addi %mul3A_655, %add3A_656 : i32
    %mul3A_658 = arith.constant 64 : i32
    %mul3A_659 = arith.muli %arg0, %mul3A_658 : i32
    %dma_wait3A_660 = tpu.memref_slice %arg5[%add3A_657, %mul3A_659] : memref<10000x128xf32, #tpu.memory_space<hbm>> -> memref<125x64xf32, #tpu.memory_space<hbm>>
    %dma_wait3A_661 = arith.constant 0 : i32
    %dma_wait3A_662 = tpu.memref_slice %arg21[%add3A_657, %dma_wait3A_661] : memref<10000x64xf32, #tpu.memory_space<vmem_shared>> -> memref<125x64xf32, #tpu.memory_space<vmem_shared>>
    tpu.wait_dma2 semaphore(%arg27 : memref<!tpu.dma_semaphore, #tpu.memory_space<semaphore_mem>>) src(%dma_wait3A_662 : memref<125x64xf32, #tpu.memory_space<vmem_shared>>) dst(%dma_wait3A_660 : memref<125x64xf32, #tpu.memory_space<hbm>>)
    %mul3A_663 = arith.constant 625 : i32
    %mul3A_664 = arith.muli %arg1, %mul3A_663 : i32
    %add3A_665 = arith.constant 375 : i32
    %add3A_666 = arith.addi %mul3A_664, %add3A_665 : i32
    %mul3A_667 = arith.constant 64 : i32
    %mul3A_668 = arith.muli %arg0, %mul3A_667 : i32
    %dma_wait3A_669 = tpu.memref_slice %arg5[%add3A_666, %mul3A_668] : memref<10000x128xf32, #tpu.memory_space<hbm>> -> memref<125x64xf32, #tpu.memory_space<hbm>>
    %dma_wait3A_670 = arith.constant 0 : i32
    %dma_wait3A_671 = tpu.memref_slice %arg21[%add3A_666, %dma_wait3A_670] : memref<10000x64xf32, #tpu.memory_space<vmem_shared>> -> memref<125x64xf32, #tpu.memory_space<vmem_shared>>
    tpu.wait_dma2 semaphore(%arg25 : memref<!tpu.dma_semaphore, #tpu.memory_space<semaphore_mem>>) src(%dma_wait3A_671 : memref<125x64xf32, #tpu.memory_space<vmem_shared>>) dst(%dma_wait3A_669 : memref<125x64xf32, #tpu.memory_space<hbm>>)
    %mul3A_672 = arith.constant 625 : i32
    %mul3A_673 = arith.muli %arg1, %mul3A_672 : i32
    %add3A_674 = arith.constant 500 : i32
    %add3A_675 = arith.addi %mul3A_673, %add3A_674 : i32
    %mul3A_676 = arith.constant 64 : i32
    %mul3A_677 = arith.muli %arg0, %mul3A_676 : i32
    %dma_wait3A_678 = tpu.memref_slice %arg5[%add3A_675, %mul3A_677] : memref<10000x128xf32, #tpu.memory_space<hbm>> -> memref<125x64xf32, #tpu.memory_space<hbm>>
    %dma_wait3A_679 = arith.constant 0 : i32
    %dma_wait3A_680 = tpu.memref_slice %arg21[%add3A_675, %dma_wait3A_679] : memref<10000x64xf32, #tpu.memory_space<vmem_shared>> -> memref<125x64xf32, #tpu.memory_space<vmem_shared>>
    tpu.wait_dma2 semaphore(%arg26 : memref<!tpu.dma_semaphore, #tpu.memory_space<semaphore_mem>>) src(%dma_wait3A_680 : memref<125x64xf32, #tpu.memory_space<vmem_shared>>) dst(%dma_wait3A_678 : memref<125x64xf32, #tpu.memory_space<hbm>>)
    return
  }
}

module attributes {stable_mosaic.version = 14 : i64} {
  func.func @_prep_body(%arg0: memref<10000x128xf32, #tpu.memory_space<vmem>>, %arg1: memref<128x64xf32, #tpu.memory_space<vmem>>, %arg2: memref<1x64xf32, #tpu.memory_space<vmem>>, %arg3: memref<1x64xf32, #tpu.memory_space<vmem>>, %arg4: memref<10000x64xbf16, #tpu.memory_space<vmem>>, %arg5: memref<3x10000xf32, #tpu.memory_space<vmem>>) attributes {dimension_semantics = [], scalar_prefetch = 0 : i64, scratch_operands = 0 : i64, tpu.core_type = #tpu.core_type<tc>} {
    %get3A = arith.constant 0 : index
    %get3A_0 = arith.constant 0 : index
    %get3A_1 = vector.load %arg0[%get3A, %get3A_0] : memref<10000x128xf32, #tpu.memory_space<vmem>>, vector<10000x128xf32>
    %get3A_2 = arith.constant 0 : index
    %get3A_3 = arith.constant 0 : index
    %get3A_4 = vector.load %arg1[%get3A_2, %get3A_3] : memref<128x64xf32, #tpu.memory_space<vmem>>, vector<128x64xf32>
    %dot_general3A = arith.constant dense<0.000000e+00> : vector<10000x64xf32>
    %dot_general3A_5 = tpu.matmul %get3A_1, %get3A_4, %dot_general3A {dimension_numbers = #tpu.dot_dimension_numbers<[1], [0], [0], [1], [0, 0, 1, 1], [], []>, transpose_lhs_hint = false} : vector<10000x128xf32>, vector<128x64xf32>, vector<10000x64xf32> -> vector<10000x64xf32>
    %get3A_6 = arith.constant 0 : index
    %get3A_7 = arith.constant 0 : index
    %get3A_8 = vector.load %arg2[%get3A_6, %get3A_7] : memref<1x64xf32, #tpu.memory_space<vmem>>, vector<1x64xf32>
    %mul3A = vector.broadcast %get3A_8 : vector<1x64xf32> to vector<10000x64xf32>
    %mul3A_9 = arith.mulf %dot_general3A_5, %mul3A : vector<10000x64xf32>
    %reduce_sum3A = arith.constant dense<0.000000e+00> : vector<10000xf32>
    %reduce_sum3A_10 = vector.multi_reduction <add>, %mul3A_9, %reduce_sum3A [1] : vector<10000x64xf32> to vector<10000xf32>
    %get3A_11 = arith.constant 0 : index
    %get3A_12 = arith.constant 0 : index
    %get3A_13 = vector.load %arg3[%get3A_11, %get3A_12] : memref<1x64xf32, #tpu.memory_space<vmem>>, vector<1x64xf32>
    %mul3A_14 = vector.broadcast %get3A_13 : vector<1x64xf32> to vector<10000x64xf32>
    %mul3A_15 = arith.mulf %dot_general3A_5, %mul3A_14 : vector<10000x64xf32>
    %reduce_sum3A_16 = arith.constant dense<0.000000e+00> : vector<10000xf32>
    %reduce_sum3A_17 = vector.multi_reduction <add>, %mul3A_15, %reduce_sum3A_16 [1] : vector<10000x64xf32> to vector<10000xf32>
    %swap3A = arith.constant 0 : index
    %swap3A_18 = arith.constant 0 : index
    %swap3A_19 = vector.load %arg5[%swap3A, %swap3A_18] : memref<3x10000xf32, #tpu.memory_space<vmem>>, vector<1x10000xf32>
    %swap3A_20 = vector.shape_cast %swap3A_19 : vector<1x10000xf32> to vector<10000xf32>
    %swap3A_21 = vector.shape_cast %reduce_sum3A_10 : vector<10000xf32> to vector<1x10000xf32>
    tpu.vector_store %arg5[%swap3A, %swap3A_18], %swap3A_21 {strides = array<i32>} : memref<3x10000xf32, #tpu.memory_space<vmem>>, vector<1x10000xf32>,
    %swap3A_22 = arith.constant 1 : index
    %swap3A_23 = arith.constant 0 : index
    %swap3A_24 = vector.load %arg5[%swap3A_22, %swap3A_23] : memref<3x10000xf32, #tpu.memory_space<vmem>>, vector<1x10000xf32>
    %swap3A_25 = vector.shape_cast %swap3A_24 : vector<1x10000xf32> to vector<10000xf32>
    %swap3A_26 = vector.shape_cast %reduce_sum3A_17 : vector<10000xf32> to vector<1x10000xf32>
    tpu.vector_store %arg5[%swap3A_22, %swap3A_23], %swap3A_26 {strides = array<i32>} : memref<3x10000xf32, #tpu.memory_space<vmem>>, vector<1x10000xf32>,
    %reduce_max3A = vector.shape_cast %reduce_sum3A_10 : vector<10000xf32> to vector<1x10000xf32>
    %reduce_max3A_27 = arith.constant dense<0xFF800000> : vector<1xf32>
    %reduce_max3A_28 = vector.multi_reduction <maximumf>, %reduce_max3A, %reduce_max3A_27 [1] : vector<1x10000xf32> to vector<1xf32>
    %reduce_max3A_29 = vector.shape_cast %reduce_max3A_28 : vector<1xf32> to vector<1x1xf32>
    %reduce_max3A_30 = vector.extract %reduce_max3A_29[0, 0] : f32 from vector<1x1xf32>
    %reduce_max3A_31 = vector.shape_cast %reduce_sum3A_17 : vector<10000xf32> to vector<1x10000xf32>
    %reduce_max3A_32 = arith.constant dense<0xFF800000> : vector<1xf32>
    %reduce_max3A_33 = vector.multi_reduction <maximumf>, %reduce_max3A_31, %reduce_max3A_32 [1] : vector<1x10000xf32> to vector<1xf32>
    %reduce_max3A_34 = vector.shape_cast %reduce_max3A_33 : vector<1xf32> to vector<1x1xf32>
    %reduce_max3A_35 = vector.extract %reduce_max3A_34[0, 0] : f32 from vector<1x1xf32>
    %add3A = arith.addf %reduce_max3A_30, %reduce_max3A_35 : f32
    %gt3A = arith.constant 0.000000e+00 : f32
    %gt3A_36 = arith.cmpf ogt, %add3A, %gt3A : f32
    %mul3A_37 = arith.constant 2.000000e-01 : f32
    %mul3A_38 = arith.mulf %mul3A_37, %add3A : f32
    %select_n3A = arith.select %gt3A_36, %add3A, %mul3A_38 : f32
    %broadcast_in_dim3A = vector.broadcast %select_n3A : f32 to vector<10000xf32>
    %swap3A_39 = arith.constant 2 : index
    %swap3A_40 = arith.constant 0 : index
    %swap3A_41 = vector.load %arg5[%swap3A_39, %swap3A_40] : memref<3x10000xf32, #tpu.memory_space<vmem>>, vector<1x10000xf32>
    %swap3A_42 = vector.shape_cast %swap3A_41 : vector<1x10000xf32> to vector<10000xf32>
    %swap3A_43 = vector.shape_cast %broadcast_in_dim3A : vector<10000xf32> to vector<1x10000xf32>
    tpu.vector_store %arg5[%swap3A_39, %swap3A_40], %swap3A_43 {strides = array<i32>} : memref<3x10000xf32, #tpu.memory_space<vmem>>, vector<1x10000xf32>,
    %convert_element_type3A = arith.truncf %dot_general3A_5 : vector<10000x64xf32> to vector<10000x64xbf16>
    %swap3A_44 = arith.constant 0 : index
    %swap3A_45 = arith.constant 0 : index
    %swap3A_46 = vector.load %arg4[%swap3A_44, %swap3A_45] : memref<10000x64xbf16, #tpu.memory_space<vmem>>, vector<10000x64xbf16>
    tpu.vector_store %arg4[%swap3A_44, %swap3A_45], %convert_element_type3A {strides = array<i32>} : memref<10000x64xbf16, #tpu.memory_space<vmem>>, vector<10000x64xbf16>,
    return
  }
}

module attributes {stable_mosaic.version = 14 : i64} {
  func.func @_gru_body(%arg0: memref<10000x128xf32, #tpu.memory_space<vmem>>, %arg1: memref<32x10000xf32, #tpu.memory_space<vmem>>, %arg2: memref<10000x64xf32, #tpu.memory_space<vmem>>, %arg3: memref<128x64xf32, #tpu.memory_space<vmem>>, %arg4: memref<128x64xf32, #tpu.memory_space<vmem>>, %arg5: memref<128x64xf32, #tpu.memory_space<vmem>>, %arg6: memref<1x64xf32, #tpu.memory_space<vmem>>, %arg7: memref<1x64xf32, #tpu.memory_space<vmem>>, %arg8: memref<1x64xf32, #tpu.memory_space<vmem>>, %arg9: memref<10000x64xf32, #tpu.memory_space<vmem>>) attributes {dimension_semantics = [], scalar_prefetch = 0 : i64, scratch_operands = 0 : i64, tpu.core_type = #tpu.core_type<tc>} {
    %get3A = arith.constant 0 : index
    %get3A_0 = arith.constant 0 : index
    %get3A_1 = vector.load %arg0[%get3A, %get3A_0] : memref<10000x128xf32, #tpu.memory_space<vmem>>, vector<10000x64xf32>
    %get3A_2 = arith.constant 0 : index
    %get3A_3 = arith.constant 64 : index
    %get3A_4 = vector.load %arg0[%get3A_2, %get3A_3] : memref<10000x128xf32, #tpu.memory_space<vmem>>, vector<10000x64xf32>
    %add3A = arith.addf %get3A_1, %get3A_4 : vector<10000x64xf32>
    %get3A_5 = arith.constant 0 : index
    %get3A_6 = arith.constant 0 : index
    %get3A_7 = vector.load %arg1[%get3A_5, %get3A_6] : memref<32x10000xf32, #tpu.memory_space<vmem>>, vector<32x10000xf32>
    %reduce_sum3A = arith.constant dense<0.000000e+00> : vector<10000xf32>
    %reduce_sum3A_8 = vector.multi_reduction <add>, %get3A_7, %reduce_sum3A [0] : vector<32x10000xf32> to vector<10000xf32>
    %reshape3A = vector.shape_cast %reduce_sum3A_8 : vector<10000xf32> to vector<10000x1xf32>
    %add3A_9 = arith.constant 1.000000e-16 : f32
    %add3A_10 = vector.broadcast %add3A_9 : f32 to vector<10000x1xf32>
    %add3A_11 = arith.addf %reshape3A, %add3A_10 : vector<10000x1xf32>
    %div3A = vector.broadcast %add3A_11 : vector<10000x1xf32> to vector<10000x64xf32>
    %div3A_12 = arith.divf %add3A, %div3A : vector<10000x64xf32>
    %get3A_13 = arith.constant 0 : index
    %get3A_14 = arith.constant 0 : index
    %get3A_15 = vector.load %arg2[%get3A_13, %get3A_14] : memref<10000x64xf32, #tpu.memory_space<vmem>>, vector<10000x64xf32>
    %concatenate3A = tpu.concatenate %div3A_12, %get3A_15 in 1 : vector<10000x64xf32>, vector<10000x64xf32> -> vector<10000x128xf32>
    %get3A_16 = arith.constant 0 : index
    %get3A_17 = arith.constant 0 : index
    %get3A_18 = vector.load %arg3[%get3A_16, %get3A_17] : memref<128x64xf32, #tpu.memory_space<vmem>>, vector<128x64xf32>
    %dot_general3A = arith.constant dense<0.000000e+00> : vector<10000x64xf32>
    %dot_general3A_19 = tpu.matmul %concatenate3A, %get3A_18, %dot_general3A {dimension_numbers = #tpu.dot_dimension_numbers<[1], [0], [0], [1], [0, 0, 1, 1], [], []>, transpose_lhs_hint = false} : vector<10000x128xf32>, vector<128x64xf32>, vector<10000x64xf32> -> vector<10000x64xf32>
    %get3A_20 = arith.constant 0 : index
    %get3A_21 = arith.constant 0 : index
    %get3A_22 = vector.load %arg6[%get3A_20, %get3A_21] : memref<1x64xf32, #tpu.memory_space<vmem>>, vector<1x64xf32>
    %add3A_23 = vector.broadcast %get3A_22 : vector<1x64xf32> to vector<10000x64xf32>
    %add3A_24 = arith.addf %dot_general3A_19, %add3A_23 : vector<10000x64xf32>
    %logistic3A = arith.negf %add3A_24 : vector<10000x64xf32>
    %logistic3A_25 = math.exp %logistic3A : vector<10000x64xf32>
    %logistic3A_26 = arith.constant 1.000000e+00 : f32
    %logistic3A_27 = vector.broadcast %logistic3A_26 : f32 to vector<10000x64xf32>
    %logistic3A_28 = arith.addf %logistic3A_27, %logistic3A_25 : vector<10000x64xf32>
    %logistic3A_29 = arith.divf %logistic3A_27, %logistic3A_28 : vector<10000x64xf32>
    %get3A_30 = arith.constant 0 : index
    %get3A_31 = arith.constant 0 : index
    %get3A_32 = vector.load %arg4[%get3A_30, %get3A_31] : memref<128x64xf32, #tpu.memory_space<vmem>>, vector<128x64xf32>
    %dot_general3A_33 = arith.constant dense<0.000000e+00> : vector<10000x64xf32>
    %dot_general3A_34 = tpu.matmul %concatenate3A, %get3A_32, %dot_general3A_33 {dimension_numbers = #tpu.dot_dimension_numbers<[1], [0], [0], [1], [0, 0, 1, 1], [], []>, transpose_lhs_hint = false} : vector<10000x128xf32>, vector<128x64xf32>, vector<10000x64xf32> -> vector<10000x64xf32>
    %get3A_35 = arith.constant 0 : index
    %get3A_36 = arith.constant 0 : index
    %get3A_37 = vector.load %arg7[%get3A_35, %get3A_36] : memref<1x64xf32, #tpu.memory_space<vmem>>, vector<1x64xf32>
    %add3A_38 = vector.broadcast %get3A_37 : vector<1x64xf32> to vector<10000x64xf32>
    %add3A_39 = arith.addf %dot_general3A_34, %add3A_38 : vector<10000x64xf32>
    %logistic3A_40 = arith.negf %add3A_39 : vector<10000x64xf32>
    %logistic3A_41 = math.exp %logistic3A_40 : vector<10000x64xf32>
    %logistic3A_42 = arith.constant 1.000000e+00 : f32
    %logistic3A_43 = vector.broadcast %logistic3A_42 : f32 to vector<10000x64xf32>
    %logistic3A_44 = arith.addf %logistic3A_43, %logistic3A_41 : vector<10000x64xf32>
    %logistic3A_45 = arith.divf %logistic3A_43, %logistic3A_44 : vector<10000x64xf32>
    %mul3A = arith.mulf %logistic3A_29, %get3A_15 : vector<10000x64xf32>
    %concatenate3A_46 = tpu.concatenate %div3A_12, %mul3A in 1 : vector<10000x64xf32>, vector<10000x64xf32> -> vector<10000x128xf32>
    %get3A_47 = arith.constant 0 : index
    %get3A_48 = arith.constant 0 : index
    %get3A_49 = vector.load %arg5[%get3A_47, %get3A_48] : memref<128x64xf32, #tpu.memory_space<vmem>>, vector<128x64xf32>
    %dot_general3A_50 = arith.constant dense<0.000000e+00> : vector<10000x64xf32>
    %dot_general3A_51 = tpu.matmul %concatenate3A_46, %get3A_49, %dot_general3A_50 {dimension_numbers = #tpu.dot_dimension_numbers<[1], [0], [0], [1], [0, 0, 1, 1], [], []>, transpose_lhs_hint = false} : vector<10000x128xf32>, vector<128x64xf32>, vector<10000x64xf32> -> vector<10000x64xf32>
    %get3A_52 = arith.constant 0 : index
    %get3A_53 = arith.constant 0 : index
    %get3A_54 = vector.load %arg8[%get3A_52, %get3A_53] : memref<1x64xf32, #tpu.memory_space<vmem>>, vector<1x64xf32>
    %add3A_55 = vector.broadcast %get3A_54 : vector<1x64xf32> to vector<10000x64xf32>
    %add3A_56 = arith.addf %dot_general3A_51, %add3A_55 : vector<10000x64xf32>
    %tanh3A = math.tanh %add3A_56 : vector<10000x64xf32>
    %mul3A_57 = arith.mulf %logistic3A_45, %get3A_15 : vector<10000x64xf32>
    %sub3A = arith.constant 1.000000e+00 : f32
    %sub3A_58 = vector.broadcast %sub3A : f32 to vector<10000x64xf32>
    %sub3A_59 = arith.subf %sub3A_58, %logistic3A_45 : vector<10000x64xf32>
    %mul3A_60 = arith.mulf %sub3A_59, %tanh3A : vector<10000x64xf32>
    %add3A_61 = arith.addf %mul3A_57, %mul3A_60 : vector<10000x64xf32>
    %swap3A = arith.constant 0 : index
    %swap3A_62 = arith.constant 0 : index
    %swap3A_63 = vector.load %arg9[%swap3A, %swap3A_62] : memref<10000x64xf32, #tpu.memory_space<vmem>>, vector<10000x64xf32>
    tpu.vector_store %arg9[%swap3A, %swap3A_62], %add3A_61 {strides = array<i32>} : memref<10000x64xf32, #tpu.memory_space<vmem>>, vector<10000x64xf32>,
    return
  }
}

</mosaic_0001>

<sc_bundles>
// kernel: kernel.5.cloned.1.call-start
scs
__scs_entry_jumppad:
0x0: {  	(pc) =	sbr.rel $0x88, $3  }
0x1: {  	(tag) =	ssettag $0x0;
	lr =	simm.s32 $0x1  }
0x2: {  	[smem:$0x3F95] =	sst lr;
	_ =	strace $0xD0000000  }
0x3: {  	_ = 	snop  }
0x4: {  	_ = 	snop  }
0x5: {  	_ = 	snop  }
0x6: {  	_ = 	snop  }
0x7: {  	_ = 	snop  }
__scs_overlays_trampoline_lowered:
0x8: {  	[smem:$0x3FA4] =	sst s0  }
0x9: {  	[smem:$0x3FA5] =	sst s1  }
0xa: {  	[smem:$0x3FA6] =	sst s2  }
0xb: {  	[smem:$0x3FA7] =	sst s3  }
0xc: {  	[smem:$0x3FA8] =	sst s4  }
0xd: {  	[smem:$0x3FA9] =	sst s5  }
0xe: {  	[smem:$0x3FAA] =	sst s6  }
0xf: {  	[smem:$0x3FAB] =	sst s7  }
0x10: {  	[smem:$0x3FAC] =	sst s8  }
0x11: {  	[smem:$0x3FAD] =	sst s9;
	s0 =	simm.s32 @!p0 $0x0  }
0x12: {  	s1 =	sld [smem:$0x3F93];
	s0 =	simm.s32 @p0 $0x1  }
0x13: {  	[smem:$0x3FAE] =	sst s0;
	s0 =	simm.s32 @!p1 $0x0  }
0x14: {  	s2 =	sld [smem:$0x3F92];
	s0 =	simm.s32 @p1 $0x1  }
0x15: {  	[smem:$0x3FAF] =	sst s0;
	s0 =	simm.s32 @!p2 $0x0  }
0x16: {  	s3 =	sld [smem:$0x3FDB];
	s0 =	simm.s32 @p2 $0x1  }
0x17: {  	s4 =	simm.s32 $0x1BF5;
	[smem:$0x3FB1] =	sst s0  }
0x18: {  	s0 =	sld [smem:$0x3F94];
	_ =	swait.ge [sflag:s4], $0x0  }
0x19: {  	s7 =	sld [smem:$0x3F95]  }
0x1a: {  	s8 =	sadd.s32 $0xFFFFE003, lr  }
0x1b: {  	s9 =	sadd.s32 $0xFFFFFEF7, lr;
	s5 =	simm.s32 $0xFFFFFFFF;
	p2 =	slt.u32 s8, $0xFFFFF086  }
0x1c: {  	p1 =	slt.u32 s9, $0xF7A;
	s5 =	simm.s32 @!p2 $0x0  }
0x1d: {  	s5 =	simm.s32 @p1 $0x1;
	p0 =	seq.s32 s7, s2  }
0x1e: {  	s7 =	smul.u32 @!p0 $0xF7A, s2;
	p2 =	seq.s32 @!p0 s5, $0x0  }
0x1f: {  	s9 =	smul.u32 $0xF7A, s1;
	s8 =	simm.s32 @!p0 $0x1BF5;
	p2 =	por !p2, p0  }
0x20: {  	[sflag:s8] =	ssyncset.s32 @!p0 $0xFFFFF086;
	s6 =	sadd.s32 @!p0 s3, s7;
	s7 =	simm.s32 @!p0 $0x108  }
0x21: {  	s3 =	sadd.s32 s3, s9;
	s6 =	sadd.s32 @!p0 $0x88, s6;
	s7 =	simm.s32 @p2 $0x1082  }
0x22: {  	[simem:s7], [sflag:s8] =	dma.local @!p0 [hbm:s6], $0xF7A  }
0x23: {  	s9 =	sor.u32 $0xD0000000, s2;
	s6 =	simm.s32 $0x108;
	_ =	swait.ge @!p0 [sflag:s8], $0x0  }
0x24: {  	s3 =	sadd.s32 $0x88, s3;
	s6 =	simm.s32 @!p1 $0x1082;
	[sflag:s4] =	ssyncset.s32 $0xFFFFF086  }
0x25: {  	[simem:s6], [sflag:s4] =	dma.local [hbm:s3], $0xF7A  }
0x26: {  	[smem:$0x3F95] =	sst s1;
	(tag) =	ssettag s2;
	_ =	strace s9  }
0x27: {  	s1 =	sld [smem:$0x3FA5]  }
0x28: {  	s2 =	sld [smem:$0x3FA6]  }
0x29: {  	s4 =	sld [smem:$0x3FA8]  }
0x2a: {  	p0 =	seq.s32 s5, $0x0;
	s5 =	sld [smem:$0x3FA9]  }
0x2b: {  	s6 =	sld [smem:$0x3FAA]  }
0x2c: {  	s7 =	sld [smem:$0x3FAB]  }
0x2d: {  	s3 =	simm.s32 $0x108;
	s8 =	sld [smem:$0x3FAC]  }
0x2e: {  	s3 =	simm.s32 @!p0 $0x1082;
	s9 =	sld [smem:$0x3FAD]  }
0x2f: {  	lr =	sadd.s32 s0, s3;
	s0 =	sld [smem:$0x3FA4]  }
0x30: {  	s3 =	sld [smem:$0x3FA7]  }
0x31: {  	[smem:$0x3FB0] =	sst s10  }
0x32: {  	s10 =	sld [smem:$0x3FAE];
	_ =	sdelay $0x3  }
0x33: {  	p0 =	seq.s32 s10, $0x1;
	s10 =	sld [smem:$0x3FB0];
	_ =	sdelay $0x3  }
0x34: {  	[smem:$0x3FB0] =	sst s10  }
0x35: {  	s10 =	sld [smem:$0x3FAF];
	_ =	sdelay $0x3  }
0x36: {  	p1 =	seq.s32 s10, $0x1;
	s10 =	sld [smem:$0x3FB0];
	_ =	sdelay $0x3  }
0x37: {  	[smem:$0x3FB0] =	sst s10  }
0x38: {  	s10 =	sld [smem:$0x3FB1]  }
0x39: {  	_ = 	snop;
	(pc) =	sbr.ind lr, $3  }
0x3a: {  	_ = 	snop  }
0x3b: {  	_ = 	snop  }
0x3c: {  	p2 =	seq.s32 s10, $0x1;
	s10 =	sld [smem:$0x3FB0]  }
0x3d: {  	_ =	shalt  }
0x3e: {  	_ =	shalt  }
0x3f: {  	_ =	shalt  }
0x40: {  	_ =	shalt  }
0x41: {  	_ =	shalt  }
0x42: {  	_ =	shalt  }
0x43: {  	_ =	shalt  }
0x44: {  	_ =	shalt  }
0x45: {  	_ =	shalt  }
0x46: {  	_ =	shalt  }
0x47: {  	_ =	shalt  }
0x48: {  	_ =	shalt  }
0x49: {  	_ =	shalt  }
0x4a: {  	_ =	shalt  }
0x4b: {  	_ =	shalt  }
0x4c: {  	_ =	shalt  }
0x4d: {  	_ =	shalt  }
0x4e: {  	_ =	shalt  }
0x4f: {  	_ =	shalt  }
0x50: {  	_ =	shalt  }
0x51: {  	_ =	shalt  }
0x52: {  	_ =	shalt  }
0x53: {  	_ =	shalt  }
0x54: {  	_ =	shalt  }
0x55: {  	_ =	shalt  }
0x56: {  	_ =	shalt  }
0x57: {  	_ =	shalt  }
0x58: {  	_ =	shalt  }
0x59: {  	_ =	shalt  }
0x5a: {  	_ =	shalt  }
0x5b: {  	_ =	shalt  }
0x5c: {  	_ =	shalt  }
0x5d: {  	_ =	shalt  }
0x5e: {  	_ =	shalt  }
0x5f: {  	_ =	shalt  }
0x60: {  	_ =	shalt  }
0x61: {  	_ =	shalt  }
0x62: {  	_ =	shalt  }
0x63: {  	_ =	shalt  }
0x64: {  	_ =	shalt  }
0x65: {  	_ =	shalt  }
0x66: {  	_ =	shalt  }
0x67: {  	_ =	shalt  }
0x68: {  	_ =	shalt  }
0x69: {  	_ =	shalt  }
0x6a: {  	_ =	shalt  }
0x6b: {  	_ =	shalt  }
0x6c: {  	_ =	shalt  }
0x6d: {  	_ =	shalt  }
0x6e: {  	_ =	shalt  }
0x6f: {  	_ =	shalt  }
0x70: {  	_ =	shalt  }
0x71: {  	_ =	shalt  }
0x72: {  	_ =	shalt  }
0x73: {  	_ =	shalt  }
0x74: {  	_ =	shalt  }
0x75: {  	_ =	shalt  }
0x76: {  	_ =	shalt  }
0x77: {  	_ =	shalt  }
0x78: {  	_ =	shalt  }
0x79: {  	_ =	shalt  }
0x7a: {  	_ =	shalt  }
0x7b: {  	_ =	shalt  }
0x7c: {  	_ =	shalt  }
0x7d: {  	_ =	shalt  }
0x7e: {  	_ =	shalt  }
0x7f: {  	_ =	shalt  }
0x80: {  	_ =	shalt  }
0x81: {  	_ =	shalt  }
0x82: {  	_ =	shalt  }
0x83: {  	_ =	shalt  }
0x84: {  	_ =	shalt  }
0x85: {  	_ =	shalt  }
0x86: {  	_ =	shalt  }
0x87: {  	_ =	shalt  }
.Lfunc_end0:
.L_simem_size_0:
called_computation_lowered:
.L_overlay_start_0:
0x88: {  	s2 =	sld [smem:$0x3FD9]  }
0x89: {  	s3 =	sld [smem:$0x3FFE];
	_ =	sdelay $0x1  }
0x8a: {  	s1 =	srdreg.scid  }
0x8b: {  	s0 =	sand.u32 $0x1, s1  }
0x8c: {  	s17 =	sshll.u32 s0, $0xA;
	s2 =	sadd.s32 s3, s2  }
0x8d: {  	s2 =	sadd.s32 s2, s17  }
0x8e: {  	[smem:$0x3FBC] =	sst s2  }
0x8f: {  	_ = 	snop  }
0x90: {  	s2 =	sld [smem:$0x3FD0];
	(tm) =	ssettm $0x1  }
0x91: {  	s18 =	sld [smem:$0x3FFB];
	_ =	sdelay $0x3  }
0x92: {  	_ =	strace s18  }
0x93: {  	s3 =	sld [smem:$0x3FFC];
	_ =	sdelay $0x3  }
0x94: {  	_ =	strace s3  }
0x95: {  	s3 =	sld [smem:$0x3FFD];
	_ =	sdelay $0x3  }
0x96: {  	_ =	strace s3  }
0x97: {  	_ =	strace $0x8FFFFFFF  }
0x98: {  	s19 =	sld [smem:$0x3FDB];
	_ =	sdelay $0x1  }
0x99: {  	s4 =	simm.s32 $_scs_section_size  }
0x9a: {  	s5 =	simm.s32 $_size__tile_overlayer_lowered;
	s6 =	simm.s32 $_tile_overlayer_lowered  }
0x9b: {  	s22 =	simm.s32 $0x1BFF;
	s21 =	sshll.u32 s6, $0x1;
	s3 =	sadd.s32 s4, s19  }
0x9c: {  	s7 =	simm.s32 $0x0;
	s20 =	sshll.u32 s5, $0x1;
	s5 =	sadd.s32 s21, s3  }
0x9d: {  	[timem:s7], [sflag:s22] =	dma.local [hbm:s5], s20  }
0x9e: {  	_ =	swait.ge [sflag:s22], s20  }
0x9f: {  	s4 =	ssub.s32 $0x0, s20;
	[sflag:s22] =	ssyncset.done $0x0  }
0xa0: {  	[sflag:s22] =	ssyncadd.s32 s4;
	_ =	sdelay $0x1  }
0xa1: {  	s23 =	simm.s32 $0x1B8B  }
0xa2: {  	_ =	swait.ge [sflag:s23], $0x1  }
0xa3: {  	[sflag:s23] =	ssyncset.done $0x0  }
0xa4: {  	s25 =	simm.s32 $0x1B8E;
	s24 =	sld [smem:$0x3FFE];
	[sflag:s23] =	ssyncadd.s32 $0xFFFFFFFF  }
0xa5: {  	s26 =	simm.s32 $execute0_lowered;
	[smem:$0x3FD2] =	sst s25  }
0xa6: {  	s5 =	sshll.u32 s26, $0x1;
	_ =	strace $0x80000046;
	[dreg:$0x1] =	wrdreg $0xFFFFFFFF  }
0xa7: {  	s28 =	simm.s32 $_size_execute0_lowered;
	s3 =	sadd.s32 s3, s5;
	[dreg:$0x0] =	wrdreg $0x0  }
0xa8: {  	s5 =	sshll.u32 s28, $0x1;
	[dreg:$0x2] =	wrdreg s3  }
0xa9: {  	[dreg:$0x3] =	wrdreg s5  }
0xaa: {  	[dreg:$0x4] =	wrdreg $0xC0  }
0xab: {  	_ =	task [dreg:s7], $0x5FFFF  }
0xac: {  	[dreg:$0x1] =	wrdreg $0xFFFFFFFF  }
0xad: {  	[dreg:$0x0] =	wrdreg $0x60  }
0xae: {  	[dreg:$0x2] =	wrdreg s24  }
0xaf: {  	[dreg:$0x3] =	wrdreg s2  }
0xb0: {  	[dreg:$0x4] =	wrdreg $0x163B00  }
0xb1: {  	[dreg:$0x5] =	wrdreg $0x9  }
0xb2: {  	_ =	task.clear_ibuf [dreg:s7], $0x6FFFF;
	_ =	strace $0x90000046  }
0xb3: {  	s29 =	simm.s32 $0x9;
	_ =	strace $0x80000048  }
0xb4: {  	_ =	swait.ge [sflag:s29], $0x1  }
0xb5: {  	[sflag:s29] =	ssyncadd.s32 $0xFFFFFFFF  }
0xb6: {  	_ =	strace $0x90000048  }
0xb7: {  	_ =	sfence  }
0xb8: {  	s30 =	sld [smem:$0x0];
	_ =	sdelay $0x2  }
0xb9: {  	s31 =	sshll.u32 s1, $0xD;
	s1 =	sshrl.u32 s1, $0x2  }
0xba: {  	s3 =	sand.u32 $0x4000, s31;
	s1 =	sadd.s32 s1, s30  }
0xbb: {  	s0 =	sor.u32 s3, s0;
	s1 =	sshll.u32 s1, $0x11  }
0xbc: {  	s0 =	sor.u32 s1, s0  }
0xbd: {  	s0 =	sadd.s32 $0x8F2B, s0  }
0xbe: {  	[sflag:s0] =	ssyncadd.remote.s32 $0x1  }
0xbf: {  	_ =	sfence.sel $0xFFFF  }
0xc0: {  	[dreg:$0x0] =	wrdreg $0xFFFFFFFF;
	(pc) =	sbr.abs _section_cstart, $3  }
0xc1: {  	[dreg:$0x1] =	wrdreg $0xFFFFFFFF  }
0xc2: {  	_ =	task.clear_ibuf [dreg:s7], $0x2FFFF;
	_ =	strace $0x9FFFFFFF  }
0xc3: {  	(tm) =	ssettm $0x7FFFFFFF  }
tec
execute0_lowered:
.L_overlay_start_1:
0x0: {  	(tag) =	ssettag $0x1  }
0x1: {  	s0 =	rddreg [dreg:$0x0]  }
0x2: {  	s2 =	rddreg [dreg:$0x1]  }
0x3: {  	s1 =	rddreg [dreg:$0x2]  }
0x4: {  	s4 =	srdreg.scid;
	s3 =	simm.s32 $0x0;
	s13 =	stileid.u32  }
0x5: {  	s28 =	simm.s32 $0x2;
	s29 =	simm.s32 $0x3;
	s30 =	simm.s32 $0x4  }
0x6: {  	s31 =	simm.s32 $0x5;
	s5 =	sand.u32 $0x1, s4;
	s24 =	smul.u32 $0x27100, s13  }
0x7: {  	[smem:$0x7FF] =	sst s3;
	s8 =	sadd.s32 $0xC800, s0;
	s25 =	smul.u32 $0x271, s13  }
0x8: {  	s11 =	sadd.s32 $0xCCE2, s0;
	s20 =	smul.u32 $0x13880, s13;
	s4 =	sshll.u32 s5, $0x4  }
0x9: {  	_ =	strace $0x80000047;
	s7 =	ssub.s32 $0x2, s5;
	[dreg:$0x4] =	wrdreg s8  }
0xa: {  	s8 =	sadd.s32 $0x17600, s0;
	[dreg:$0x5] =	wrdreg s11;
	s5 =	sshll.u32 s5, $0x6  }
0xb: {  	s6 =	sor.u32 s13, s4;
	s4 =	sadd.s32 $0x2A00, s0;
	s9 =	sshrl.u32 s7, $0x1  }
0xc: {  	s26 =	sshrl.u32 s24, $0x2;
	s15 =	sadd.s32 $0xFA, s25;
	s12 =	sadd.s32 $0x177, s25  }
0xd: {  	s6 =	smul.u32 $0x4E2, s6;
	s7 =	ssub.s32 s7, s9;
	s14 =	sadd.s32 s26, s1  }
0xe: {  	s18 =	sshll.u32 s15, $0x6;
	s19 =	sshll.u32 s12, $0x6;
	s9 =	sor.u32 s5, s20  }
0xf: {  	s22 =	sshll.u32 s15, $0x7;
	s23 =	sshll.u32 s12, $0x7;
	s20 =	simm.s32 $0x7530  }
0x10: {  	s15 =	simm.s32 $0xF550;
	s26 =	smax.u32 s7, $0x1;
	[dreg:$0x9] =	wrdreg s14  }
0x11: {  	s18 =	sadd.s32 s18, s1;
	s19 =	sadd.s32 s19, s1;
	[dreg:$0x14] =	wrdreg s26  }
0x12: {  	s9 =	sshrl.u32 s9, $0x3;
	s7 =	simm.s32 $0x0;
	[dreg:$0xb] =	wrdreg s18  }
0x13: {  	s10 =	sadd.s32 s6, s0;
	s6 =	sadd.s32 s2, s6;
	[dreg:$0xc] =	wrdreg s19  }
0x14: {  	s0 =	sadd.s32 $0xD1C4, s0;
	s2 =	sadd.s32 $0x1F4, s25;
	[dreg:$0x6] =	wrdreg s6  }
0x15: {  	s9 =	sadd.s32 s8, s9;
	s26 =	simm.s32 $0x1;
	[dreg:$0x8] =	wrdreg s0  }
0x16: {  	s6 =	sadd.s32 $0x9C40, s6;
	s21 =	sshll.u32 s2, $0x6;
	[dreg:$0xf] =	wrdreg s9  }
0x17: {  	s10 =	sadd.s32 $0xD800, s10;
	s2 =	sshll.u32 s2, $0x7;
	[dreg:$0x7] =	wrdreg s6  }
0x18: {  	s6 =	sadd.s32 $0x7D, s25;
	s11 =	sadd.s32 s21, s1;
	[dreg:$0xe] =	wrdreg s10  }
0x19: {  	s2 =	sor.u32 s5, s2;
	s21 =	simm.s32 $0x0;
	s17 =	sshll.u32 s6, $0x6  }
0x1a: {  	s0 =	sshll.u32 s6, $0x7;
	s6 =	sor.u32 s5, s23;
	s2 =	sshrl.u32 s2, $0x3  }
0x1b: {  	s23 =	simm.s32 $0xCD50;
	[dreg:$0xd] =	wrdreg s11;
	s0 =	sor.u32 s5, s0  }
0x1c: {  	s16 =	sadd.s32 s17, s1;
	s24 =	sshrl.u32 s6, $0x3;
	s0 =	sshrl.u32 s0, $0x3  }
0x1d: {  	s25 =	sadd.s32 s8, s2;
	s6 =	simm.s32 $0x4E20;
	s0 =	sadd.s32 s8, s0  }
0x1e: {  	s2 =	simm.s32 $0x11D50;
	[dreg:$0x10] =	wrdreg s0;
	s0 =	sor.u32 s5, s22  }
0x1f: {  	s17 =	simm.s32 $0x6;
	[dreg:$0x13] =	wrdreg s25;
	s0 =	sshrl.u32 s0, $0x3  }
0x20: {  	[dreg:$0xa] =	wrdreg s16;
	s22 =	simm.s32 $0x2710;
	s0 =	sadd.s32 s8, s0  }
0x21: {  	s5 =	simm.s32 $0x50;
	[dreg:$0x11] =	wrdreg s0;
	s0 =	sadd.s32 s8, s24  }
0x22: {  	v0 =	vimm.f32 $0.0e+00;
	s24 =	simm.s32 $0x9C40;
	s8 =	simm.s32 $0xE150;
	[dreg:$0x12] =	wrdreg s0  }
.LBB2_1:
0x23: {  	[dreg:$0x15] =	wrdreg s7  }
0x24: {  	s0 =	rddreg [dreg:$0x4]  }
0x25: {  	[tilespmem:s3], [sflag:$0x1] =	stream.linear.gather [hbm4b:s0+s3], $0x2710, $0x38;
	v63 =	vld [tilespmem:$0x0]  }
0x26: {  	s9 =	rddreg [dreg:$0x5]  }
0x27: {  	[tilespmem:s22], [sflag:$0x2] =	stream.linear.gather [hbm4b:s9+s3], $0x2710, $0x38;
	v63 =	vld [tilespmem:$0x0]  }
0x28: {  	s10 =	rddreg [dreg:$0x6]  }
0x29: {  	[tilespmem:s6], [sflag:$0x3] =	stream.linear.gather [hbm4b:s10+s3], $0x2710, $0x38;
	v63 =	vld [tilespmem:$0x0]  }
0x2a: {  	s12 =	rddreg [dreg:$0x7]  }
0x2b: {  	[tilespmem:s20], [sflag:$0x4] =	stream.linear.gather [hbm4b:s12+s3], $0x2710, $0x38;
	v63 =	vld [tilespmem:$0x0]  }
0x2c: {  	s13 =	rddreg [dreg:$0x8];
	s25 =	simm.s32 $0x163A0  }
0x2d: {  	[tilespmem:s25], [sflag:$0x5] =	stream.linear.gather [hbm4b:s13+s3], $0x10, $0x38;
	v63 =	vld [tilespmem:$0x0]  }
0x2e: {  	_ =	swait.ge [sflag:s26], $0x2710  }
0x2f: {  	[sflag:s26] =	ssyncset.done $0x0  }
0x30: {  	[sflag:s26] =	ssyncadd.s32 $0xFFFFD8F0  }
0x31: {  	_ =	swait.ge [sflag:s28], $0x2710  }
0x32: {  	[sflag:s28] =	ssyncset.done $0x0  }
0x33: {  	[sflag:s28] =	ssyncadd.s32 $0xFFFFD8F0  }
0x34: {  	_ =	swait.ge [sflag:s29], $0x2710  }
0x35: {  	[sflag:s29] =	ssyncset.done $0x0  }
0x36: {  	[sflag:s29] =	ssyncadd.s32 $0xFFFFD8F0  }
0x37: {  	_ =	swait.ge [sflag:s30], $0x2710  }
0x38: {  	[sflag:s30] =	ssyncset.done $0x0  }
0x39: {  	[sflag:s30] =	ssyncadd.s32 $0xFFFFD8F0  }
0x3a: {  	_ =	swait.ge [sflag:s31], $0x10  }
0x3b: {  	[sflag:s31] =	ssyncset.done $0x0  }
0x3c: {  	s0 =	simm.s32 $0x144E0;
	[sflag:s31] =	ssyncadd.s32 $0xFFFFFFF0  }
0x3d: {  	v1 =	vld [tilespmem:$0x163A0];
	[tilespmem:s0+$0xFFFFFF80] =	vst v0  }
0x3e: {  	[tilespmem:s0+$0x70] =	vst v0  }
0x3f: {  	[tilespmem:s0+$0x60] =	vst v0  }
0x40: {  	[tilespmem:s0+$0x50] =	vst v0  }
0x41: {  	[tilespmem:s0+$0x40] =	vst v0  }
0x42: {  	[tilespmem:s0+$0x30] =	vst v0  }
0x43: {  	[tilespmem:s0+$0x20] =	vst v0  }
0x44: {  	[tilespmem:s0+$0x10] =	vst v0  }
0x45: {  	[tilespmem:s0+$0x0] =	vst v0  }
0x46: {  	[tilespmem:s0+$0xFFFFFFF0] =	vst v0  }
0x47: {  	[tilespmem:s0+$0xFFFFFFE0] =	vst v0  }
0x48: {  	[tilespmem:s0+$0xFFFFFFD0] =	vst v0  }
0x49: {  	[tilespmem:s0+$0xFFFFFFC0] =	vst v0  }
0x4a: {  	[tilespmem:s0+$0xFFFFFFB0] =	vst v0  }
0x4b: {  	s7 =	simm.s32 $0x0;
	[tilespmem:s0+$0xFFFFFFA0] =	vst v0  }
.LBB2_2:
0x4c: {  	s7 =	sadd.s32 $0x4, s7;
	[tilespmem:s0+$0xFFFFFF90] =	vst v0;
	s0 =	sadd.s32 $0x100, s0  }
0x4d: {  	[tilespmem:s0+$0xFFFFFF80] =	vst v0;
	p0 =	slt.u32 s7, $0x78  }
0x4e: {  	[tilespmem:s0+$0x70] =	vst v0  }
0x4f: {  	[tilespmem:s0+$0x60] =	vst v0  }
0x50: {  	[tilespmem:s0+$0x50] =	vst v0  }
0x51: {  	[tilespmem:s0+$0x40] =	vst v0  }
0x52: {  	[tilespmem:s0+$0x30] =	vst v0  }
0x53: {  	[tilespmem:s0+$0x20] =	vst v0  }
0x54: {  	[tilespmem:s0+$0x10] =	vst v0  }
0x55: {  	[tilespmem:s0+$0x0] =	vst v0  }
0x56: {  	[tilespmem:s0+$0xFFFFFFF0] =	vst v0  }
.Ltmp0:
0x57: {  	[tilespmem:s0+$0xFFFFFFE0] =	vst v0;
	(pc) =	sbr.rel @p0 .LBB2_2-.Ltmp0, $4  }
0x58: {  	[tilespmem:s0+$0xFFFFFFD0] =	vst v0  }
0x59: {  	[tilespmem:s0+$0xFFFFFFC0] =	vst v0  }
0x5a: {  	[tilespmem:s0+$0xFFFFFFB0] =	vst v0  }
0x5b: {  	[tilespmem:s0+$0xFFFFFFA0] =	vst v0  }
0x5c: {  	[tilespmem:s0+$0xFFFFFF90] =	vst v0  }
0x5d: {  	[tilespmem:$0x16360] =	vst v0  }
0x5e: {  	[tilespmem:$0x16370] =	vst v0  }
0x5f: {  	[tilespmem:$0x16380] =	vst v0  }
0x60: {  	s0 =	simm.s32 $0x11D70;
	[tilespmem:$0x16390] =	vst v0  }
0x61: {  	[tilespmem:s0+$0xFFFFFFE0] =	vst v0  }
0x62: {  	[tilespmem:s0+$0x10] =	vst v0  }
0x63: {  	s7 =	simm.s32 $0x0;
	[tilespmem:s0+$0x0] =	vst v0  }
.LBB2_4:
0x64: {  	s7 =	sadd.s32 $0x4, s7  }
0x65: {  	[tilespmem:s0+$0xFFFFFFF0] =	vst v0;
	s0 =	sadd.s32 $0x40, s0;
	p0 =	slt.u32 s7, $0x26C  }
.Ltmp1:
0x66: {  	[tilespmem:s0+$0xFFFFFFE0] =	vst v0;
	(pc) =	sbr.rel @p0 .LBB2_4-.Ltmp1, $3  }
0x67: {  	_ =	sdelay $0x1  }
0x68: {  	[tilespmem:s0+$0x10] =	vst v0  }
0x69: {  	[tilespmem:s0+$0x0] =	vst v0  }
0x6a: {  	[tilespmem:s0+$0xFFFFFFF0] =	vst v0  }
0x6b: {  	s9 =	simm.s32 $0x14460;
	s7 =	simm.s32 $0x7;
	[tilespmem:$0x14450] =	vst v0  }
0x6c: {  	[spmem:s14] =	stream.linear.scatter [tilespmem:s9], [sflag:$0x7], $0x1F40, $0x38;
	v63 =	vld [tilespmem:$0x0]  }
0x6d: {  	_ =	swait.ge [sflag:s7], $0x1F40  }
0x6e: {  	[sflag:s7] =	ssyncset.done $0x0  }
0x6f: {  	[sflag:s7] =	ssyncadd.s32 $0xFFFFE0C0  }
0x70: {  	[spmem:s16] =	stream.linear.scatter [tilespmem:s9], [sflag:$0x7], $0x1F40, $0x38;
	v63 =	vld [tilespmem:$0x0]  }
0x71: {  	_ =	swait.ge [sflag:s7], $0x1F40  }
0x72: {  	[sflag:s7] =	ssyncset.done $0x0  }
0x73: {  	[sflag:s7] =	ssyncadd.s32 $0xFFFFE0C0  }
0x74: {  	[spmem:s18] =	stream.linear.scatter [tilespmem:s9], [sflag:$0x7], $0x1F40, $0x38;
	v63 =	vld [tilespmem:$0x0]  }
0x75: {  	_ =	swait.ge [sflag:s7], $0x1F40  }
0x76: {  	[sflag:s7] =	ssyncset.done $0x0  }
0x77: {  	[sflag:s7] =	ssyncadd.s32 $0xFFFFE0C0  }
0x78: {  	[spmem:s19] =	stream.linear.scatter [tilespmem:s9], [sflag:$0x7], $0x1F40, $0x38;
	v63 =	vld [tilespmem:$0x0]  }
0x79: {  	_ =	swait.ge [sflag:s7], $0x1F40  }
0x7a: {  	[sflag:s7] =	ssyncset.done $0x0  }
0x7b: {  	[sflag:s7] =	ssyncadd.s32 $0xFFFFE0C0  }
0x7c: {  	[spmem:s11] =	stream.linear.scatter [tilespmem:s9], [sflag:$0x7], $0x1F40, $0x38;
	v63 =	vld [tilespmem:$0x0]  }
0x7d: {  	_ =	swait.ge [sflag:s7], $0x1F40  }
0x7e: {  	[sflag:s7] =	ssyncset.done $0x0  }
0x7f: {  	[sflag:s7] =	ssyncadd.s32 $0xFFFFE0C0  }
0x80: {  	[bflag:$0x0] =	sbarrier.arrive $0xFFFF  }
0x81: {  	v2 =	vld [tilespmem:$0x4E20]  }
0x82: {  	v3 =	vld [tilespmem:$0x7530];
	_ =	sdelay $0x5  }
0x83: {  	s10 =	simm.s32 $0x0  }
0x84: {  	v2 =	vld.idx.msk [tilespmem:v2+s10+$0x0], $0xffff  }
0x85: {  	v4 =	vld.idx.msk [tilespmem:v3+s22+$0x0], $0xffff;
	_ =	sdelay $0x4  }
0x86: {  	v2 =	vadd.f32 v4, v2;
	_ =	sdelay $0x1  }
0x87: {  	v4 =	vmul.f32 $2.000000030e-01, v2  }
0x88: {  	vm0 =	vge.f32 v2, $0.0e+00  }
0x89: {  	v2 =	vsel vm0, v2, v4  }
0x8a: {  	v2 =	vsub.f32 v2, v1;
	_ =	sdelay $0x1  }
0x8b: {  	v2 =	vmul.f32 $1.442695020e+00, v2;
	_ =	sdelay $0x1  }
0x8c: {  	(erf) = vpow2.f32 v2;
	_ =	sdelay $0x8  }
0x8d: {  	v2 =	vpop (erf)  }
0x8e: {  	[tilespmem:$0x9C40] =	vst v2  }
0x8f: {  	[tilespmem:v3+s2+$0x0] =	vst.idx.add.f32.msk $0xffff, v2  }
0x90: {  	v2 =	vld [tilespmem:$0x4E30]  }
0x91: {  	v3 =	vld [tilespmem:$0x7540];
	_ =	sdelay $0x6  }
0x92: {  	v2 =	vld.idx.msk [tilespmem:v2+s10+$0x0], $0xffff  }
0x93: {  	v4 =	vld.idx.msk [tilespmem:v3+s22+$0x0], $0xffff;
	_ =	sdelay $0x4  }
0x94: {  	v2 =	vadd.f32 v4, v2;
	_ =	sdelay $0x1  }
0x95: {  	v4 =	vmul.f32 $2.000000030e-01, v2  }
0x96: {  	vm14 =	vge.f32 v2, $0.0e+00  }
0x97: {  	v2 =	vsel vm14, v2, v4  }
0x98: {  	v2 =	vsub.f32 v2, v1;
	_ =	sdelay $0x1  }
0x99: {  	v2 =	vmul.f32 $1.442695020e+00, v2;
	_ =	sdelay $0x1  }
0x9a: {  	(erf) = vpow2.f32 v2;
	_ =	sdelay $0x8  }
0x9b: {  	v2 =	vpop (erf)  }
0x9c: {  	[tilespmem:$0x9C50] =	vst v2  }
0x9d: {  	[tilespmem:v3+s2+$0x0] =	vst.idx.add.f32.msk $0xffff, v2  }
0x9e: {  	v2 =	vld [tilespmem:$0x4E40]  }
0x9f: {  	v3 =	vld [tilespmem:$0x7550];
	_ =	sdelay $0x6  }
0xa0: {  	v2 =	vld.idx.msk [tilespmem:v2+s10+$0x0], $0xffff  }
0xa1: {  	v4 =	vld.idx.msk [tilespmem:v3+s22+$0x0], $0xffff;
	_ =	sdelay $0x4  }
0xa2: {  	v2 =	vadd.f32 v4, v2;
	_ =	sdelay $0x1  }
0xa3: {  	v4 =	vmul.f32 $2.000000030e-01, v2  }
0xa4: {  	vm15 =	vge.f32 v2, $0.0e+00  }
0xa5: {  	v2 =	vsel vm15, v2, v4  }
0xa6: {  	v2 =	vsub.f32 v2, v1;
	_ =	sdelay $0x1  }
0xa7: {  	v2 =	vmul.f32 $1.442695020e+00, v2;
	_ =	sdelay $0x1  }
0xa8: {  	(erf) = vpow2.f32 v2;
	_ =	sdelay $0x8  }
0xa9: {  	v2 =	vpop (erf)  }
0xaa: {  	[tilespmem:$0x9C60] =	vst v2  }
0xab: {  	[tilespmem:v3+s2+$0x0] =	vst.idx.add.f32.msk $0xffff, v2  }
0xac: {  	v2 =	vld [tilespmem:$0x4E50]  }
0xad: {  	v3 =	vld [tilespmem:$0x7560];
	_ =	sdelay $0x6  }
0xae: {  	v2 =	vld.idx.msk [tilespmem:v2+s10+$0x0], $0xffff  }
0xaf: {  	v4 =	vld.idx.msk [tilespmem:v3+s22+$0x0], $0xffff;
	_ =	sdelay $0x4  }
0xb0: {  	v2 =	vadd.f32 v4, v2;
	_ =	sdelay $0x1  }
0xb1: {  	v4 =	vmul.f32 $2.000000030e-01, v2  }
0xb2: {  	vm4 =	vge.f32 v2, $0.0e+00  }
0xb3: {  	v2 =	vsel vm4, v2, v4  }
0xb4: {  	v2 =	vsub.f32 v2, v1;
	_ =	sdelay $0x1  }
0xb5: {  	v2 =	vmul.f32 $1.442695020e+00, v2;
	_ =	sdelay $0x1  }
0xb6: {  	(erf) = vpow2.f32 v2;
	_ =	sdelay $0x8  }
0xb7: {  	v2 =	vpop (erf)  }
0xb8: {  	[tilespmem:$0x9C70] =	vst v2  }
0xb9: {  	[tilespmem:v3+s2+$0x0] =	vst.idx.add.f32.msk $0xffff, v2  }
0xba: {  	v2 =	vld [tilespmem:$0x4E60]  }
0xbb: {  	v3 =	vld [tilespmem:$0x7570];
	_ =	sdelay $0x6  }
0xbc: {  	v2 =	vld.idx.msk [tilespmem:v2+s10+$0x0], $0xffff  }
0xbd: {  	v4 =	vld.idx.msk [tilespmem:v3+s22+$0x0], $0xffff;
	_ =	sdelay $0x4  }
0xbe: {  	v2 =	vadd.f32 v4, v2;
	_ =	sdelay $0x1  }
0xbf: {  	v4 =	vmul.f32 $2.000000030e-01, v2  }
0xc0: {  	vm5 =	vge.f32 v2, $0.0e+00  }
0xc1: {  	v2 =	vsel vm5, v2, v4  }
0xc2: {  	v2 =	vsub.f32 v2, v1;
	_ =	sdelay $0x1  }
0xc3: {  	v2 =	vmul.f32 $1.442695020e+00, v2;
	_ =	sdelay $0x1  }
0xc4: {  	(erf) = vpow2.f32 v2;
	_ =	sdelay $0x8  }
0xc5: {  	v2 =	vpop (erf)  }
0xc6: {  	[tilespmem:$0x9C80] =	vst v2  }
0xc7: {  	[tilespmem:v3+s2+$0x0] =	vst.idx.add.f32.msk $0xffff, v2  }
0xc8: {  	v2 =	vld [tilespmem:$0x4E70]  }
0xc9: {  	v3 =	vld [tilespmem:$0x7580];
	_ =	sdelay $0x6  }
0xca: {  	v2 =	vld.idx.msk [tilespmem:v2+s10+$0x0], $0xffff  }
0xcb: {  	v4 =	vld.idx.msk [tilespmem:v3+s22+$0x0], $0xffff;
	_ =	sdelay $0x4  }
0xcc: {  	v2 =	vadd.f32 v4, v2;
	_ =	sdelay $0x1  }
0xcd: {  	v4 =	vmul.f32 $2.000000030e-01, v2  }
0xce: {  	vm6 =	vge.f32 v2, $0.0e+00  }
0xcf: {  	v2 =	vsel vm6, v2, v4  }
0xd0: {  	v2 =	vsub.f32 v2, v1;
	_ =	sdelay $0x1  }
0xd1: {  	v2 =	vmul.f32 $1.442695020e+00, v2;
	_ =	sdelay $0x1  }
0xd2: {  	(erf) = vpow2.f32 v2;
	_ =	sdelay $0x8  }
0xd3: {  	v2 =	vpop (erf)  }
0xd4: {  	[tilespmem:$0x9C90] =	vst v2  }
0xd5: {  	[tilespmem:v3+s2+$0x0] =	vst.idx.add.f32.msk $0xffff, v2  }
0xd6: {  	v2 =	vld [tilespmem:$0x4E80]  }
0xd7: {  	v3 =	vld [tilespmem:$0x7590];
	_ =	sdelay $0x6  }
0xd8: {  	v2 =	vld.idx.msk [tilespmem:v2+s10+$0x0], $0xffff  }
0xd9: {  	v4 =	vld.idx.msk [tilespmem:v3+s22+$0x0], $0xffff;
	_ =	sdelay $0x4  }
0xda: {  	v2 =	vadd.f32 v4, v2;
	_ =	sdelay $0x1  }
0xdb: {  	v4 =	vmul.f32 $2.000000030e-01, v2  }
0xdc: {  	vm7 =	vge.f32 v2, $0.0e+00  }
0xdd: {  	v2 =	vsel vm7, v2, v4  }
0xde: {  	v2 =	vsub.f32 v2, v1;
	_ =	sdelay $0x1  }
0xdf: {  	v2 =	vmul.f32 $1.442695020e+00, v2;
	_ =	sdelay $0x1  }
0xe0: {  	(erf) = vpow2.f32 v2;
	_ =	sdelay $0x8  }
0xe1: {  	v2 =	vpop (erf)  }
0xe2: {  	[tilespmem:$0x9CA0] =	vst v2  }
0xe3: {  	[tilespmem:v3+s2+$0x0] =	vst.idx.add.f32.msk $0xffff, v2  }
0xe4: {  	v2 =	vld [tilespmem:$0x4E90]  }
0xe5: {  	v3 =	vld [tilespmem:$0x75A0];
	_ =	sdelay $0x6  }
0xe6: {  	v2 =	vld.idx.msk [tilespmem:v2+s10+$0x0], $0xffff  }
0xe7: {  	v4 =	vld.idx.msk [tilespmem:v3+s22+$0x0], $0xffff;
	_ =	sdelay $0x4  }
0xe8: {  	v2 =	vadd.f32 v4, v2;
	_ =	sdelay $0x1  }
0xe9: {  	v4 =	vmul.f32 $2.000000030e-01, v2  }
0xea: {  	vm8 =	vge.f32 v2, $0.0e+00  }
0xeb: {  	v2 =	vsel vm8, v2, v4  }
0xec: {  	v2 =	vsub.f32 v2, v1;
	_ =	sdelay $0x1  }
0xed: {  	v2 =	vmul.f32 $1.442695020e+00, v2;
	_ =	sdelay $0x1  }
0xee: {  	(erf) = vpow2.f32 v2;
	_ =	sdelay $0x8  }
0xef: {  	v2 =	vpop (erf)  }
0xf0: {  	[tilespmem:$0x9CB0] =	vst v2  }
0xf1: {  	[tilespmem:v3+s2+$0x0] =	vst.idx.add.f32.msk $0xffff, v2  }
0xf2: {  	v2 =	vld [tilespmem:$0x4EA0]  }
0xf3: {  	v3 =	vld [tilespmem:$0x75B0];
	_ =	sdelay $0x6  }
0xf4: {  	v2 =	vld.idx.msk [tilespmem:v2+s10+$0x0], $0xffff  }
0xf5: {  	v4 =	vld.idx.msk [tilespmem:v3+s22+$0x0], $0xffff;
	_ =	sdelay $0x4  }
0xf6: {  	v2 =	vadd.f32 v4, v2;
	_ =	sdelay $0x1  }
0xf7: {  	v4 =	vmul.f32 $2.000000030e-01, v2  }
0xf8: {  	vm9 =	vge.f32 v2, $0.0e+00  }
0xf9: {  	v2 =	vsel vm9, v2, v4  }
0xfa: {  	v2 =	vsub.f32 v2, v1;
	_ =	sdelay $0x1  }
0xfb: {  	v2 =	vmul.f32 $1.442695020e+00, v2;
	_ =	sdelay $0x1  }
0xfc: {  	(erf) = vpow2.f32 v2;
	_ =	sdelay $0x8  }
0xfd: {  	v2 =	vpop (erf)  }
0xfe: {  	[tilespmem:$0x9CC0] =	vst v2  }
0xff: {  	[tilespmem:v3+s2+$0x0] =	vst.idx.add.f32.msk $0xffff, v2  }
0x100: {  	v2 =	vld [tilespmem:$0x4EB0]  }
0x101: {  	v3 =	vld [tilespmem:$0x75C0];
	_ =	sdelay $0x6  }
0x102: {  	v2 =	vld.idx.msk [tilespmem:v2+s10+$0x0], $0xffff  }
0x103: {  	v4 =	vld.idx.msk [tilespmem:v3+s22+$0x0], $0xffff;
	_ =	sdelay $0x4  }
0x104: {  	v2 =	vadd.f32 v4, v2;
	_ =	sdelay $0x1  }
0x105: {  	v4 =	vmul.f32 $2.000000030e-01, v2  }
0x106: {  	vm10 =	vge.f32 v2, $0.0e+00  }
0x107: {  	v2 =	vsel vm10, v2, v4  }
0x108: {  	v2 =	vsub.f32 v2, v1;
	_ =	sdelay $0x1  }
0x109: {  	v2 =	vmul.f32 $1.442695020e+00, v2;
	_ =	sdelay $0x1  }
0x10a: {  	(erf) = vpow2.f32 v2;
	_ =	sdelay $0x8  }
0x10b: {  	v2 =	vpop (erf)  }
0x10c: {  	[tilespmem:$0x9CD0] =	vst v2  }
0x10d: {  	s11 =	simm.s32 $0xC350;
	[tilespmem:v3+s2+$0x0] =	vst.idx.add.f32.msk $0xffff, v2  }
0x10e: {  	[tilespmem:s11], [sflag:$0x1] =	stream.indirect.gather [hbm4b:s4+s5], $0x20, s6, s5, $0xb8;
	v63 =	vld [tilespmem:$0x0]  }
0x10f: {  	s12 =	simm.s32 $0x4E70  }
0x110: {  	[tilespmem:s23], [sflag:$0x2] =	stream.indirect.gather [hbm4b:s4+s5], $0x20, s12, s5, $0xb8;
	v63 =	vld [tilespmem:$0x0]  }
0x111: {  	v2 =	vld [tilespmem:$0x4EC0]  }
0x112: {  	v3 =	vld [tilespmem:$0x75D0];
	_ =	sdelay $0x6  }
0x113: {  	v2 =	vld.idx.msk [tilespmem:v2+s10+$0x0], $0xffff  }
0x114: {  	v4 =	vld.idx.msk [tilespmem:v3+s22+$0x0], $0xffff;
	_ =	sdelay $0x4  }
0x115: {  	v2 =	vadd.f32 v4, v2;
	_ =	sdelay $0x1  }
0x116: {  	v4 =	vmul.f32 $2.000000030e-01, v2  }
0x117: {  	vm11 =	vge.f32 v2, $0.0e+00  }
0x118: {  	v2 =	vsel vm11, v2, v4  }
0x119: {  	v2 =	vsub.f32 v2, v1;
	_ =	sdelay $0x1  }
0x11a: {  	v2 =	vmul.f32 $1.442695020e+00, v2;
	_ =	sdelay $0x1  }
0x11b: {  	(erf) = vpow2.f32 v2;
	_ =	sdelay $0x8  }
0x11c: {  	v2 =	vpop (erf)  }
0x11d: {  	[tilespmem:$0x9CE0] =	vst v2  }
0x11e: {  	[tilespmem:v3+s2+$0x0] =	vst.idx.add.f32.msk $0xffff, v2  }
0x11f: {  	v2 =	vld [tilespmem:$0x4ED0]  }
0x120: {  	v3 =	vld [tilespmem:$0x75E0];
	_ =	sdelay $0x6  }
0x121: {  	v2 =	vld.idx.msk [tilespmem:v2+s10+$0x0], $0xffff  }
0x122: {  	v4 =	vld.idx.msk [tilespmem:v3+s22+$0x0], $0xffff;
	_ =	sdelay $0x4  }
0x123: {  	v2 =	vadd.f32 v4, v2;
	_ =	sdelay $0x1  }
0x124: {  	v4 =	vmul.f32 $2.000000030e-01, v2  }
0x125: {  	vm12 =	vge.f32 v2, $0.0e+00  }
0x126: {  	v2 =	vsel vm12, v2, v4  }
0x127: {  	v2 =	vsub.f32 v2, v1;
	_ =	sdelay $0x1  }
0x128: {  	v2 =	vmul.f32 $1.442695020e+00, v2;
	_ =	sdelay $0x1  }
0x129: {  	(erf) = vpow2.f32 v2;
	_ =	sdelay $0x8  }
0x12a: {  	v2 =	vpop (erf)  }
0x12b: {  	[tilespmem:$0x9CF0] =	vst v2  }
0x12c: {  	[tilespmem:v3+s2+$0x0] =	vst.idx.add.f32.msk $0xffff, v2  }
0x12d: {  	v2 =	vld [tilespmem:$0x4EE0]  }
0x12e: {  	v3 =	vld [tilespmem:$0x75F0];
	_ =	sdelay $0x6  }
0x12f: {  	v2 =	vld.idx.msk [tilespmem:v2+s10+$0x0], $0xffff  }
0x130: {  	v4 =	vld.idx.msk [tilespmem:v3+s22+$0x0], $0xffff;
	_ =	sdelay $0x4  }
0x131: {  	v2 =	vadd.f32 v4, v2;
	_ =	sdelay $0x1  }
0x132: {  	v4 =	vmul.f32 $2.000000030e-01, v2  }
0x133: {  	vm13 =	vge.f32 v2, $0.0e+00  }
0x134: {  	v2 =	vsel vm13, v2, v4  }
0x135: {  	v2 =	vsub.f32 v2, v1;
	_ =	sdelay $0x1  }
0x136: {  	v2 =	vmul.f32 $1.442695020e+00, v2;
	_ =	sdelay $0x1  }
0x137: {  	(erf) = vpow2.f32 v2;
	_ =	sdelay $0x8  }
0x138: {  	v2 =	vpop (erf)  }
0x139: {  	[tilespmem:$0x9D00] =	vst v2  }
0x13a: {  	[tilespmem:v3+s2+$0x0] =	vst.idx.add.f32.msk $0xffff, v2  }
0x13b: {  	v2 =	vld [tilespmem:$0x4EF0]  }
0x13c: {  	v3 =	vld [tilespmem:$0x7600];
	_ =	sdelay $0x6  }
0x13d: {  	v2 =	vld.idx.msk [tilespmem:v2+s10+$0x0], $0xffff  }
0x13e: {  	v4 =	vld.idx.msk [tilespmem:v3+s22+$0x0], $0xffff;
	_ =	sdelay $0x4  }
0x13f: {  	v2 =	vadd.f32 v4, v2;
	_ =	sdelay $0x1  }
0x140: {  	v4 =	vmul.f32 $2.000000030e-01, v2  }
0x141: {  	vm14 =	vge.f32 v2, $0.0e+00  }
0x142: {  	v2 =	vsel vm14, v2, v4  }
0x143: {  	v2 =	vsub.f32 v2, v1;
	_ =	sdelay $0x1  }
0x144: {  	v2 =	vmul.f32 $1.442695020e+00, v2;
	_ =	sdelay $0x1  }
0x145: {  	(erf) = vpow2.f32 v2;
	_ =	sdelay $0x8  }
0x146: {  	v2 =	vpop (erf)  }
0x147: {  	[tilespmem:$0x9D10] =	vst v2  }
0x148: {  	[tilespmem:v3+s2+$0x0] =	vst.idx.add.f32.msk $0xffff, v2  }
0x149: {  	v2 =	vld [tilespmem:$0x4F00]  }
0x14a: {  	v3 =	vld [tilespmem:$0x7610];
	_ =	sdelay $0x6  }
0x14b: {  	v2 =	vld.idx.msk [tilespmem:v2+s10+$0x0], $0xffff  }
0x14c: {  	v4 =	vld.idx.msk [tilespmem:v3+s22+$0x0], $0xffff;
	_ =	sdelay $0x4  }
0x14d: {  	v2 =	vadd.f32 v4, v2;
	_ =	sdelay $0x1  }
0x14e: {  	v4 =	vmul.f32 $2.000000030e-01, v2  }
0x14f: {  	vm15 =	vge.f32 v2, $0.0e+00  }
0x150: {  	v2 =	vsel vm15, v2, v4  }
0x151: {  	v2 =	vsub.f32 v2, v1;
	_ =	sdelay $0x1  }
0x152: {  	v2 =	vmul.f32 $1.442695020e+00, v2;
	_ =	sdelay $0x1  }
0x153: {  	(erf) = vpow2.f32 v2;
	_ =	sdelay $0x6  }
0x154: {  	s13 =	simm.s32 $0x2  }
0x155: {  	v2 =	vmov s13  }
0x156: {  	s14 =	simm.s32 $0x1;
	v2 =	vand.u32 $0xFFFFFFFE, v2;
	v4 =	vpop (erf)  }
0x157: {  	v5 =	vmov s14;
	v2 =	vbroadcast v2, $0x0;
	[tilespmem:$0x9D20] =	vst v4  }
0x158: {  	[tilespmem:v3+s2+$0x0] =	vst.idx.add.f32.msk $0xffff, v4;
	v3 =	vand.u32 $0xFFFFFFFD, v5  }
0x159: {  	_ =	swait.ge [sflag:s26], $0xA00;
	v3 =	vbroadcast v3, $0x0  }
0x15a: {  	[sflag:s26] =	ssyncset.done $0x0  }
0x15b: {  	s9 =	simm.s32 $0xC390;
	[sflag:s26] =	ssyncadd.s32 $0xFFFFF600  }
0x15c: {  	s18 =	simm.s32 $0x3;
	v4 =	vmov s10;
	v5 =	vld [tilespmem:s9+$0x0]  }
0x15d: {  	v7 =	vmov s18;
	v4 =	vand.u32 $0xFFFFFFFC, v4;
	v6 =	vld.idx.msk [tilespmem:v2+s24+$0x0], $0xffff  }
0x15e: {  	v4 =	vbroadcast v4, $0x0;
	v2 =	vld [tilespmem:s9+$0xFFFFFFE0]  }
0x15f: {  	s16 =	simm.s32 $0x4;
	v3 =	vld.idx.msk [tilespmem:v3+s24+$0x0], $0xffff  }
0x160: {  	v8 =	vmov s16  }
0x161: {  	v8 =	vand.u32 $0xFFFFFFFC, v8;
	v13 =	vld [tilespmem:s9+$0x20];
	v9 =	vunpack.i.l.bf16.f32 v5  }
0x162: {  	v8 =	vbroadcast v8, $0x0;
	s19 =	simm.s32 $0x6;
	v7 =	vld.idx.msk [tilespmem:v7+s24+$0x0], $0xffff;
	v5 =	vunpack.i.u.bf16.f32 v5;
	v9 =	vmul.f32 v9, v6  }
0x163: {  	v11 =	vmov s19;
	s7 =	simm.s32 $0xE1D0;
	v10 =	vld [tilespmem:s9+$0xFFFFFFC0];
	v12 =	vunpack.i.l.bf16.f32 v2;
	v5 =	vmul.f32 v5, v6  }
0x164: {  	s25 =	simm.s32 $0x5;
	v11 =	vand.u32 $0xFFFFFFFE, v11;
	v4 =	vld.idx.msk [tilespmem:v4+s24+$0x0], $0xffff;
	v2 =	vunpack.i.u.bf16.f32 v2;
	[tilespmem:s7+$0x0] =	vst v9;
	v9 =	vmul.f32 v12, v3  }
0x165: {  	v11 =	vbroadcast v11, $0x0;
	v12 =	vmov s25;
	[tilespmem:s7+$0x10] =	vst v5;
	v2 =	vmul.f32 v2, v3  }
0x166: {  	v14 =	vunpack.i.l.bf16.f32 v13;
	v5 =	vand.u32 $0xFFFFFFFD, v12;
	v12 =	vld [tilespmem:s9+$0x10];
	[tilespmem:s7+$0xFFFFFFC0] =	vst v9  }
0x167: {  	v14 =	vmul.f32 v14, v7;
	[tilespmem:s7+$0xFFFFFFD0] =	vst v2  }
0x168: {  	s6 =	simm.s32 $0xC410;
	v5 =	vbroadcast v5, $0x0;
	v9 =	vunpack.i.l.bf16.f32 v10;
	v2 =	vunpack.i.u.bf16.f32 v10;
	v10 =	vld [tilespmem:s9+$0xFFFFFFF0]  }
0x169: {  	v16 =	vld [tilespmem:s6+$0x0];
	v9 =	vmul.f32 v9, v4  }
0x16a: {  	v13 =	vunpack.i.u.bf16.f32 v13;
	[tilespmem:s7+$0x40] =	vst v14;
	v15 =	vmul.f32 v2, v4;
	v2 =	vld.idx.msk [tilespmem:v8+s24+$0x0], $0xffff  }
0x16b: {  	v8 =	vmul.f32 v13, v7;
	[tilespmem:s7+$0xFFFFFF80] =	vst v9;
	v9 =	vld.idx.msk [tilespmem:v11+s24+$0x0], $0xffff;
	v11 =	vunpack.i.u.bf16.f32 v12;
	v12 =	vunpack.i.l.bf16.f32 v12  }
0x16c: {  	s10 =	simm.s32 $0x7;
	v13 =	vld [tilespmem:s6+$0xFFFFFFE0];
	[tilespmem:s7+$0xFFFFFF90] =	vst v15;
	v12 =	vmul.f32 v12, v6;
	v6 =	vmul.f32 v11, v6  }
0x16d: {  	s13 =	simm.s32 $0x8;
	[tilespmem:s7+$0x50] =	vst v8;
	v15 =	vld [tilespmem:s6+$0xFFFFFFC0];
	v11 =	vmov s10;
	v8 =	vunpack.i.u.bf16.f32 v10;
	v10 =	vunpack.i.l.bf16.f32 v10  }
0x16e: {  	s14 =	simm.s32 $0x9;
	v17 =	vunpack.i.l.bf16.f32 v16;
	v14 =	vld.idx.msk [tilespmem:v5+s24+$0x0], $0xffff;
	v5 =	vmov s13;
	[tilespmem:s7+$0x30] =	vst v6;
	v10 =	vmul.f32 v10, v3  }
0x16f: {  	v6 =	vmov s14;
	v8 =	vmul.f32 v8, v3;
	[tilespmem:s7+$0x20] =	vst v12;
	v3 =	vunpack.i.u.bf16.f32 v16  }
0x170: {  	s16 =	simm.s32 $0xA;
	v18 =	vld [tilespmem:s6+$0x20];
	v5 =	vand.u32 $0xFFFFFFFC, v5;
	v12 =	vmul.f32 v17, v9;
	v6 =	vand.u32 $0xFFFFFFFD, v6;
	[tilespmem:s7+$0xFFFFFFE0] =	vst v10  }
0x171: {  	s10 =	simm.s32 $0xE2D0;
	v16 =	vld [tilespmem:s9+$0xFFFFFFD0];
	v17 =	vbroadcast v5, $0x0;
	v5 =	vmov s16;
	v10 =	vmul.f32 v3, v9;
	[tilespmem:s7+$0xFFFFFFF0] =	vst v8  }
0x172: {  	v5 =	vand.u32 $0xFFFFFFFE, v5;
	v8 =	vunpack.i.l.bf16.f32 v15;
	v3 =	vld.idx.msk [tilespmem:v11+s24+$0x0], $0xffff;
	v11 =	vunpack.i.l.bf16.f32 v13;
	[tilespmem:s10+$0x0] =	vst v12  }
0x173: {  	v6 =	vbroadcast v6, $0x0;
	v12 =	vld [tilespmem:s9+$0x30];
	v13 =	vunpack.i.u.bf16.f32 v13;
	v11 =	vmul.f32 v11, v14;
	[tilespmem:s10+$0x10] =	vst v10  }
0x174: {  	v15 =	vunpack.i.u.bf16.f32 v15;
	v5 =	vbroadcast v5, $0x0;
	v10 =	vmul.f32 v13, v14;
	v13 =	vld [tilespmem:s6+$0x10]  }
0x175: {  	v8 =	vmul.f32 v8, v2;
	v15 =	vmul.f32 v15, v2;
	[tilespmem:s10+$0xFFFFFFC0] =	vst v11  }
0x176: {  	v11 =	vunpack.i.u.bf16.f32 v18;
	[tilespmem:s10+$0xFFFFFFD0] =	vst v10;
	v10 =	vunpack.i.u.bf16.f32 v16;
	v16 =	vunpack.i.l.bf16.f32 v16  }
0x177: {  	s12 =	simm.s32 $0xC490;
	[tilespmem:s10+$0xFFFFFF80] =	vst v8;
	v18 =	vunpack.i.l.bf16.f32 v18;
	v19 =	vld [tilespmem:s6+$0xFFFFFFF0];
	v16 =	vmul.f32 v16, v4;
	v10 =	vmul.f32 v10, v4  }
0x178: {  	v21 =	vld [tilespmem:s12+$0xFFFFFFE0];
	[tilespmem:s10+$0xFFFFFF90] =	vst v15;
	v18 =	vmul.f32 v18, v3;
	v8 =	vmul.f32 v11, v3  }
0x179: {  	v15 =	vld [tilespmem:s12+$0x0];
	v11 =	vunpack.i.u.bf16.f32 v12;
	v4 =	vunpack.i.l.bf16.f32 v12;
	[tilespmem:s7+$0xFFFFFFA0] =	vst v16;
	v12 =	vunpack.i.u.bf16.f32 v13  }
0x17a: {  	s18 =	simm.s32 $0xB;
	v20 =	vmul.f32 v4, v7;
	v5 =	vld.idx.msk [tilespmem:v5+s24+$0x0], $0xffff;
	[tilespmem:s10+$0x40] =	vst v18;
	v4 =	vunpack.i.l.bf16.f32 v13;
	v12 =	vmul.f32 v12, v9  }
0x17b: {  	s13 =	simm.s32 $0xC;
	v16 =	vmov s18;
	[tilespmem:s10+$0x50] =	vst v8;
	v18 =	vld [tilespmem:s12+$0xFFFFFFC0];
	v4 =	vmul.f32 v4, v9  }
0x17c: {  	s19 =	simm.s32 $0xD;
	v8 =	vmul.f32 v11, v7;
	v7 =	vmov s13;
	v13 =	vld [tilespmem:s12+$0x20];
	v9 =	vunpack.i.l.bf16.f32 v19;
	[tilespmem:s10+$0x30] =	vst v12  }
0x17d: {  	v11 =	vunpack.i.u.bf16.f32 v19;
	v12 =	vmov s19;
	v19 =	vmul.f32 v9, v14;
	[tilespmem:s10+$0x20] =	vst v4;
	v4 =	vld.idx.msk [tilespmem:v17+s24+$0x0], $0xffff  }
0x17e: {  	[tilespmem:s7+$0xFFFFFFB0] =	vst v10;
	v17 =	vmul.f32 v11, v14;
	v9 =	vand.u32 $0xFFFFFFFC, v7;
	v7 =	vld.idx.msk [tilespmem:v6+s24+$0x0], $0xffff;
	v12 =	vand.u32 $0xFFFFFFFD, v12  }
0x17f: {  	[tilespmem:s7+$0x60] =	vst v20;
	v6 =	vunpack.i.l.bf16.f32 v15;
	v11 =	vbroadcast v9, $0x0;
	v9 =	vbroadcast v12, $0x0;
	v12 =	vld [tilespmem:s6+$0xFFFFFFD0]  }
0x180: {  	v10 =	vld [tilespmem:s6+$0x30];
	v20 =	vunpack.i.l.bf16.f32 v21;
	v22 =	vmul.f32 v6, v5;
	[tilespmem:s10+$0xFFFFFFE0] =	vst v19;
	v19 =	vunpack.i.u.bf16.f32 v15  }
0x181: {  	s0 =	simm.s32 $0xE3D0;
	s25 =	simm.s32 $0xE;
	v6 =	vld.idx.msk [tilespmem:v16+s24+$0x0], $0xffff;
	v14 =	vunpack.i.u.bf16.f32 v18;
	[tilespmem:s10+$0xFFFFFFF0] =	vst v17;
	v15 =	vunpack.i.l.bf16.f32 v18;
	v18 =	vmul.f32 v19, v5  }
0x182: {  	s11 =	simm.s32 $0xC490;
	s9 =	simm.s32 $0x10;
	v17 =	vunpack.i.u.bf16.f32 v21;
	v16 =	vunpack.i.u.bf16.f32 v13;
	v19 =	vmov s25;
	[tilespmem:s0+$0x0] =	vst v22  }
.LBB2_6:
0x183: {  	p0 =	slt.u32 s9, $0x4C;
	v19 =	vand.u32 $0xFFFFFFFE, v19;
	v20 =	vmul.f32 v20, v7;
	[tilespmem:s0+$0x10] =	vst v18;
	v13 =	vunpack.i.l.bf16.f32 v13  }
0x184: {  	v17 =	vmul.f32 v17, v7;
	v21 =	vunpack.i.u.bf16.f32 v12;
	v18 =	vbroadcast v19, $0x0;
	v19 =	vld [tilespmem:s12+$0x10];
	[tilespmem:s7+$0x70] =	vst v8;
	s7 =	smov.u32 s10;
	s10 =	smov.u32 s0  }
0x185: {  	v14 =	vmul.f32 v14, v4;
	v12 =	vunpack.i.l.bf16.f32 v12;
	v8 =	vmul.f32 v15, v4;
	[tilespmem:s0+$0xFFFFFFC0] =	vst v20  }
0x186: {  	v13 =	vmul.f32 v13, v6;
	v15 =	vmul.f32 v16, v6;
	v16 =	vunpack.i.u.bf16.f32 v10;
	v11 =	vld.idx.msk [tilespmem:v11+s24+$0x0], $0xffff;
	[tilespmem:s0+$0xFFFFFFD0] =	vst v17  }
0x187: {  	v12 =	vmul.f32 v12, v2;
	v20 =	vmul.f32 v21, v2;
	v2 =	vmovc v4;
	[tilespmem:s0+$0xFFFFFF80] =	vst v8;
	v17 =	vld [tilespmem:s12+$0xFFFFFFF0];
	v8 =	vunpack.i.l.bf16.f32 v10  }
0x188: {  	s12 =	sadd.s32 $0x80, s12;
	v9 =	vld.idx.msk [tilespmem:v9+s24+$0x0], $0xffff;
	[tilespmem:s0+$0xFFFFFF90] =	vst v14;
	v21 =	vmul.f32 v8, v3;
	v8 =	vmul.f32 v16, v3;
	v3 =	vmov v6  }
0x189: {  	v6 =	vld [tilespmem:s12+$0x0];
	v4 =	vunpack.i.u.bf16.f32 v19;
	v10 =	vunpack.i.l.bf16.f32 v19;
	[tilespmem:s0+$0x40] =	vst v13  }
0x18a: {  	s14 =	sadd.s32 $0x3, s13;
	s13 =	smov.u32 s9;
	v10 =	vmul.f32 v10, v5;
	v13 =	vmul.f32 v4, v5;
	v5 =	vld.idx.msk [tilespmem:v18+s24+$0x0], $0xffff;
	[tilespmem:s0+$0x50] =	vst v15  }
0x18b: {  	v16 =	vmov s14;
	v15 =	vld [tilespmem:s12+$0xFFFFFFC0];
	[tilespmem:s7+$0xFFFFFFA0] =	vst v12  }
0x18c: {  	s14 =	sadd.s32 $0x1, s9;
	v12 =	vmov s9;
	v22 =	vld [tilespmem:s12+$0xFFFFFFE0];
	v14 =	vunpack.i.u.bf16.f32 v17;
	v17 =	vunpack.i.l.bf16.f32 v17;
	[tilespmem:s0+$0x30] =	vst v13;
	v4 =	vmovc v11  }
0x18d: {  	v11 =	vmov s14;
	v13 =	vld [tilespmem:s12+$0x20];
	v17 =	vmul.f32 v17, v7;
	v18 =	vmul.f32 v14, v7;
	[tilespmem:s0+$0x20] =	vst v10  }
.Ltmp2:
0x18e: {  	v10 =	vand.u32 $0xFFFFFFFC, v12;
	v14 =	vand.u32 $0xFFFFFFFD, v11;
	v7 =	vmov v9;
	v12 =	vld [tilespmem:s11+$0xFFFFFFD0];
	[tilespmem:s7+$0xFFFFFFB0] =	vst v20;
	(pc) =	sbr.rel @p0 .LBB2_6-.Ltmp2, $4  }
0x18f: {  	v11 =	vbroadcast v10, $0x0;
	v9 =	vbroadcast v14, $0x0;
	v19 =	vunpack.i.l.bf16.f32 v6;
	[tilespmem:s0+$0xFFFFFFE0] =	vst v17;
	v10 =	vld [tilespmem:s11+$0x30];
	s11 =	smov.u32 s12  }
0x190: {  	v20 =	vunpack.i.u.bf16.f32 v6;
	v23 =	vmul.f32 v19, v5;
	v14 =	vunpack.i.u.bf16.f32 v15;
	v6 =	vld.idx.msk [tilespmem:v16+s24+$0x0], $0xffff;
	[tilespmem:s0+$0xFFFFFFF0] =	vst v18  }
0x191: {  	s14 =	sadd.s32 $0x2, s9;
	v15 =	vunpack.i.l.bf16.f32 v15;
	v18 =	vmul.f32 v20, v5;
	s0 =	sadd.s32 $0x100, s0;
	v17 =	vunpack.i.u.bf16.f32 v22;
	[tilespmem:s7+$0x60] =	vst v21  }
0x192: {  	s9 =	sadd.s32 $0x4, s9;
	v19 =	vmov s14;
	v20 =	vunpack.i.l.bf16.f32 v22;
	[tilespmem:s0+$0x0] =	vst v23;
	v16 =	vunpack.i.u.bf16.f32 v13  }
0x193: {  	v20 =	vmul.f32 v20, v7;
	[tilespmem:s0+$0x10] =	vst v18  }
0x194: {  	v17 =	vmul.f32 v17, v7;
	[tilespmem:s7+$0x70] =	vst v8  }
0x195: {  	v15 =	vmul.f32 v15, v4;
	[tilespmem:s0+$0xFFFFFFC0] =	vst v20  }
0x196: {  	v14 =	vmul.f32 v14, v4;
	v23 =	vunpack.i.l.bf16.f32 v12;
	[tilespmem:s0+$0xFFFFFFD0] =	vst v17  }
0x197: {  	v28 =	vunpack.i.u.bf16.f32 v12;
	v62 =	vld [tilespmem:s12+$0x10];
	v24 =	vmul.f32 v23, v2;
	[tilespmem:s0+$0xFFFFFF80] =	vst v15  }
0x198: {  	v13 =	vunpack.i.l.bf16.f32 v13;
	s18 =	sadd.s32 $0x80, s12;
	v9 =	vld.idx.msk [tilespmem:v9+s24+$0x0], $0xffff;
	v2 =	vmul.f32 v28, v2;
	[tilespmem:s0+$0xFFFFFF90] =	vst v14  }
0x199: {  	v32 =	vld [tilespmem:s18+$0xFFFFFFE0];
	v33 =	vunpack.i.l.bf16.f32 v10;
	v13 =	vmul.f32 v13, v6;
	[tilespmem:s10+$0xFFFFFFA0] =	vst v24  }
0x19a: {  	v35 =	vld [tilespmem:s18+$0xFFFFFFC0];
	[tilespmem:s10+$0xFFFFFFB0] =	vst v2;
	v2 =	vmul.f32 v33, v3  }
0x19b: {  	v61 =	vand.u32 $0xFFFFFFFE, v19;
	s9 =	sadd.s32 $0x3, s13;
	v11 =	vld.idx.msk [tilespmem:v11+s24+$0x0], $0xffff;
	v39 =	vunpack.i.u.bf16.f32 v10;
	v16 =	vmul.f32 v16, v6;
	[tilespmem:s0+$0x40] =	vst v13  }
0x19c: {  	v31 =	vmov s9;
	v22 =	vld [tilespmem:s12+$0xFFFFFFF0];
	[tilespmem:s10+$0x60] =	vst v2;
	v2 =	vmul.f32 v39, v3;
	v25 =	vunpack.i.u.bf16.f32 v62  }
0x19d: {  	v21 =	vbroadcast v61, $0x0;
	[tilespmem:s0+$0x50] =	vst v16;
	v27 =	vunpack.i.l.bf16.f32 v62;
	v17 =	vmul.f32 v25, v5  }
0x19e: {  	v43 =	vunpack.i.u.bf16.f32 v32;
	v29 =	vmul.f32 v27, v5;
	[tilespmem:s10+$0x70] =	vst v2  }
0x19f: {  	v42 =	vld [tilespmem:s11+$0xFFFFFFD0];
	v44 =	vunpack.i.l.bf16.f32 v35;
	v14 =	vmul.f32 v43, v9;
	[tilespmem:s0+$0x30] =	vst v17  }
0x1a0: {  	s19 =	sadd.s32 $0x100, s0;
	v40 =	vld [tilespmem:s18+$0x20];
	v2 =	vunpack.i.u.bf16.f32 v35;
	v46 =	vmul.f32 v44, v11;
	[tilespmem:s0+$0x20] =	vst v29  }
0x1a1: {  	v3 =	vld.idx.msk [tilespmem:v31+s24+$0x0], $0xffff;
	v30 =	vunpack.i.l.bf16.f32 v22;
	v2 =	vmul.f32 v2, v11;
	[tilespmem:s19+$0xFFFFFFD0] =	vst v14  }
0x1a2: {  	v26 =	vld [tilespmem:s18+$0x0];
	v15 =	vunpack.i.u.bf16.f32 v22;
	v12 =	vmul.f32 v30, v7;
	[tilespmem:s19+$0xFFFFFF80] =	vst v46  }
0x1a3: {  	v41 =	vunpack.i.l.bf16.f32 v32;
	v8 =	vld.idx.msk [tilespmem:v21+s24+$0x0], $0xffff;
	v34 =	vmul.f32 v15, v7;
	[tilespmem:s19+$0xFFFFFF90] =	vst v2  }
0x1a4: {  	v52 =	vunpack.i.u.bf16.f32 v42;
	v7 =	vmul.f32 v41, v9;
	[tilespmem:s0+$0xFFFFFFE0] =	vst v12  }
0x1a5: {  	v47 =	vunpack.i.l.bf16.f32 v40;
	v54 =	vmul.f32 v52, v4;
	v2 =	vld [tilespmem:s11+$0x30];
	[tilespmem:s0+$0xFFFFFFF0] =	vst v34  }
0x1a6: {  	v10 =	vunpack.i.u.bf16.f32 v40;
	[tilespmem:s19+$0xFFFFFFC0] =	vst v7;
	v7 =	vmul.f32 v47, v3  }
0x1a7: {  	v37 =	vunpack.i.u.bf16.f32 v26;
	v10 =	vmul.f32 v10, v3;
	[tilespmem:s0+$0xFFFFFFB0] =	vst v54;
	v48 =	vld [tilespmem:s18+$0xFFFFFFF0]  }
0x1a8: {  	v36 =	vunpack.i.l.bf16.f32 v26;
	v12 =	vmul.f32 v37, v8;
	[tilespmem:s19+$0x40] =	vst v7  }
0x1a9: {  	v49 =	vunpack.i.l.bf16.f32 v42;
	v53 =	vld [tilespmem:s18+$0xFFFFFFD0];
	v38 =	vmul.f32 v36, v8;
	[tilespmem:s19+$0x50] =	vst v10  }
0x1aa: {  	[tilespmem:s19+$0x10] =	vst v12;
	v12 =	vmul.f32 v49, v4;
	v57 =	vunpack.i.l.bf16.f32 v2  }
0x1ab: {  	[tilespmem:s19+$0x0] =	vst v38;
	v56 =	vld [tilespmem:s18+$0x30];
	v2 =	vunpack.i.u.bf16.f32 v2;
	v58 =	vmul.f32 v57, v6  }
0x1ac: {  	[tilespmem:s0+$0xFFFFFFA0] =	vst v12;
	v2 =	vmul.f32 v2, v6;
	v55 =	vunpack.i.l.bf16.f32 v48  }
0x1ad: {  	v45 =	vld [tilespmem:s18+$0x10];
	v5 =	vunpack.i.u.bf16.f32 v48;
	v10 =	vmul.f32 v55, v9;
	[tilespmem:s0+$0x60] =	vst v58  }
0x1ae: {  	v60 =	vunpack.i.u.bf16.f32 v53;
	v5 =	vmul.f32 v5, v9;
	[tilespmem:s0+$0x70] =	vst v2  }
0x1af: {  	v59 =	vunpack.i.l.bf16.f32 v53;
	v2 =	vmul.f32 v60, v11;
	[tilespmem:s19+$0xFFFFFFE0] =	vst v10  }
0x1b0: {  	v61 =	vunpack.i.l.bf16.f32 v56;
	[tilespmem:s19+$0xFFFFFFF0] =	vst v5;
	v5 =	vmul.f32 v59, v11  }
0x1b1: {  	v62 =	vunpack.i.u.bf16.f32 v56;
	v4 =	vmul.f32 v61, v3;
	[tilespmem:s19+$0xFFFFFFB0] =	vst v2  }
0x1b2: {  	v50 =	vunpack.i.u.bf16.f32 v45;
	v3 =	vmul.f32 v62, v3;
	[tilespmem:s19+$0xFFFFFFA0] =	vst v5  }
0x1b3: {  	v51 =	vunpack.i.l.bf16.f32 v45;
	v14 =	vmul.f32 v50, v8;
	[tilespmem:s19+$0x60] =	vst v4  }
0x1b4: {  	v7 =	vmul.f32 v51, v8;
	[tilespmem:s19+$0x70] =	vst v3  }
0x1b5: {  	[tilespmem:s19+$0x30] =	vst v14  }
0x1b6: {  	[tilespmem:s19+$0x20] =	vst v7  }
0x1b7: {  	[spmem:s1] =	stream.indirect.scatter.add.f32 [tilespmem:s8], [sflag:$0x4], $0x40, s20, s5, $0xb8;
	v63 =	vld [tilespmem:$0x0]  }
0x1b8: {  	s25 =	simm.s32 $0x4EC0;
	s6 =	simm.s32 $0xD750;
	s7 =	simm.s32 $0x0  }
0x1b9: {  	[tilespmem:s6], [sflag:$0x3] =	stream.indirect.gather [hbm4b:s4+s5], $0x20, s25, s5, $0xb8;
	v63 =	vld [tilespmem:$0x0]  }
.LBB2_8:
0x1ba: {  	s12 =	smul.u32 $0x3, s7;
	_ =	sdelay $0x1  }
0x1bb: {  	s11 =	sadd.s32 $0x3, s12  }
0x1bc: {  	s10 =	smul.u32 $0x50, s11;
	_ =	sdelay $0x1  }
0x1bd: {  	v2 =	vld [tilespmem:s10+$0x4E20]  }
0x1be: {  	v3 =	vld [tilespmem:s10+$0x7530];
	_ =	sdelay $0x6  }
0x1bf: {  	v2 =	vld.idx.msk [tilespmem:v2+s21+$0x0], $0xffff  }
0x1c0: {  	v4 =	vld.idx.msk [tilespmem:v3+s22+$0x0], $0xffff;
	_ =	sdelay $0x4  }
0x1c1: {  	v2 =	vadd.f32 v4, v2;
	_ =	sdelay $0x1  }
0x1c2: {  	v4 =	vmul.f32 $2.000000030e-01, v2  }
0x1c3: {  	vm0 =	vge.f32 v2, $0.0e+00  }
0x1c4: {  	v2 =	vsel vm0, v2, v4  }
0x1c5: {  	v2 =	vsub.f32 v2, v1;
	_ =	sdelay $0x1  }
0x1c6: {  	v2 =	vmul.f32 $1.442695020e+00, v2;
	_ =	sdelay $0x1  }
0x1c7: {  	(erf) = vpow2.f32 v2;
	_ =	sdelay $0x8  }
0x1c8: {  	v2 =	vpop (erf)  }
0x1c9: {  	[tilespmem:s10+$0x9C40] =	vst v2  }
0x1ca: {  	[tilespmem:v3+s2+$0x0] =	vst.idx.add.f32.msk $0xffff, v2  }
0x1cb: {  	v2 =	vld [tilespmem:s10+$0x4E30]  }
0x1cc: {  	v3 =	vld [tilespmem:s10+$0x7540];
	_ =	sdelay $0x6  }
0x1cd: {  	v2 =	vld.idx.msk [tilespmem:v2+s21+$0x0], $0xffff  }
0x1ce: {  	v4 =	vld.idx.msk [tilespmem:v3+s22+$0x0], $0xffff;
	_ =	sdelay $0x4  }
0x1cf: {  	v2 =	vadd.f32 v4, v2;
	_ =	sdelay $0x1  }
0x1d0: {  	v4 =	vmul.f32 $2.000000030e-01, v2  }
0x1d1: {  	vm12 =	vge.f32 v2, $0.0e+00  }
0x1d2: {  	v2 =	vsel vm12, v2, v4  }
0x1d3: {  	v2 =	vsub.f32 v2, v1;
	_ =	sdelay $0x1  }
0x1d4: {  	v2 =	vmul.f32 $1.442695020e+00, v2;
	_ =	sdelay $0x1  }
0x1d5: {  	(erf) = vpow2.f32 v2;
	_ =	sdelay $0x8  }
0x1d6: {  	v2 =	vpop (erf)  }
0x1d7: {  	[tilespmem:s10+$0x9C50] =	vst v2  }
0x1d8: {  	[tilespmem:v3+s2+$0x0] =	vst.idx.add.f32.msk $0xffff, v2  }
0x1d9: {  	v2 =	vld [tilespmem:s10+$0x4E40]  }
0x1da: {  	v3 =	vld [tilespmem:s10+$0x7550];
	_ =	sdelay $0x6  }
0x1db: {  	v2 =	vld.idx.msk [tilespmem:v2+s21+$0x0], $0xffff  }
0x1dc: {  	v4 =	vld.idx.msk [tilespmem:v3+s22+$0x0], $0xffff;
	_ =	sdelay $0x4  }
0x1dd: {  	v2 =	vadd.f32 v4, v2;
	_ =	sdelay $0x1  }
0x1de: {  	v4 =	vmul.f32 $2.000000030e-01, v2  }
0x1df: {  	vm13 =	vge.f32 v2, $0.0e+00  }
0x1e0: {  	v2 =	vsel vm13, v2, v4  }
0x1e1: {  	v2 =	vsub.f32 v2, v1;
	_ =	sdelay $0x1  }
0x1e2: {  	v2 =	vmul.f32 $1.442695020e+00, v2;
	_ =	sdelay $0x1  }
0x1e3: {  	(erf) = vpow2.f32 v2;
	_ =	sdelay $0x8  }
0x1e4: {  	v2 =	vpop (erf)  }
0x1e5: {  	[tilespmem:s10+$0x9C60] =	vst v2  }
0x1e6: {  	[tilespmem:v3+s2+$0x0] =	vst.idx.add.f32.msk $0xffff, v2  }
0x1e7: {  	v2 =	vld [tilespmem:s10+$0x4E50]  }
0x1e8: {  	v3 =	vld [tilespmem:s10+$0x7560];
	_ =	sdelay $0x6  }
0x1e9: {  	v2 =	vld.idx.msk [tilespmem:v2+s21+$0x0], $0xffff  }
0x1ea: {  	v4 =	vld.idx.msk [tilespmem:v3+s22+$0x0], $0xffff;
	_ =	sdelay $0x4  }
0x1eb: {  	v2 =	vadd.f32 v4, v2;
	_ =	sdelay $0x1  }
0x1ec: {  	v4 =	vmul.f32 $2.000000030e-01, v2  }
0x1ed: {  	vm14 =	vge.f32 v2, $0.0e+00  }
0x1ee: {  	v2 =	vsel vm14, v2, v4  }
0x1ef: {  	v2 =	vsub.f32 v2, v1;
	_ =	sdelay $0x1  }
0x1f0: {  	v2 =	vmul.f32 $1.442695020e+00, v2;
	_ =	sdelay $0x1  }
0x1f1: {  	(erf) = vpow2.f32 v2;
	_ =	sdelay $0x8  }
0x1f2: {  	v2 =	vpop (erf)  }
0x1f3: {  	[tilespmem:s10+$0x9C70] =	vst v2  }
0x1f4: {  	[tilespmem:v3+s2+$0x0] =	vst.idx.add.f32.msk $0xffff, v2  }
0x1f5: {  	v2 =	vld [tilespmem:s10+$0x4E60]  }
0x1f6: {  	v3 =	vld [tilespmem:s10+$0x7570];
	_ =	sdelay $0x6  }
0x1f7: {  	v2 =	vld.idx.msk [tilespmem:v2+s21+$0x0], $0xffff  }
0x1f8: {  	v4 =	vld.idx.msk [tilespmem:v3+s22+$0x0], $0xffff;
	_ =	sdelay $0x4  }
0x1f9: {  	v2 =	vadd.f32 v4, v2;
	_ =	sdelay $0x1  }
0x1fa: {  	v4 =	vmul.f32 $2.000000030e-01, v2  }
0x1fb: {  	vm15 =	vge.f32 v2, $0.0e+00  }
0x1fc: {  	v2 =	vsel vm15, v2, v4  }
0x1fd: {  	v2 =	vsub.f32 v2, v1;
	_ =	sdelay $0x1  }
0x1fe: {  	v2 =	vmul.f32 $1.442695020e+00, v2;
	_ =	sdelay $0x1  }
0x1ff: {  	(erf) = vpow2.f32 v2;
	_ =	sdelay $0x3  }
0x200: {  	s13 =	sadd.s32 $0x1, s12  }
0x201: {  	v2 =	vmov s13  }
0x202: {  	v2 =	vmul.u32 $0x50, v2  }
0x203: {  	s0 =	simm.s32 $0x3  }
0x204: {  	v4 =	vmov s0;
	v2 =	vbroadcast v2, $0x0  }
0x205: {  	v6 =	vand.u32 $0x78, v4;
	v5 =	vpop (erf)  }
0x206: {  	s18 =	simm.s32 $0x1;
	v4 =	vand.u32 $0x7, v4;
	v6 =	vadd.s32 v2, v6;
	[tilespmem:s10+$0x9C80] =	vst v5  }
0x207: {  	s19 =	simm.s32 $0x2;
	v4 =	vor.u32 v4, v6;
	[tilespmem:v3+s2+$0x0] =	vst.idx.add.f32.msk $0xffff, v5;
	v3 =	vmov s18  }
0x208: {  	v6 =	vmov s19;
	_ =	swait.ge [sflag:s28], $0xA00;
	v5 =	vand.u32 $0x78, v3  }
0x209: {  	v7 =	vand.u32 $0x78, v6;
	v3 =	vand.u32 $0x5, v3;
	[sflag:s28] =	ssyncset.done $0x0;
	v5 =	vadd.s32 v2, v5  }
0x20a: {  	s20 =	simm.s32 $0xCD90;
	[sflag:s28] =	ssyncadd.s32 $0xFFFFF600;
	v3 =	vor.u32 v3, v5;
	v5 =	vand.u32 $0x6, v6;
	v6 =	vadd.s32 v2, v7  }
0x20b: {  	v7 =	vld [tilespmem:s20+$0x20];
	v5 =	vor.u32 v5, v6;
	v6 =	vmov s21  }
0x20c: {  	v8 =	vld.idx.msk [tilespmem:v4+s24+$0x0], $0xffff;
	v4 =	vand.u32 $0x78, v6  }
0x20d: {  	s14 =	simm.s32 $0x6;
	v9 =	vld [tilespmem:s20+$0xFFFFFFE0];
	v6 =	vand.u32 $0x4, v6;
	v4 =	vadd.s32 v2, v4  }
0x20e: {  	s9 =	simm.s32 $0x5;
	v11 =	vmov s14;
	v12 =	vld [tilespmem:s20+$0x0];
	v4 =	vor.u32 v6, v4  }
0x20f: {  	v14 =	vand.u32 $0x78, v11;
	v11 =	vand.u32 $0x6, v11;
	v10 =	vld.idx.msk [tilespmem:v3+s24+$0x0], $0xffff;
	v3 =	vmov s9  }
0x210: {  	v14 =	vadd.s32 v2, v14;
	v6 =	vand.u32 $0x5, v3;
	v13 =	vunpack.i.l.bf16.f32 v7  }
0x211: {  	v3 =	vand.u32 $0x78, v3;
	v5 =	vld.idx.msk [tilespmem:v5+s24+$0x0], $0xffff;
	v7 =	vunpack.i.u.bf16.f32 v7;
	v13 =	vmul.f32 v13, v8  }
0x212: {  	s14 =	simm.s32 $0xF5D0;
	v11 =	vor.u32 v11, v14;
	v15 =	vld [tilespmem:s20+$0xFFFFFFC0];
	v3 =	vadd.s32 v2, v3;
	v7 =	vmul.f32 v7, v8  }
0x213: {  	s25 =	simm.s32 $0x7;
	v16 =	vunpack.i.l.bf16.f32 v9;
	v6 =	vor.u32 v6, v3;
	[tilespmem:s14+$0x40] =	vst v13;
	v3 =	vld.idx.msk [tilespmem:v4+s24+$0x0], $0xffff;
	v4 =	vunpack.i.u.bf16.f32 v9  }
0x214: {  	[tilespmem:s14+$0x50] =	vst v7;
	v7 =	vunpack.i.l.bf16.f32 v12;
	v13 =	vmov s25;
	v9 =	vmul.f32 v16, v10  }
0x215: {  	v12 =	vunpack.i.u.bf16.f32 v12;
	v4 =	vmul.f32 v4, v10;
	v16 =	vand.u32 $0x78, v13  }
0x216: {  	v14 =	vld [tilespmem:s20+$0x30];
	[tilespmem:s14+$0xFFFFFFC0] =	vst v9;
	v9 =	vmul.f32 v12, v5;
	v12 =	vand.u32 $0x7, v13;
	v13 =	vadd.s32 v2, v16  }
0x217: {  	v7 =	vmul.f32 v7, v5;
	[tilespmem:s14+$0xFFFFFFD0] =	vst v4;
	v12 =	vor.u32 v12, v13  }
0x218: {  	s6 =	simm.s32 $0x4;
	s19 =	simm.s32 $0xCE10;
	v4 =	vunpack.i.u.bf16.f32 v15;
	v15 =	vunpack.i.l.bf16.f32 v15;
	v13 =	vld [tilespmem:s20+$0xFFFFFFF0]  }
0x219: {  	s16 =	simm.s32 $0x9;
	v19 =	vld [tilespmem:s19+$0x20];
	v16 =	vmov s6;
	[tilespmem:s14+$0x0] =	vst v7;
	v7 =	vmul.f32 v15, v3;
	v15 =	vmul.f32 v4, v3  }
0x21a: {  	[tilespmem:s14+$0x10] =	vst v9;
	v9 =	vand.u32 $0x4, v16;
	v4 =	vld.idx.msk [tilespmem:v6+s24+$0x0], $0xffff;
	v6 =	vand.u32 $0x78, v16;
	v16 =	vmov s16  }
0x21b: {  	v17 =	vld [tilespmem:s20+$0x10];
	v18 =	vunpack.i.u.bf16.f32 v14;
	v14 =	vunpack.i.l.bf16.f32 v14;
	v6 =	vadd.s32 v2, v6  }
0x21c: {  	s18 =	simm.s32 $0xA;
	v14 =	vmul.f32 v14, v8;
	v8 =	vmul.f32 v18, v8;
	v20 =	vor.u32 v9, v6;
	v6 =	vld.idx.msk [tilespmem:v12+s24+$0x0], $0xffff  }
0x21d: {  	v18 =	vmov s18;
	[tilespmem:s14+$0xFFFFFF80] =	vst v7;
	v7 =	vand.u32 $0x5, v16;
	v9 =	vunpack.i.u.bf16.f32 v13  }
0x21e: {  	v22 =	vld [tilespmem:s19+$0x0];
	v12 =	vunpack.i.l.bf16.f32 v13;
	v21 =	vmul.f32 v9, v10;
	v9 =	vand.u32 $0x78, v16  }
0x21f: {  	v13 =	vld [tilespmem:s19+$0xFFFFFFC0];
	[tilespmem:s14+$0x70] =	vst v8;
	v8 =	vand.u32 $0x78, v18;
	v12 =	vmul.f32 v12, v10;
	v9 =	vadd.s32 v2, v9  }
0x220: {  	[tilespmem:s14+$0xFFFFFF90] =	vst v15;
	v15 =	vld [tilespmem:s19+$0xFFFFFFE0];
	v10 =	vunpack.i.u.bf16.f32 v17;
	v9 =	vor.u32 v7, v9;
	v7 =	vunpack.i.l.bf16.f32 v19  }
0x221: {  	[tilespmem:s14+$0x60] =	vst v14;
	v16 =	vunpack.i.l.bf16.f32 v17;
	v17 =	vmul.f32 v10, v5;
	v10 =	vld [tilespmem:s20+$0xFFFFFFD0];
	v7 =	vmul.f32 v7, v6  }
0x222: {  	s18 =	simm.s32 $0xF6D0;
	v14 =	vand.u32 $0x6, v18;
	v8 =	vadd.s32 v2, v8;
	v16 =	vmul.f32 v16, v5;
	v5 =	vld.idx.msk [tilespmem:v11+s24+$0x0], $0xffff;
	[tilespmem:s14+$0xFFFFFFE0] =	vst v12  }
0x223: {  	v62 =	vunpack.i.u.bf16.f32 v22;
	v8 =	vor.u32 v14, v8;
	v14 =	vunpack.i.u.bf16.f32 v19;
	[tilespmem:s18+$0x40] =	vst v7;
	v7 =	vld.idx.msk [tilespmem:v20+s24+$0x0], $0xffff  }
0x224: {  	v22 =	vunpack.i.l.bf16.f32 v22;
	[tilespmem:s14+$0xFFFFFFF0] =	vst v21;
	v11 =	vunpack.i.u.bf16.f32 v13;
	v14 =	vmul.f32 v14, v6  }
0x225: {  	s20 =	simm.s32 $0xB;
	[tilespmem:s14+$0x20] =	vst v16;
	v12 =	vunpack.i.l.bf16.f32 v13;
	v13 =	vunpack.i.u.bf16.f32 v15;
	v15 =	vunpack.i.l.bf16.f32 v15  }
0x226: {  	s0 =	sadd.s32 $0x4E20, s10;
	s10 =	sadd.s32 $0x7530, s10;
	v19 =	vmov s20;
	v18 =	vmul.f32 v15, v4;
	v16 =	vmul.f32 v13, v4;
	[tilespmem:s18+$0x50] =	vst v14  }
0x227: {  	s9 =	simm.s32 $0xC;
	s25 =	simm.s32 $0x8;
	s20 =	simm.s32 $0xCE10;
	[tilespmem:s14+$0x30] =	vst v17;
	v13 =	vunpack.i.u.bf16.f32 v10;
	v17 =	vmul.f32 v22, v5;
	v15 =	vmul.f32 v62, v5;
	v14 =	vld [tilespmem:s19+$0x30]  }
.LBB2_9:
0x228: {  	p0 =	slt.u32 s9, $0x4C;
	v20 =	vand.u32 $0x78, v19;
	v12 =	vmul.f32 v12, v7;
	v11 =	vmul.f32 v11, v7;
	[tilespmem:s18+$0xFFFFFFC0] =	vst v18  }
0x229: {  	v18 =	vand.u32 $0x7, v19;
	v10 =	vunpack.i.l.bf16.f32 v10;
	v19 =	vadd.s32 v2, v20;
	[tilespmem:s18+$0xFFFFFFD0] =	vst v16  }
0x22a: {  	v13 =	vmul.f32 v13, v3;
	v10 =	vmul.f32 v10, v3;
	v16 =	vor.u32 v18, v19;
	v18 =	vld [tilespmem:s19+$0xFFFFFFF0];
	[tilespmem:s18+$0x0] =	vst v17  }
0x22b: {  	v3 =	vmov v7;
	v17 =	vmov s25;
	s25 =	smov.u32 s9;
	v9 =	vld.idx.msk [tilespmem:v9+s24+$0x0], $0xffff;
	[tilespmem:s18+$0x10] =	vst v15  }
0x22c: {  	v7 =	vand.u32 $0x4, v17;
	[tilespmem:s18+$0xFFFFFF80] =	vst v12;
	v12 =	vld [tilespmem:s19+$0x10];
	v15 =	vunpack.i.u.bf16.f32 v14;
	v14 =	vunpack.i.l.bf16.f32 v14  }
0x22d: {  	s16 =	sadd.s32 $0x1, s9;
	s6 =	sadd.s32 $0x2, s9;
	v17 =	vand.u32 $0x78, v17;
	s19 =	sadd.s32 $0x80, s19;
	v8 =	vld.idx.msk [tilespmem:v8+s24+$0x0], $0xffff;
	[tilespmem:s18+$0xFFFFFF90] =	vst v11;
	v11 =	vmul.f32 v14, v6;
	v14 =	vmul.f32 v15, v6  }
0x22e: {  	v19 =	vmov s6;
	v15 =	vmov s16;
	v6 =	vadd.s32 v2, v17;
	v17 =	vld [tilespmem:s19+$0x20];
	[tilespmem:s14+$0xFFFFFFA0] =	vst v10  }
0x22f: {  	v7 =	vor.u32 v7, v6;
	v6 =	vld.idx.msk [tilespmem:v16+s24+$0x0], $0xffff;
	v10 =	vunpack.i.u.bf16.f32 v18;
	v16 =	vunpack.i.l.bf16.f32 v18;
	[tilespmem:s18+$0x70] =	vst v14  }
0x230: {  	v14 =	vand.u32 $0x5, v15;
	v18 =	vld [tilespmem:s19+$0xFFFFFFC0];
	v16 =	vmul.f32 v16, v4;
	v20 =	vmul.f32 v10, v4;
	[tilespmem:s18+$0x60] =	vst v11  }
0x231: {  	v10 =	vand.u32 $0x78, v15;
	v4 =	vmovc v9;
	v15 =	vld [tilespmem:s19+$0xFFFFFFE0];
	v11 =	vunpack.i.u.bf16.f32 v12;
	v12 =	vunpack.i.l.bf16.f32 v12;
	[tilespmem:s14+$0xFFFFFFB0] =	vst v13;
	s14 =	smov.u32 s18  }
0x232: {  	v9 =	vand.u32 $0x78, v19;
	v13 =	vld [tilespmem:s19+$0x0];
	[tilespmem:s18+$0xFFFFFFE0] =	vst v16;
	v12 =	vmul.f32 v12, v5;
	v16 =	vmul.f32 v11, v5  }
0x233: {  	v19 =	vand.u32 $0x6, v19;
	v21 =	vadd.s32 v2, v9;
	v11 =	vadd.s32 v2, v10;
	v5 =	vmovc v8;
	v10 =	vld [tilespmem:s20+$0xFFFFFFD0];
	[tilespmem:s18+$0xFFFFFFF0] =	vst v20;
	s20 =	smov.u32 s19  }
0x234: {  	v8 =	vor.u32 v19, v21;
	v9 =	vor.u32 v14, v11;
	v14 =	vunpack.i.l.bf16.f32 v17;
	v7 =	vld.idx.msk [tilespmem:v7+s24+$0x0], $0xffff;
	[tilespmem:s18+$0x20] =	vst v12  }
.Ltmp3:
0x235: {  	v17 =	vunpack.i.u.bf16.f32 v17;
	v14 =	vmul.f32 v14, v6;
	v11 =	vunpack.i.u.bf16.f32 v18;
	[tilespmem:s18+$0x30] =	vst v16;
	(pc) =	sbr.rel @p0 .LBB2_9-.Ltmp3, $4  }
0x236: {  	v17 =	vmul.f32 v17, v6;
	v12 =	vunpack.i.l.bf16.f32 v18;
	s18 =	sadd.s32 $0x100, s18;
	v16 =	vunpack.i.u.bf16.f32 v15  }
0x237: {  	v15 =	vunpack.i.l.bf16.f32 v15;
	v20 =	vunpack.i.u.bf16.f32 v13;
	v21 =	vunpack.i.l.bf16.f32 v13;
	[tilespmem:s18+$0x40] =	vst v14  }
0x238: {  	s6 =	sadd.s32 $0x3, s9;
	v18 =	vmul.f32 v15, v4;
	v16 =	vmul.f32 v16, v4;
	[tilespmem:s18+$0x50] =	vst v17;
	v13 =	vunpack.i.u.bf16.f32 v10  }
0x239: {  	s9 =	sadd.s32 $0x4, s9;
	v19 =	vmov s6;
	v17 =	vmul.f32 v21, v5;
	v15 =	vmul.f32 v20, v5;
	v14 =	vld [tilespmem:s19+$0x30]  }
0x23a: {  	v20 =	vand.u32 $0x78, v19  }
0x23b: {  	[tilespmem:s18+$0xFFFFFFC0] =	vst v18;
	v18 =	vand.u32 $0x7, v19;
	v19 =	vadd.s32 v2, v20  }
0x23c: {  	[tilespmem:s18+$0xFFFFFFD0] =	vst v16;
	v16 =	vor.u32 v18, v19  }
0x23d: {  	v12 =	vmul.f32 v12, v7;
	[tilespmem:s18+$0x0] =	vst v17;
	v18 =	vld [tilespmem:s19+$0xFFFFFFF0]  }
0x23e: {  	v11 =	vmul.f32 v11, v7;
	v10 =	vunpack.i.l.bf16.f32 v10;
	[tilespmem:s18+$0x10] =	vst v15  }
0x23f: {  	s9 =	sadd.s32 $0x80, s19;
	v10 =	vmul.f32 v10, v3;
	[tilespmem:s18+$0xFFFFFF80] =	vst v12;
	v12 =	vld [tilespmem:s19+$0x10];
	v15 =	vunpack.i.u.bf16.f32 v14  }
0x240: {  	v17 =	vmov s25;
	[tilespmem:s18+$0xFFFFFF90] =	vst v11;
	v14 =	vunpack.i.l.bf16.f32 v14;
	v11 =	vmul.f32 v15, v6;
	v15 =	vld [tilespmem:s9+$0x20]  }
0x241: {  	v3 =	vmul.f32 v13, v3;
	v13 =	vand.u32 $0x78, v17;
	[tilespmem:s14+$0xFFFFFFA0] =	vst v10;
	v6 =	vmul.f32 v14, v6;
	v10 =	vld.idx.msk [tilespmem:v16+s24+$0x0], $0xffff  }
0x242: {  	v2 =	vadd.s32 v2, v13;
	v14 =	vand.u32 $0x4, v17;
	v13 =	vunpack.i.l.bf16.f32 v18;
	[tilespmem:s18+$0x70] =	vst v11  }
0x243: {  	v2 =	vor.u32 v14, v2;
	v11 =	vunpack.i.u.bf16.f32 v18;
	[tilespmem:s18+$0x60] =	vst v6;
	v6 =	vld [tilespmem:s9+$0xFFFFFFE0];
	v13 =	vmul.f32 v13, v4  }
0x244: {  	v9 =	vld.idx.msk [tilespmem:v9+s24+$0x0], $0xffff;
	[tilespmem:s14+$0xFFFFFFB0] =	vst v3;
	v4 =	vmul.f32 v11, v4;
	v11 =	vunpack.i.l.bf16.f32 v12  }
0x245: {  	v3 =	vld [tilespmem:s9+$0x0];
	v11 =	vmul.f32 v11, v5;
	[tilespmem:s18+$0xFFFFFFE0] =	vst v13;
	v13 =	vunpack.i.l.bf16.f32 v15  }
0x246: {  	v8 =	vld.idx.msk [tilespmem:v8+s24+$0x0], $0xffff;
	[tilespmem:s18+$0xFFFFFFF0] =	vst v4;
	v4 =	vunpack.i.u.bf16.f32 v15;
	v13 =	vmul.f32 v13, v10  }
0x247: {  	s6 =	sadd.s32 $0x100, s18;
	v14 =	vld [tilespmem:s9+$0xFFFFFFC0];
	v12 =	vunpack.i.u.bf16.f32 v12;
	[tilespmem:s18+$0x20] =	vst v11;
	v4 =	vmul.f32 v4, v10  }
0x248: {  	v5 =	vmul.f32 v12, v5;
	v2 =	vld.idx.msk [tilespmem:v2+s24+$0x0], $0xffff;
	v11 =	vunpack.i.l.bf16.f32 v6;
	[tilespmem:s6+$0x40] =	vst v13  }
0x249: {  	v12 =	vld [tilespmem:s20+$0xFFFFFFD0];
	v6 =	vunpack.i.u.bf16.f32 v6;
	v11 =	vmul.f32 v11, v9;
	[tilespmem:s6+$0x50] =	vst v4  }
0x24a: {  	[tilespmem:s18+$0x30] =	vst v5;
	v5 =	vmul.f32 v6, v9;
	v4 =	vunpack.i.l.bf16.f32 v3;
	v6 =	vld [tilespmem:s9+$0x30]  }
0x24b: {  	v3 =	vunpack.i.u.bf16.f32 v3;
	v4 =	vmul.f32 v4, v8;
	[tilespmem:s6+$0xFFFFFFC0] =	vst v11  }
0x24c: {  	v11 =	vunpack.i.l.bf16.f32 v14;
	v3 =	vmul.f32 v3, v8;
	[tilespmem:s6+$0xFFFFFFD0] =	vst v5  }
0x24d: {  	v5 =	vunpack.i.u.bf16.f32 v14;
	v11 =	vmul.f32 v11, v2;
	v13 =	vld [tilespmem:s9+$0xFFFFFFF0];
	[tilespmem:s6+$0x0] =	vst v4  }
0x24e: {  	v4 =	vmul.f32 v5, v2;
	v5 =	vunpack.i.l.bf16.f32 v12;
	[tilespmem:s6+$0x10] =	vst v3  }
0x24f: {  	v3 =	vmul.f32 v5, v7;
	[tilespmem:s6+$0xFFFFFF80] =	vst v11;
	v5 =	vld [tilespmem:s9+$0x10];
	v11 =	vunpack.i.u.bf16.f32 v6  }
0x250: {  	[tilespmem:s6+$0xFFFFFF90] =	vst v4;
	v6 =	vunpack.i.l.bf16.f32 v6;
	v4 =	vmul.f32 v11, v10  }
0x251: {  	[tilespmem:s18+$0xFFFFFFA0] =	vst v3;
	v3 =	vld [tilespmem:s9+$0xFFFFFFD0];
	v11 =	vunpack.i.u.bf16.f32 v12;
	v6 =	vmul.f32 v6, v10  }
0x252: {  	v10 =	vunpack.i.l.bf16.f32 v13;
	v7 =	vmul.f32 v11, v7;
	[tilespmem:s6+$0x70] =	vst v4  }
0x253: {  	v10 =	vmul.f32 v10, v9;
	v4 =	vunpack.i.u.bf16.f32 v13;
	[tilespmem:s6+$0x60] =	vst v6  }
0x254: {  	v6 =	vunpack.i.l.bf16.f32 v5;
	v4 =	vmul.f32 v4, v9;
	[tilespmem:s18+$0xFFFFFFB0] =	vst v7  }
0x255: {  	v5 =	vunpack.i.u.bf16.f32 v5;
	[tilespmem:s6+$0xFFFFFFE0] =	vst v10;
	v6 =	vmul.f32 v6, v8  }
0x256: {  	v5 =	vmul.f32 v5, v8;
	[tilespmem:s6+$0xFFFFFFF0] =	vst v4;
	v4 =	vunpack.i.l.bf16.f32 v3  }
0x257: {  	s18 =	smul.u32 $0x140, s13;
	[tilespmem:s6+$0x20] =	vst v6;
	v3 =	vunpack.i.u.bf16.f32 v3;
	v4 =	vmul.f32 v4, v2  }
0x258: {  	[tilespmem:s6+$0x30] =	vst v5;
	v2 =	vmul.f32 v3, v2  }
0x259: {  	s9 =	sshra.s32 s18, $0x2;
	[tilespmem:s6+$0xFFFFFFA0] =	vst v4  }
0x25a: {  	s19 =	sadd.s32 $0x7530, s9;
	[tilespmem:s6+$0xFFFFFFB0] =	vst v2  }
0x25b: {  	[spmem:s1] =	stream.indirect.scatter.add.f32 [tilespmem:s15], [sflag:$0x5], $0x40, s19, s5, $0xb8;
	v63 =	vld [tilespmem:$0x0]  }
0x25c: {  	_ =	swait.ge [sflag:s30], $0x1400  }
0x25d: {  	[sflag:s30] =	ssyncset.done $0x0  }
0x25e: {  	s20 =	simm.s32 $0xC350;
	s19 =	smul.u32 $0xF0, s7;
	[sflag:s30] =	ssyncadd.s32 $0xFFFFEC00  }
0x25f: {  	[tilespmem:s20], [sflag:$0x1] =	stream.indirect.gather [hbm4b:s4+s5], $0x20, s0, s5, $0xb8;
	v63 =	vld [tilespmem:$0x0]  }
0x260: {  	v2 =	vld [tilespmem:s19+$0x4F60]  }
0x261: {  	v3 =	vld [tilespmem:s19+$0x7670];
	_ =	sdelay $0x5  }
0x262: {  	s25 =	simm.s32 $0x0  }
0x263: {  	v2 =	vld.idx.msk [tilespmem:v2+s25+$0x0], $0xffff  }
0x264: {  	v4 =	vld.idx.msk [tilespmem:v3+s22+$0x0], $0xffff;
	_ =	sdelay $0x4  }
0x265: {  	v2 =	vadd.f32 v4, v2;
	_ =	sdelay $0x1  }
0x266: {  	v4 =	vmul.f32 $2.000000030e-01, v2  }
0x267: {  	vm0 =	vge.f32 v2, $0.0e+00  }
0x268: {  	v2 =	vsel vm0, v2, v4  }
0x269: {  	v2 =	vsub.f32 v2, v1;
	_ =	sdelay $0x1  }
0x26a: {  	v2 =	vmul.f32 $1.442695020e+00, v2;
	_ =	sdelay $0x1  }
0x26b: {  	(erf) = vpow2.f32 v2;
	_ =	sdelay $0x8  }
0x26c: {  	v2 =	vpop (erf)  }
0x26d: {  	[tilespmem:s19+$0x9D80] =	vst v2  }
0x26e: {  	[tilespmem:v3+s2+$0x0] =	vst.idx.add.f32.msk $0xffff, v2  }
0x26f: {  	v2 =	vld [tilespmem:s19+$0x4F70]  }
0x270: {  	v3 =	vld [tilespmem:s19+$0x7680];
	_ =	sdelay $0x6  }
0x271: {  	v2 =	vld.idx.msk [tilespmem:v2+s25+$0x0], $0xffff  }
0x272: {  	v4 =	vld.idx.msk [tilespmem:v3+s22+$0x0], $0xffff;
	_ =	sdelay $0x4  }
0x273: {  	v2 =	vadd.f32 v4, v2;
	_ =	sdelay $0x1  }
0x274: {  	v4 =	vmul.f32 $2.000000030e-01, v2  }
0x275: {  	vm12 =	vge.f32 v2, $0.0e+00  }
0x276: {  	v2 =	vsel vm12, v2, v4  }
0x277: {  	v2 =	vsub.f32 v2, v1;
	_ =	sdelay $0x1  }
0x278: {  	v2 =	vmul.f32 $1.442695020e+00, v2;
	_ =	sdelay $0x1  }
0x279: {  	(erf) = vpow2.f32 v2;
	_ =	sdelay $0x8  }
0x27a: {  	v2 =	vpop (erf)  }
0x27b: {  	[tilespmem:s19+$0x9D90] =	vst v2  }
0x27c: {  	[tilespmem:v3+s2+$0x0] =	vst.idx.add.f32.msk $0xffff, v2  }
0x27d: {  	v2 =	vld [tilespmem:s19+$0x4F80]  }
0x27e: {  	v3 =	vld [tilespmem:s19+$0x7690];
	_ =	sdelay $0x6  }
0x27f: {  	v2 =	vld.idx.msk [tilespmem:v2+s25+$0x0], $0xffff  }
0x280: {  	v4 =	vld.idx.msk [tilespmem:v3+s22+$0x0], $0xffff;
	_ =	sdelay $0x4  }
0x281: {  	v2 =	vadd.f32 v4, v2;
	_ =	sdelay $0x1  }
0x282: {  	v4 =	vmul.f32 $2.000000030e-01, v2  }
0x283: {  	vm13 =	vge.f32 v2, $0.0e+00  }
0x284: {  	v2 =	vsel vm13, v2, v4  }
0x285: {  	v2 =	vsub.f32 v2, v1;
	_ =	sdelay $0x1  }
0x286: {  	v2 =	vmul.f32 $1.442695020e+00, v2;
	_ =	sdelay $0x1  }
0x287: {  	(erf) = vpow2.f32 v2;
	_ =	sdelay $0x8  }
0x288: {  	v2 =	vpop (erf)  }
0x289: {  	[tilespmem:s19+$0x9DA0] =	vst v2  }
0x28a: {  	[tilespmem:v3+s2+$0x0] =	vst.idx.add.f32.msk $0xffff, v2  }
0x28b: {  	v2 =	vld [tilespmem:s19+$0x4F90]  }
0x28c: {  	v3 =	vld [tilespmem:s19+$0x76A0];
	_ =	sdelay $0x6  }
0x28d: {  	v2 =	vld.idx.msk [tilespmem:v2+s25+$0x0], $0xffff  }
0x28e: {  	v4 =	vld.idx.msk [tilespmem:v3+s22+$0x0], $0xffff;
	_ =	sdelay $0x4  }
0x28f: {  	v2 =	vadd.f32 v4, v2;
	_ =	sdelay $0x1  }
0x290: {  	v4 =	vmul.f32 $2.000000030e-01, v2  }
0x291: {  	vm14 =	vge.f32 v2, $0.0e+00  }
0x292: {  	v2 =	vsel vm14, v2, v4  }
0x293: {  	v2 =	vsub.f32 v2, v1;
	_ =	sdelay $0x1  }
0x294: {  	v2 =	vmul.f32 $1.442695020e+00, v2;
	_ =	sdelay $0x1  }
0x295: {  	(erf) = vpow2.f32 v2;
	_ =	sdelay $0x8  }
0x296: {  	v2 =	vpop (erf)  }
0x297: {  	[tilespmem:s19+$0x9DB0] =	vst v2  }
0x298: {  	[tilespmem:v3+s2+$0x0] =	vst.idx.add.f32.msk $0xffff, v2  }
0x299: {  	v2 =	vld [tilespmem:s19+$0x4FA0]  }
0x29a: {  	v3 =	vld [tilespmem:s19+$0x76B0];
	_ =	sdelay $0x6  }
0x29b: {  	v2 =	vld.idx.msk [tilespmem:v2+s25+$0x0], $0xffff  }
0x29c: {  	v4 =	vld.idx.msk [tilespmem:v3+s22+$0x0], $0xffff;
	_ =	sdelay $0x4  }
0x29d: {  	v2 =	vadd.f32 v4, v2;
	_ =	sdelay $0x1  }
0x29e: {  	v4 =	vmul.f32 $2.000000030e-01, v2  }
0x29f: {  	vm15 =	vge.f32 v2, $0.0e+00  }
0x2a0: {  	v2 =	vsel vm15, v2, v4  }
0x2a1: {  	v2 =	vsub.f32 v2, v1;
	_ =	sdelay $0x1  }
0x2a2: {  	v2 =	vmul.f32 $1.442695020e+00, v2;
	_ =	sdelay $0x1  }
0x2a3: {  	(erf) = vpow2.f32 v2;
	_ =	sdelay $0x3  }
0x2a4: {  	s13 =	sadd.s32 $0x2, s12  }
0x2a5: {  	v2 =	vmov s13  }
0x2a6: {  	v2 =	vmul.u32 $0x50, v2  }
0x2a7: {  	s6 =	simm.s32 $0x3  }
0x2a8: {  	v4 =	vmov s6;
	v2 =	vbroadcast v2, $0x0  }
0x2a9: {  	v6 =	vand.u32 $0x78, v4;
	v5 =	vpop (erf)  }
0x2aa: {  	s14 =	simm.s32 $0x1;
	v4 =	vand.u32 $0x7, v4;
	v6 =	vadd.s32 v2, v6;
	[tilespmem:s19+$0x9DC0] =	vst v5  }
0x2ab: {  	s16 =	simm.s32 $0x2;
	v4 =	vor.u32 v4, v6;
	[tilespmem:v3+s2+$0x0] =	vst.idx.add.f32.msk $0xffff, v5;
	v3 =	vmov s14  }
0x2ac: {  	v6 =	vmov s16;
	_ =	swait.ge [sflag:s29], $0xA00;
	v5 =	vand.u32 $0x78, v3  }
0x2ad: {  	v7 =	vand.u32 $0x78, v6;
	v3 =	vand.u32 $0x5, v3;
	[sflag:s29] =	ssyncset.done $0x0;
	v5 =	vadd.s32 v2, v5  }
0x2ae: {  	s0 =	simm.s32 $0xD790;
	[sflag:s29] =	ssyncadd.s32 $0xFFFFF600;
	v3 =	vor.u32 v3, v5;
	v5 =	vand.u32 $0x6, v6;
	v6 =	vadd.s32 v2, v7  }
0x2af: {  	v7 =	vld [tilespmem:s0+$0x20];
	v5 =	vor.u32 v5, v6;
	v6 =	vmov s25  }
0x2b0: {  	v8 =	vld.idx.msk [tilespmem:v4+s24+$0x0], $0xffff;
	v4 =	vand.u32 $0x78, v6  }
0x2b1: {  	s20 =	simm.s32 $0x6;
	v9 =	vld [tilespmem:s0+$0xFFFFFFE0];
	v6 =	vand.u32 $0x4, v6;
	v4 =	vadd.s32 v2, v4  }
0x2b2: {  	s18 =	simm.s32 $0x5;
	v11 =	vmov s20;
	v12 =	vld [tilespmem:s0+$0x0];
	v4 =	vor.u32 v6, v4  }
0x2b3: {  	v14 =	vand.u32 $0x78, v11;
	v11 =	vand.u32 $0x6, v11;
	v10 =	vld.idx.msk [tilespmem:v3+s24+$0x0], $0xffff;
	v3 =	vmov s18  }
0x2b4: {  	v14 =	vadd.s32 v2, v14;
	v6 =	vand.u32 $0x5, v3;
	v13 =	vunpack.i.l.bf16.f32 v7  }
0x2b5: {  	v3 =	vand.u32 $0x78, v3;
	v5 =	vld.idx.msk [tilespmem:v5+s24+$0x0], $0xffff;
	v7 =	vunpack.i.u.bf16.f32 v7;
	v13 =	vmul.f32 v13, v8  }
0x2b6: {  	v11 =	vor.u32 v11, v14;
	s14 =	simm.s32 $0x109D0;
	v15 =	vld [tilespmem:s0+$0xFFFFFFC0];
	v3 =	vadd.s32 v2, v3;
	v7 =	vmul.f32 v7, v8  }
0x2b7: {  	s25 =	simm.s32 $0x7;
	v16 =	vunpack.i.l.bf16.f32 v9;
	v6 =	vor.u32 v6, v3;
	[tilespmem:s14+$0x40] =	vst v13;
	v3 =	vld.idx.msk [tilespmem:v4+s24+$0x0], $0xffff;
	v4 =	vunpack.i.u.bf16.f32 v9  }
0x2b8: {  	[tilespmem:s14+$0x50] =	vst v7;
	v7 =	vunpack.i.l.bf16.f32 v12;
	v13 =	vmov s25;
	v9 =	vmul.f32 v16, v10  }
0x2b9: {  	v12 =	vunpack.i.u.bf16.f32 v12;
	v4 =	vmul.f32 v4, v10;
	v16 =	vand.u32 $0x78, v13  }
0x2ba: {  	v14 =	vld [tilespmem:s0+$0x30];
	[tilespmem:s14+$0xFFFFFFC0] =	vst v9;
	v9 =	vmul.f32 v12, v5;
	v12 =	vand.u32 $0x7, v13;
	v13 =	vadd.s32 v2, v16  }
0x2bb: {  	v7 =	vmul.f32 v7, v5;
	[tilespmem:s14+$0xFFFFFFD0] =	vst v4;
	v12 =	vor.u32 v12, v13  }
0x2bc: {  	s9 =	simm.s32 $0x4;
	s20 =	simm.s32 $0xD810;
	v4 =	vunpack.i.u.bf16.f32 v15;
	v15 =	vunpack.i.l.bf16.f32 v15;
	v13 =	vld [tilespmem:s0+$0xFFFFFFF0]  }
0x2bd: {  	s16 =	simm.s32 $0x9;
	v19 =	vld [tilespmem:s20+$0x20];
	v16 =	vmov s9;
	[tilespmem:s14+$0x0] =	vst v7;
	v7 =	vmul.f32 v15, v3;
	v15 =	vmul.f32 v4, v3  }
0x2be: {  	[tilespmem:s14+$0x10] =	vst v9;
	v9 =	vand.u32 $0x4, v16;
	v4 =	vld.idx.msk [tilespmem:v6+s24+$0x0], $0xffff;
	v6 =	vand.u32 $0x78, v16;
	v16 =	vmov s16  }
0x2bf: {  	v17 =	vld [tilespmem:s0+$0x10];
	v18 =	vunpack.i.u.bf16.f32 v14;
	v14 =	vunpack.i.l.bf16.f32 v14;
	v6 =	vadd.s32 v2, v6  }
0x2c0: {  	s18 =	simm.s32 $0xA;
	v14 =	vmul.f32 v14, v8;
	v8 =	vmul.f32 v18, v8;
	v20 =	vor.u32 v9, v6;
	v6 =	vld.idx.msk [tilespmem:v12+s24+$0x0], $0xffff  }
0x2c1: {  	v18 =	vmov s18;
	[tilespmem:s14+$0xFFFFFF80] =	vst v7;
	v7 =	vand.u32 $0x5, v16;
	v9 =	vunpack.i.u.bf16.f32 v13  }
0x2c2: {  	v22 =	vld [tilespmem:s20+$0x0];
	[tilespmem:s14+$0xFFFFFF90] =	vst v15;
	v12 =	vunpack.i.l.bf16.f32 v13;
	v21 =	vmul.f32 v9, v10;
	v9 =	vand.u32 $0x78, v16  }
0x2c3: {  	v15 =	vld [tilespmem:s20+$0xFFFFFFE0];
	[tilespmem:s14+$0x70] =	vst v8;
	v8 =	vand.u32 $0x78, v18;
	v12 =	vmul.f32 v12, v10;
	v9 =	vadd.s32 v2, v9  }
0x2c4: {  	v13 =	vld [tilespmem:s20+$0xFFFFFFC0];
	v10 =	vunpack.i.u.bf16.f32 v17;
	v9 =	vor.u32 v7, v9;
	v7 =	vunpack.i.l.bf16.f32 v19  }
0x2c5: {  	[tilespmem:s14+$0x60] =	vst v14;
	v16 =	vunpack.i.l.bf16.f32 v17;
	v17 =	vmul.f32 v10, v5;
	v10 =	vld [tilespmem:s0+$0xFFFFFFD0];
	v7 =	vmul.f32 v7, v6  }
0x2c6: {  	s18 =	simm.s32 $0x10AD0;
	v14 =	vand.u32 $0x6, v18;
	v8 =	vadd.s32 v2, v8;
	v16 =	vmul.f32 v16, v5;
	v5 =	vld.idx.msk [tilespmem:v11+s24+$0x0], $0xffff;
	[tilespmem:s14+$0xFFFFFFE0] =	vst v12  }
0x2c7: {  	v62 =	vunpack.i.u.bf16.f32 v22;
	v8 =	vor.u32 v14, v8;
	v12 =	vunpack.i.u.bf16.f32 v19;
	[tilespmem:s18+$0x40] =	vst v7;
	v7 =	vld.idx.msk [tilespmem:v20+s24+$0x0], $0xffff  }
0x2c8: {  	[tilespmem:s14+$0xFFFFFFF0] =	vst v21;
	v14 =	vunpack.i.u.bf16.f32 v15;
	v15 =	vunpack.i.l.bf16.f32 v15;
	s0 =	sadd.s32 $0x4F60, s19;
	s19 =	simm.s32 $0xB;
	v12 =	vmul.f32 v12, v6  }
0x2c9: {  	v22 =	vunpack.i.l.bf16.f32 v22;
	v18 =	vmul.f32 v15, v4;
	v19 =	vmov s19;
	[tilespmem:s14+$0x20] =	vst v16  }
0x2ca: {  	v11 =	vunpack.i.u.bf16.f32 v13;
	v13 =	vunpack.i.l.bf16.f32 v13;
	v16 =	vmul.f32 v14, v4;
	[tilespmem:s18+$0x50] =	vst v12  }
0x2cb: {  	s25 =	simm.s32 $0x8;
	s9 =	simm.s32 $0xC;
	s19 =	simm.s32 $0xD810;
	[tilespmem:s14+$0x30] =	vst v17;
	v12 =	vunpack.i.u.bf16.f32 v10;
	v17 =	vmul.f32 v22, v5;
	v15 =	vmul.f32 v62, v5;
	v14 =	vld [tilespmem:s20+$0x30]  }
.LBB2_11:
0x2cc: {  	p0 =	slt.u32 s9, $0x4C;
	v20 =	vand.u32 $0x78, v19;
	v13 =	vmul.f32 v13, v7;
	v11 =	vmul.f32 v11, v7;
	[tilespmem:s18+$0xFFFFFFC0] =	vst v18  }
0x2cd: {  	v18 =	vand.u32 $0x7, v19;
	v10 =	vunpack.i.l.bf16.f32 v10;
	v19 =	vadd.s32 v2, v20;
	[tilespmem:s18+$0xFFFFFFD0] =	vst v16  }
0x2ce: {  	v12 =	vmul.f32 v12, v3;
	v10 =	vmul.f32 v10, v3;
	v16 =	vor.u32 v18, v19;
	v18 =	vld [tilespmem:s20+$0xFFFFFFF0];
	[tilespmem:s18+$0x0] =	vst v17  }
0x2cf: {  	v3 =	vmov v7;
	v17 =	vmov s25;
	s25 =	smov.u32 s9;
	v9 =	vld.idx.msk [tilespmem:v9+s24+$0x0], $0xffff;
	[tilespmem:s18+$0x10] =	vst v15  }
0x2d0: {  	v7 =	vand.u32 $0x4, v17;
	[tilespmem:s18+$0xFFFFFF80] =	vst v13;
	v13 =	vld [tilespmem:s20+$0x10];
	v15 =	vunpack.i.u.bf16.f32 v14;
	v14 =	vunpack.i.l.bf16.f32 v14  }
0x2d1: {  	s6 =	sadd.s32 $0x1, s9;
	s16 =	sadd.s32 $0x2, s9;
	v17 =	vand.u32 $0x78, v17;
	s20 =	sadd.s32 $0x80, s20;
	v8 =	vld.idx.msk [tilespmem:v8+s24+$0x0], $0xffff;
	[tilespmem:s18+$0xFFFFFF90] =	vst v11;
	v11 =	vmul.f32 v14, v6;
	v14 =	vmul.f32 v15, v6  }
0x2d2: {  	v19 =	vmov s16;
	v15 =	vmov s6;
	v6 =	vadd.s32 v2, v17;
	v17 =	vld [tilespmem:s20+$0x20];
	[tilespmem:s14+$0xFFFFFFA0] =	vst v10  }
0x2d3: {  	v7 =	vor.u32 v7, v6;
	v6 =	vld.idx.msk [tilespmem:v16+s24+$0x0], $0xffff;
	v10 =	vunpack.i.u.bf16.f32 v18;
	v16 =	vunpack.i.l.bf16.f32 v18;
	[tilespmem:s18+$0x70] =	vst v14  }
0x2d4: {  	v14 =	vand.u32 $0x5, v15;
	v18 =	vld [tilespmem:s20+$0xFFFFFFC0];
	v16 =	vmul.f32 v16, v4;
	v20 =	vmul.f32 v10, v4;
	[tilespmem:s18+$0x60] =	vst v11  }
0x2d5: {  	v10 =	vand.u32 $0x78, v15;
	v4 =	vmovc v9;
	v15 =	vld [tilespmem:s20+$0xFFFFFFE0];
	v11 =	vunpack.i.u.bf16.f32 v13;
	v13 =	vunpack.i.l.bf16.f32 v13;
	[tilespmem:s14+$0xFFFFFFB0] =	vst v12;
	s14 =	smov.u32 s18  }
0x2d6: {  	v9 =	vand.u32 $0x78, v19;
	v12 =	vld [tilespmem:s20+$0x0];
	[tilespmem:s18+$0xFFFFFFE0] =	vst v16;
	v13 =	vmul.f32 v13, v5;
	v16 =	vmul.f32 v11, v5  }
0x2d7: {  	v19 =	vand.u32 $0x6, v19;
	v21 =	vadd.s32 v2, v9;
	v11 =	vadd.s32 v2, v10;
	v5 =	vmovc v8;
	v10 =	vld [tilespmem:s19+$0xFFFFFFD0];
	[tilespmem:s18+$0xFFFFFFF0] =	vst v20;
	s19 =	smov.u32 s20  }
0x2d8: {  	v8 =	vor.u32 v19, v21;
	v9 =	vor.u32 v14, v11;
	v14 =	vunpack.i.l.bf16.f32 v17;
	v7 =	vld.idx.msk [tilespmem:v7+s24+$0x0], $0xffff;
	[tilespmem:s18+$0x20] =	vst v13  }
.Ltmp4:
0x2d9: {  	v17 =	vunpack.i.u.bf16.f32 v17;
	v14 =	vmul.f32 v14, v6;
	v11 =	vunpack.i.u.bf16.f32 v18;
	[tilespmem:s18+$0x30] =	vst v16;
	(pc) =	sbr.rel @p0 .LBB2_11-.Ltmp4, $4  }
0x2da: {  	v17 =	vmul.f32 v17, v6;
	v13 =	vunpack.i.l.bf16.f32 v18;
	s18 =	sadd.s32 $0x100, s18;
	v16 =	vunpack.i.u.bf16.f32 v15  }
0x2db: {  	v15 =	vunpack.i.l.bf16.f32 v15;
	v20 =	vunpack.i.u.bf16.f32 v12;
	v21 =	vunpack.i.l.bf16.f32 v12;
	[tilespmem:s18+$0x40] =	vst v14  }
0x2dc: {  	s6 =	sadd.s32 $0x3, s9;
	v18 =	vmul.f32 v15, v4;
	v16 =	vmul.f32 v16, v4;
	[tilespmem:s18+$0x50] =	vst v17;
	v12 =	vunpack.i.u.bf16.f32 v10  }
0x2dd: {  	s9 =	sadd.s32 $0x4, s9;
	v19 =	vmov s6;
	v17 =	vmul.f32 v21, v5;
	v15 =	vmul.f32 v20, v5;
	v14 =	vld [tilespmem:s20+$0x30]  }
0x2de: {  	_ = 	snop  }
0x2df: {  	[tilespmem:s18+$0xFFFFFFC0] =	vst v18  }
0x2e0: {  	v20 =	vand.u32 $0x78, v19;
	v21 =	vand.u32 $0x7, v19;
	[tilespmem:s18+$0xFFFFFFD0] =	vst v16  }
0x2e1: {  	v13 =	vmul.f32 v13, v7;
	v11 =	vmul.f32 v11, v7;
	v10 =	vunpack.i.l.bf16.f32 v10;
	v24 =	vld [tilespmem:s20+$0xFFFFFFF0];
	[tilespmem:s18+$0x0] =	vst v17  }
0x2e2: {  	s9 =	sadd.s32 $0x80, s20;
	v27 =	vmov s25;
	v9 =	vld.idx.msk [tilespmem:v9+s24+$0x0], $0xffff;
	v22 =	vadd.s32 v2, v20;
	[tilespmem:s18+$0x10] =	vst v15;
	v10 =	vmul.f32 v10, v3  }
0x2e3: {  	v3 =	vmul.f32 v12, v3;
	v31 =	vand.u32 $0x78, v27;
	v37 =	vld [tilespmem:s9+$0xFFFFFFE0];
	v23 =	vor.u32 v21, v22;
	[tilespmem:s18+$0xFFFFFF80] =	vst v13  }
0x2e4: {  	v34 =	vand.u32 $0x4, v27;
	v25 =	vld [tilespmem:s20+$0x10];
	[tilespmem:s18+$0xFFFFFF90] =	vst v11;
	v2 =	vadd.s32 v2, v31;
	v26 =	vunpack.i.u.bf16.f32 v14  }
0x2e5: {  	v2 =	vor.u32 v34, v2;
	[tilespmem:s14+$0xFFFFFFB0] =	vst v3;
	v3 =	vld [tilespmem:s9+$0x0];
	v28 =	vunpack.i.l.bf16.f32 v14;
	v29 =	vmul.f32 v26, v6  }
0x2e6: {  	v8 =	vld.idx.msk [tilespmem:v8+s24+$0x0], $0xffff;
	[tilespmem:s14+$0xFFFFFFA0] =	vst v10;
	v32 =	vmul.f32 v28, v6;
	v35 =	vunpack.i.l.bf16.f32 v24  }
0x2e7: {  	v30 =	vld [tilespmem:s9+$0x20];
	v36 =	vunpack.i.u.bf16.f32 v24;
	[tilespmem:s18+$0x70] =	vst v29;
	v12 =	vmul.f32 v35, v4  }
0x2e8: {  	v6 =	vunpack.i.u.bf16.f32 v37;
	v33 =	vld.idx.msk [tilespmem:v23+s24+$0x0], $0xffff;
	[tilespmem:s18+$0x60] =	vst v32;
	v38 =	vmul.f32 v36, v4  }
0x2e9: {  	v42 =	vld [tilespmem:s9+$0xFFFFFFC0];
	v39 =	vunpack.i.l.bf16.f32 v25;
	v47 =	vmul.f32 v6, v9;
	[tilespmem:s18+$0xFFFFFFE0] =	vst v12  }
0x2ea: {  	s6 =	sadd.s32 $0x100, s18;
	v11 =	vmul.f32 v39, v5;
	v2 =	vld.idx.msk [tilespmem:v2+s24+$0x0], $0xffff;
	v46 =	vunpack.i.l.bf16.f32 v3;
	v3 =	vunpack.i.u.bf16.f32 v3;
	[tilespmem:s18+$0xFFFFFFF0] =	vst v38  }
0x2eb: {  	v45 =	vld [tilespmem:s19+$0xFFFFFFD0];
	v44 =	vunpack.i.l.bf16.f32 v37;
	v3 =	vmul.f32 v3, v8;
	[tilespmem:s6+$0xFFFFFFD0] =	vst v47  }
0x2ec: {  	v40 =	vunpack.i.l.bf16.f32 v30;
	[tilespmem:s18+$0x20] =	vst v11;
	v11 =	vmul.f32 v44, v9  }
0x2ed: {  	v41 =	vunpack.i.u.bf16.f32 v30;
	[tilespmem:s6+$0x10] =	vst v3;
	v12 =	vmul.f32 v40, v33  }
0x2ee: {  	v49 =	vunpack.i.l.bf16.f32 v42;
	v4 =	vmul.f32 v41, v33;
	[tilespmem:s6+$0xFFFFFFC0] =	vst v11  }
0x2ef: {  	v50 =	vunpack.i.u.bf16.f32 v42;
	v11 =	vmul.f32 v49, v2;
	v51 =	vld [tilespmem:s9+$0xFFFFFFF0];
	[tilespmem:s6+$0x40] =	vst v12  }
0x2f0: {  	v53 =	vunpack.i.l.bf16.f32 v45;
	v52 =	vmul.f32 v50, v2;
	[tilespmem:s6+$0x50] =	vst v4  }
0x2f1: {  	v3 =	vmul.f32 v53, v7;
	v48 =	vld [tilespmem:s9+$0x30];
	[tilespmem:s6+$0xFFFFFF80] =	vst v11  }
0x2f2: {  	v13 =	vunpack.i.u.bf16.f32 v25;
	v4 =	vmul.f32 v46, v8;
	[tilespmem:s6+$0xFFFFFF90] =	vst v52  }
0x2f3: {  	v43 =	vmul.f32 v13, v5;
	v57 =	vunpack.i.u.bf16.f32 v45;
	[tilespmem:s18+$0xFFFFFFA0] =	vst v3;
	v3 =	vld [tilespmem:s9+$0xFFFFFFD0]  }
0x2f4: {  	v58 =	vmul.f32 v57, v7;
	[tilespmem:s6+$0x0] =	vst v4;
	v59 =	vunpack.i.l.bf16.f32 v51  }
0x2f5: {  	[tilespmem:s18+$0x30] =	vst v43;
	v54 =	vld [tilespmem:s9+$0x10];
	v60 =	vunpack.i.u.bf16.f32 v51;
	v10 =	vmul.f32 v59, v9  }
0x2f6: {  	[tilespmem:s18+$0xFFFFFFB0] =	vst v58;
	v4 =	vmul.f32 v60, v9;
	v55 =	vunpack.i.u.bf16.f32 v48  }
0x2f7: {  	v6 =	vunpack.i.l.bf16.f32 v48;
	v56 =	vmul.f32 v55, v33;
	[tilespmem:s6+$0xFFFFFFE0] =	vst v10  }
0x2f8: {  	v6 =	vmul.f32 v6, v33;
	[tilespmem:s6+$0xFFFFFFF0] =	vst v4;
	v62 =	vunpack.i.l.bf16.f32 v3  }
0x2f9: {  	v3 =	vunpack.i.u.bf16.f32 v3;
	v4 =	vmul.f32 v62, v2;
	[tilespmem:s6+$0x70] =	vst v56  }
0x2fa: {  	v61 =	vunpack.i.l.bf16.f32 v54;
	v2 =	vmul.f32 v3, v2;
	[tilespmem:s6+$0x60] =	vst v6  }
0x2fb: {  	s19 =	smul.u32 $0x140, s13;
	v5 =	vunpack.i.u.bf16.f32 v54;
	v6 =	vmul.f32 v61, v8;
	[tilespmem:s6+$0xFFFFFFA0] =	vst v4  }
0x2fc: {  	v5 =	vmul.f32 v5, v8;
	[tilespmem:s6+$0xFFFFFFB0] =	vst v2  }
0x2fd: {  	s9 =	sshra.s32 s19, $0x2;
	[tilespmem:s6+$0x20] =	vst v6  }
0x2fe: {  	s25 =	simm.s32 $0x10950;
	p0 =	seq.s32 s7, $0x28;
	s20 =	sadd.s32 $0x7530, s9;
	[tilespmem:s6+$0x30] =	vst v5  }
0x2ff: {  	[spmem:s1] =	stream.indirect.scatter.add.f32 [tilespmem:s25], [sflag:$0x6], $0x40, s20, s5, $0xb8;
	v63 =	vld [tilespmem:$0x0]  }
.Ltmp5:
0x300: {  	_ = 	snop;
	(pc) =	sbr.rel @p0 .LBB2_14-.Ltmp5, $4  }
0x301: {  	_ =	swait.ge [sflag:s31], $0x1400  }
0x302: {  	[sflag:s31] =	ssyncset.done $0x0  }
0x303: {  	s12 =	sadd.s32 $0x5, s12;
	[sflag:s31] =	ssyncadd.s32 $0xFFFFEC00  }
0x304: {  	[tilespmem:s23], [sflag:$0x2] =	stream.indirect.gather [hbm4b:s4+s5], $0x20, s0, s5, $0xb8;
	v63 =	vld [tilespmem:$0x0]  }
0x305: {  	s0 =	smul.u32 $0x50, s12;
	_ =	sdelay $0x1  }
0x306: {  	v2 =	vld [tilespmem:s0+$0x4E20]  }
0x307: {  	v3 =	vld [tilespmem:s0+$0x7530];
	_ =	sdelay $0x6  }
0x308: {  	v2 =	vld.idx.msk [tilespmem:v2+s3+$0x0], $0xffff  }
0x309: {  	v4 =	vld.idx.msk [tilespmem:v3+s22+$0x0], $0xffff;
	_ =	sdelay $0x4  }
0x30a: {  	v2 =	vadd.f32 v4, v2;
	_ =	sdelay $0x1  }
0x30b: {  	v4 =	vmul.f32 $2.000000030e-01, v2  }
0x30c: {  	vm0 =	vge.f32 v2, $0.0e+00  }
0x30d: {  	v2 =	vsel vm0, v2, v4  }
0x30e: {  	v2 =	vsub.f32 v2, v1;
	_ =	sdelay $0x1  }
0x30f: {  	v2 =	vmul.f32 $1.442695020e+00, v2;
	_ =	sdelay $0x1  }
0x310: {  	(erf) = vpow2.f32 v2;
	_ =	sdelay $0x8  }
0x311: {  	v2 =	vpop (erf)  }
0x312: {  	[tilespmem:s0+$0x9C40] =	vst v2  }
0x313: {  	[tilespmem:v3+s2+$0x0] =	vst.idx.add.f32.msk $0xffff, v2  }
0x314: {  	v2 =	vld [tilespmem:s0+$0x4E30]  }
0x315: {  	v3 =	vld [tilespmem:s0+$0x7540];
	_ =	sdelay $0x6  }
0x316: {  	v2 =	vld.idx.msk [tilespmem:v2+s3+$0x0], $0xffff  }
0x317: {  	v59 =	vld.idx.msk [tilespmem:v3+s22+$0x0], $0xffff;
	_ =	sdelay $0x4  }
0x318: {  	v2 =	vadd.f32 v59, v2;
	_ =	sdelay $0x1  }
0x319: {  	v4 =	vmul.f32 $2.000000030e-01, v2  }
0x31a: {  	vm12 =	vge.f32 v2, $0.0e+00  }
0x31b: {  	v2 =	vsel vm12, v2, v4  }
0x31c: {  	v2 =	vsub.f32 v2, v1;
	_ =	sdelay $0x1  }
0x31d: {  	v2 =	vmul.f32 $1.442695020e+00, v2;
	_ =	sdelay $0x1  }
0x31e: {  	(erf) = vpow2.f32 v2;
	_ =	sdelay $0x8  }
0x31f: {  	v2 =	vpop (erf)  }
0x320: {  	[tilespmem:s0+$0x9C50] =	vst v2  }
0x321: {  	[tilespmem:v3+s2+$0x0] =	vst.idx.add.f32.msk $0xffff, v2  }
0x322: {  	v2 =	vld [tilespmem:s0+$0x4E40]  }
0x323: {  	v3 =	vld [tilespmem:s0+$0x7550];
	_ =	sdelay $0x6  }
0x324: {  	v2 =	vld.idx.msk [tilespmem:v2+s3+$0x0], $0xffff  }
0x325: {  	v60 =	vld.idx.msk [tilespmem:v3+s22+$0x0], $0xffff;
	_ =	sdelay $0x4  }
0x326: {  	v2 =	vadd.f32 v60, v2;
	_ =	sdelay $0x1  }
0x327: {  	v4 =	vmul.f32 $2.000000030e-01, v2  }
0x328: {  	vm13 =	vge.f32 v2, $0.0e+00  }
0x329: {  	v2 =	vsel vm13, v2, v4  }
0x32a: {  	v2 =	vsub.f32 v2, v1;
	_ =	sdelay $0x1  }
0x32b: {  	v2 =	vmul.f32 $1.442695020e+00, v2;
	_ =	sdelay $0x1  }
0x32c: {  	(erf) = vpow2.f32 v2;
	_ =	sdelay $0x8  }
0x32d: {  	v2 =	vpop (erf)  }
0x32e: {  	[tilespmem:s0+$0x9C60] =	vst v2  }
0x32f: {  	[tilespmem:v3+s2+$0x0] =	vst.idx.add.f32.msk $0xffff, v2  }
0x330: {  	v2 =	vld [tilespmem:s0+$0x4E50]  }
0x331: {  	v3 =	vld [tilespmem:s0+$0x7560];
	_ =	sdelay $0x6  }
0x332: {  	v2 =	vld.idx.msk [tilespmem:v2+s3+$0x0], $0xffff  }
0x333: {  	v61 =	vld.idx.msk [tilespmem:v3+s22+$0x0], $0xffff;
	_ =	sdelay $0x4  }
0x334: {  	v2 =	vadd.f32 v61, v2;
	_ =	sdelay $0x1  }
0x335: {  	v4 =	vmul.f32 $2.000000030e-01, v2  }
0x336: {  	vm14 =	vge.f32 v2, $0.0e+00  }
0x337: {  	v2 =	vsel vm14, v2, v4  }
0x338: {  	v2 =	vsub.f32 v2, v1;
	_ =	sdelay $0x1  }
0x339: {  	v2 =	vmul.f32 $1.442695020e+00, v2;
	_ =	sdelay $0x1  }
0x33a: {  	(erf) = vpow2.f32 v2;
	_ =	sdelay $0x8  }
0x33b: {  	v2 =	vpop (erf)  }
0x33c: {  	[tilespmem:s0+$0x9C70] =	vst v2  }
0x33d: {  	[tilespmem:v3+s2+$0x0] =	vst.idx.add.f32.msk $0xffff, v2  }
0x33e: {  	v2 =	vld [tilespmem:s0+$0x4E60]  }
0x33f: {  	v3 =	vld [tilespmem:s0+$0x7570];
	_ =	sdelay $0x6  }
0x340: {  	v2 =	vld.idx.msk [tilespmem:v2+s3+$0x0], $0xffff  }
0x341: {  	v62 =	vld.idx.msk [tilespmem:v3+s22+$0x0], $0xffff;
	_ =	sdelay $0x4  }
0x342: {  	v2 =	vadd.f32 v62, v2;
	_ =	sdelay $0x1  }
0x343: {  	v4 =	vmul.f32 $2.000000030e-01, v2  }
0x344: {  	vm15 =	vge.f32 v2, $0.0e+00  }
0x345: {  	v2 =	vsel vm15, v2, v4  }
0x346: {  	v2 =	vsub.f32 v2, v1;
	_ =	sdelay $0x1  }
0x347: {  	v2 =	vmul.f32 $1.442695020e+00, v2;
	_ =	sdelay $0x1  }
0x348: {  	(erf) = vpow2.f32 v2;
	_ =	sdelay $0x8  }
0x349: {  	v2 =	vpop (erf)  }
0x34a: {  	[tilespmem:s0+$0x9C80] =	vst v2  }
0x34b: {  	[tilespmem:v3+s2+$0x0] =	vst.idx.add.f32.msk $0xffff, v2  }
.LBB2_14:
0x34c: {  	v2 =	vmov s11  }
0x34d: {  	v2 =	vmul.u32 $0x50, v2  }
0x34e: {  	s0 =	simm.s32 $0x3  }
0x34f: {  	v3 =	vmov s0;
	v2 =	vbroadcast v2, $0x0  }
0x350: {  	v4 =	vand.u32 $0x78, v3  }
0x351: {  	s19 =	simm.s32 $0x1;
	v3 =	vand.u32 $0x7, v3;
	v4 =	vadd.s32 v2, v4  }
0x352: {  	v5 =	vmov s19;
	v3 =	vor.u32 v3, v4  }
0x353: {  	_ =	swait.ge [sflag:s26], $0xA00;
	s20 =	simm.s32 $0x2;
	v4 =	vand.u32 $0x78, v5  }
0x354: {  	[sflag:s26] =	ssyncset.done $0x0;
	v6 =	vmov s20;
	v5 =	vand.u32 $0x5, v5;
	v4 =	vadd.s32 v2, v4  }
0x355: {  	s25 =	simm.s32 $0xC390;
	[sflag:s26] =	ssyncadd.s32 $0xFFFFF600;
	v7 =	vand.u32 $0x78, v6;
	v4 =	vor.u32 v5, v4  }
0x356: {  	s6 =	simm.s32 $0x0;
	v5 =	vand.u32 $0x6, v6;
	v6 =	vadd.s32 v2, v7;
	v7 =	vld [tilespmem:s25+$0x20]  }
0x357: {  	s9 =	simm.s32 $0x6;
	v5 =	vor.u32 v5, v6;
	v6 =	vmov s6;
	v8 =	vld.idx.msk [tilespmem:v3+s24+$0x0], $0xffff  }
0x358: {  	v11 =	vmov s9;
	v9 =	vld [tilespmem:s25+$0xFFFFFFE0];
	v3 =	vand.u32 $0x78, v6  }
0x359: {  	v14 =	vand.u32 $0x78, v11;
	v12 =	vld [tilespmem:s25+$0x0];
	v6 =	vand.u32 $0x4, v6;
	v3 =	vadd.s32 v2, v3  }
0x35a: {  	s14 =	simm.s32 $0x5;
	v11 =	vand.u32 $0x6, v11;
	v14 =	vadd.s32 v2, v14;
	v10 =	vld.idx.msk [tilespmem:v4+s24+$0x0], $0xffff;
	v3 =	vor.u32 v6, v3  }
0x35b: {  	v4 =	vmov s14;
	v13 =	vunpack.i.l.bf16.f32 v7;
	v7 =	vunpack.i.u.bf16.f32 v7  }
0x35c: {  	v6 =	vand.u32 $0x5, v4;
	v4 =	vand.u32 $0x78, v4;
	v5 =	vld.idx.msk [tilespmem:v5+s24+$0x0], $0xffff;
	v13 =	vmul.f32 v13, v8  }
0x35d: {  	s11 =	simm.s32 $0xE1D0;
	v11 =	vor.u32 v11, v14;
	v4 =	vadd.s32 v2, v4;
	v7 =	vmul.f32 v7, v8  }
0x35e: {  	s16 =	simm.s32 $0x7;
	v15 =	vld [tilespmem:s25+$0xFFFFFFC0];
	v4 =	vor.u32 v6, v4;
	v6 =	vunpack.i.l.bf16.f32 v9;
	v9 =	vunpack.i.u.bf16.f32 v9;
	[tilespmem:s11+$0x40] =	vst v13  }
0x35f: {  	v3 =	vld.idx.msk [tilespmem:v3+s24+$0x0], $0xffff;
	v6 =	vmul.f32 v6, v10;
	[tilespmem:s11+$0x50] =	vst v7;
	v7 =	vunpack.i.l.bf16.f32 v12;
	v13 =	vmov s16  }
0x360: {  	v9 =	vmul.f32 v9, v10;
	v12 =	vunpack.i.u.bf16.f32 v12;
	v16 =	vand.u32 $0x78, v13  }
0x361: {  	v14 =	vld [tilespmem:s25+$0x30];
	[tilespmem:s11+$0xFFFFFFC0] =	vst v6;
	v6 =	vmul.f32 v12, v5;
	v12 =	vand.u32 $0x7, v13;
	v13 =	vadd.s32 v2, v16  }
0x362: {  	v7 =	vmul.f32 v7, v5;
	[tilespmem:s11+$0xFFFFFFD0] =	vst v9;
	v12 =	vor.u32 v12, v13  }
0x363: {  	s18 =	simm.s32 $0x4;
	s20 =	simm.s32 $0xA;
	v9 =	vunpack.i.u.bf16.f32 v15;
	v15 =	vunpack.i.l.bf16.f32 v15;
	v13 =	vld [tilespmem:s25+$0xFFFFFFF0]  }
0x364: {  	s13 =	simm.s32 $0xC410;
	v18 =	vmov s20;
	[tilespmem:s11+$0x0] =	vst v7;
	v7 =	vmul.f32 v15, v3;
	v15 =	vmov s18  }
0x365: {  	v19 =	vld [tilespmem:s13+$0x20];
	[tilespmem:s11+$0x10] =	vst v6;
	v9 =	vmul.f32 v9, v3;
	v6 =	vand.u32 $0x4, v15;
	v15 =	vand.u32 $0x78, v15  }
0x366: {  	v16 =	vld [tilespmem:s25+$0x10];
	v17 =	vunpack.i.u.bf16.f32 v14;
	v14 =	vunpack.i.l.bf16.f32 v14;
	v15 =	vadd.s32 v2, v15  }
0x367: {  	s19 =	simm.s32 $0x9;
	v14 =	vmul.f32 v14, v8;
	v8 =	vmul.f32 v17, v8;
	v15 =	vor.u32 v6, v15;
	v6 =	vld.idx.msk [tilespmem:v12+s24+$0x0], $0xffff  }
0x368: {  	v20 =	vld [tilespmem:s13+$0xFFFFFFC0];
	v17 =	vmov s19;
	[tilespmem:s11+$0xFFFFFF80] =	vst v7;
	v12 =	vunpack.i.u.bf16.f32 v13;
	v13 =	vunpack.i.l.bf16.f32 v13  }
0x369: {  	v22 =	vld [tilespmem:s13+$0x0];
	[tilespmem:s11+$0xFFFFFF90] =	vst v9;
	v7 =	vand.u32 $0x5, v17;
	v9 =	vand.u32 $0x78, v17;
	v13 =	vmul.f32 v13, v10  }
0x36a: {  	v4 =	vld.idx.msk [tilespmem:v4+s24+$0x0], $0xffff;
	v12 =	vmul.f32 v12, v10;
	[tilespmem:s11+$0x70] =	vst v8;
	v8 =	vand.u32 $0x78, v18;
	v9 =	vadd.s32 v2, v9  }
0x36b: {  	v17 =	vld [tilespmem:s13+$0xFFFFFFE0];
	v10 =	vunpack.i.u.bf16.f32 v16;
	v9 =	vor.u32 v7, v9;
	v7 =	vunpack.i.l.bf16.f32 v19  }
0x36c: {  	[tilespmem:s11+$0x60] =	vst v14;
	v16 =	vunpack.i.l.bf16.f32 v16;
	v21 =	vmul.f32 v10, v5;
	v10 =	vld [tilespmem:s25+$0xFFFFFFD0];
	v7 =	vmul.f32 v7, v6  }
0x36d: {  	s0 =	simm.s32 $0xE2D0;
	v14 =	vand.u32 $0x6, v18;
	v8 =	vadd.s32 v2, v8;
	v16 =	vmul.f32 v16, v5;
	v5 =	vld.idx.msk [tilespmem:v11+s24+$0x0], $0xffff;
	[tilespmem:s11+$0xFFFFFFF0] =	vst v12  }
0x36e: {  	v8 =	vor.u32 v14, v8;
	v11 =	vunpack.i.u.bf16.f32 v20;
	v12 =	vunpack.i.u.bf16.f32 v19;
	[tilespmem:s0+$0x40] =	vst v7;
	v7 =	vld.idx.msk [tilespmem:v15+s24+$0x0], $0xffff  }
0x36f: {  	[tilespmem:s11+$0xFFFFFFE0] =	vst v13;
	v13 =	vunpack.i.l.bf16.f32 v20;
	v20 =	vunpack.i.u.bf16.f32 v22;
	s25 =	simm.s32 $0xB;
	v12 =	vmul.f32 v12, v6  }
0x370: {  	v19 =	vmov s25;
	[tilespmem:s11+$0x20] =	vst v16;
	v14 =	vunpack.i.u.bf16.f32 v17;
	v16 =	vunpack.i.l.bf16.f32 v17  }
0x371: {  	v17 =	vunpack.i.l.bf16.f32 v22;
	v18 =	vmul.f32 v16, v4;
	v16 =	vmul.f32 v14, v4;
	[tilespmem:s0+$0x50] =	vst v12  }
0x372: {  	s9 =	simm.s32 $0xC;
	s14 =	simm.s32 $0xC410;
	s18 =	simm.s32 $0x8;
	[tilespmem:s11+$0x30] =	vst v21;
	v12 =	vunpack.i.u.bf16.f32 v10;
	v17 =	vmul.f32 v17, v5;
	v15 =	vmul.f32 v20, v5;
	v14 =	vld [tilespmem:s13+$0x30]  }
.LBB2_15:
0x373: {  	p1 =	slt.u32 s9, $0x4C;
	v20 =	vand.u32 $0x78, v19;
	v13 =	vmul.f32 v13, v7;
	v11 =	vmul.f32 v11, v7;
	[tilespmem:s0+$0xFFFFFFC0] =	vst v18  }
0x374: {  	v18 =	vand.u32 $0x7, v19;
	v10 =	vunpack.i.l.bf16.f32 v10;
	v19 =	vadd.s32 v2, v20;
	[tilespmem:s0+$0xFFFFFFD0] =	vst v16  }
0x375: {  	v12 =	vmul.f32 v12, v3;
	v10 =	vmul.f32 v10, v3;
	v16 =	vor.u32 v18, v19;
	v18 =	vld [tilespmem:s13+$0xFFFFFFF0];
	[tilespmem:s0+$0x0] =	vst v17  }
0x376: {  	v3 =	vmov v7;
	v17 =	vmov s18;
	s18 =	smov.u32 s9;
	v9 =	vld.idx.msk [tilespmem:v9+s24+$0x0], $0xffff;
	[tilespmem:s0+$0x10] =	vst v15  }
0x377: {  	v7 =	vand.u32 $0x4, v17;
	[tilespmem:s0+$0xFFFFFF80] =	vst v13;
	v13 =	vld [tilespmem:s13+$0x10];
	v15 =	vunpack.i.u.bf16.f32 v14;
	v14 =	vunpack.i.l.bf16.f32 v14  }
0x378: {  	s6 =	sadd.s32 $0x1, s9;
	s16 =	sadd.s32 $0x2, s9;
	v17 =	vand.u32 $0x78, v17;
	s13 =	sadd.s32 $0x80, s13;
	v8 =	vld.idx.msk [tilespmem:v8+s24+$0x0], $0xffff;
	[tilespmem:s0+$0xFFFFFF90] =	vst v11;
	v11 =	vmul.f32 v14, v6;
	v14 =	vmul.f32 v15, v6  }
0x379: {  	v19 =	vmov s16;
	v15 =	vmov s6;
	v6 =	vadd.s32 v2, v17;
	v17 =	vld [tilespmem:s13+$0x20];
	[tilespmem:s11+$0xFFFFFFA0] =	vst v10  }
0x37a: {  	v7 =	vor.u32 v7, v6;
	v6 =	vld.idx.msk [tilespmem:v16+s24+$0x0], $0xffff;
	v10 =	vunpack.i.u.bf16.f32 v18;
	v16 =	vunpack.i.l.bf16.f32 v18;
	[tilespmem:s0+$0x70] =	vst v14  }
0x37b: {  	v14 =	vand.u32 $0x5, v15;
	v18 =	vld [tilespmem:s13+$0xFFFFFFC0];
	v16 =	vmul.f32 v16, v4;
	v20 =	vmul.f32 v10, v4;
	[tilespmem:s0+$0x60] =	vst v11  }
0x37c: {  	v10 =	vand.u32 $0x78, v15;
	v4 =	vmovc v9;
	v15 =	vld [tilespmem:s13+$0xFFFFFFE0];
	v11 =	vunpack.i.u.bf16.f32 v13;
	v13 =	vunpack.i.l.bf16.f32 v13;
	[tilespmem:s11+$0xFFFFFFB0] =	vst v12;
	s11 =	smov.u32 s0  }
0x37d: {  	v9 =	vand.u32 $0x78, v19;
	v12 =	vld [tilespmem:s13+$0x0];
	[tilespmem:s0+$0xFFFFFFE0] =	vst v16;
	v13 =	vmul.f32 v13, v5;
	v16 =	vmul.f32 v11, v5  }
0x37e: {  	v19 =	vand.u32 $0x6, v19;
	v21 =	vadd.s32 v2, v9;
	v11 =	vadd.s32 v2, v10;
	v5 =	vmovc v8;
	v10 =	vld [tilespmem:s14+$0xFFFFFFD0];
	[tilespmem:s0+$0xFFFFFFF0] =	vst v20;
	s14 =	smov.u32 s13  }
0x37f: {  	v8 =	vor.u32 v19, v21;
	v9 =	vor.u32 v14, v11;
	v14 =	vunpack.i.l.bf16.f32 v17;
	v7 =	vld.idx.msk [tilespmem:v7+s24+$0x0], $0xffff;
	[tilespmem:s0+$0x20] =	vst v13  }
.Ltmp6:
0x380: {  	v17 =	vunpack.i.u.bf16.f32 v17;
	v14 =	vmul.f32 v14, v6;
	v11 =	vunpack.i.u.bf16.f32 v18;
	[tilespmem:s0+$0x30] =	vst v16;
	(pc) =	sbr.rel @p1 .LBB2_15-.Ltmp6, $4  }
0x381: {  	v17 =	vmul.f32 v17, v6;
	v13 =	vunpack.i.l.bf16.f32 v18;
	s0 =	sadd.s32 $0x100, s0;
	v16 =	vunpack.i.u.bf16.f32 v15  }
0x382: {  	v15 =	vunpack.i.l.bf16.f32 v15;
	v20 =	vunpack.i.u.bf16.f32 v12;
	v21 =	vunpack.i.l.bf16.f32 v12;
	[tilespmem:s0+$0x40] =	vst v14  }
0x383: {  	s6 =	sadd.s32 $0x3, s9;
	v18 =	vmul.f32 v15, v4;
	v16 =	vmul.f32 v16, v4;
	[tilespmem:s0+$0x50] =	vst v17;
	v12 =	vunpack.i.u.bf16.f32 v10  }
0x384: {  	s9 =	sadd.s32 $0x4, s9;
	v19 =	vmov s6;
	v17 =	vmul.f32 v21, v5;
	v15 =	vmul.f32 v20, v5;
	v14 =	vld [tilespmem:s13+$0x30]  }
0x385: {  	_ = 	snop  }
0x386: {  	[tilespmem:s0+$0xFFFFFFC0] =	vst v18  }
0x387: {  	v20 =	vand.u32 $0x78, v19;
	v21 =	vand.u32 $0x7, v19;
	[tilespmem:s0+$0xFFFFFFD0] =	vst v16  }
0x388: {  	v13 =	vmul.f32 v13, v7;
	v11 =	vmul.f32 v11, v7;
	v10 =	vunpack.i.l.bf16.f32 v10;
	v24 =	vld [tilespmem:s13+$0xFFFFFFF0];
	[tilespmem:s0+$0x0] =	vst v17  }
0x389: {  	s9 =	sadd.s32 $0x80, s13;
	v27 =	vmov s18;
	v9 =	vld.idx.msk [tilespmem:v9+s24+$0x0], $0xffff;
	v22 =	vadd.s32 v2, v20;
	[tilespmem:s0+$0x10] =	vst v15;
	v10 =	vmul.f32 v10, v3  }
0x38a: {  	v3 =	vmul.f32 v12, v3;
	v31 =	vand.u32 $0x78, v27;
	v37 =	vld [tilespmem:s9+$0xFFFFFFE0];
	v23 =	vor.u32 v21, v22;
	[tilespmem:s0+$0xFFFFFF80] =	vst v13  }
0x38b: {  	v34 =	vand.u32 $0x4, v27;
	v25 =	vld [tilespmem:s13+$0x10];
	[tilespmem:s0+$0xFFFFFF90] =	vst v11;
	v2 =	vadd.s32 v2, v31;
	v26 =	vunpack.i.u.bf16.f32 v14  }
0x38c: {  	v2 =	vor.u32 v34, v2;
	[tilespmem:s11+$0xFFFFFFB0] =	vst v3;
	v3 =	vld [tilespmem:s9+$0x0];
	v28 =	vunpack.i.l.bf16.f32 v14;
	v29 =	vmul.f32 v26, v6  }
0x38d: {  	v8 =	vld.idx.msk [tilespmem:v8+s24+$0x0], $0xffff;
	[tilespmem:s11+$0xFFFFFFA0] =	vst v10;
	v32 =	vmul.f32 v28, v6;
	v35 =	vunpack.i.l.bf16.f32 v24  }
0x38e: {  	v30 =	vld [tilespmem:s9+$0x20];
	v36 =	vunpack.i.u.bf16.f32 v24;
	[tilespmem:s0+$0x70] =	vst v29;
	v12 =	vmul.f32 v35, v4  }
0x38f: {  	v6 =	vunpack.i.u.bf16.f32 v37;
	v33 =	vld.idx.msk [tilespmem:v23+s24+$0x0], $0xffff;
	[tilespmem:s0+$0x60] =	vst v32;
	v38 =	vmul.f32 v36, v4  }
0x390: {  	v42 =	vld [tilespmem:s9+$0xFFFFFFC0];
	v39 =	vunpack.i.l.bf16.f32 v25;
	v47 =	vmul.f32 v6, v9;
	[tilespmem:s0+$0xFFFFFFE0] =	vst v12  }
0x391: {  	s6 =	sadd.s32 $0x100, s0;
	v11 =	vmul.f32 v39, v5;
	v2 =	vld.idx.msk [tilespmem:v2+s24+$0x0], $0xffff;
	v46 =	vunpack.i.l.bf16.f32 v3;
	v3 =	vunpack.i.u.bf16.f32 v3;
	[tilespmem:s0+$0xFFFFFFF0] =	vst v38  }
0x392: {  	v45 =	vld [tilespmem:s14+$0xFFFFFFD0];
	v44 =	vunpack.i.l.bf16.f32 v37;
	v3 =	vmul.f32 v3, v8;
	[tilespmem:s6+$0xFFFFFFD0] =	vst v47  }
0x393: {  	v40 =	vunpack.i.l.bf16.f32 v30;
	[tilespmem:s0+$0x20] =	vst v11;
	v11 =	vmul.f32 v44, v9  }
0x394: {  	v41 =	vunpack.i.u.bf16.f32 v30;
	[tilespmem:s6+$0x10] =	vst v3;
	v12 =	vmul.f32 v40, v33  }
0x395: {  	v49 =	vunpack.i.l.bf16.f32 v42;
	v4 =	vmul.f32 v41, v33;
	[tilespmem:s6+$0xFFFFFFC0] =	vst v11  }
0x396: {  	v50 =	vunpack.i.u.bf16.f32 v42;
	v11 =	vmul.f32 v49, v2;
	v51 =	vld [tilespmem:s9+$0xFFFFFFF0];
	[tilespmem:s6+$0x40] =	vst v12  }
0x397: {  	v53 =	vunpack.i.l.bf16.f32 v45;
	v52 =	vmul.f32 v50, v2;
	[tilespmem:s6+$0x50] =	vst v4  }
0x398: {  	v3 =	vmul.f32 v53, v7;
	v48 =	vld [tilespmem:s9+$0x30];
	[tilespmem:s6+$0xFFFFFF80] =	vst v11  }
0x399: {  	v13 =	vunpack.i.u.bf16.f32 v25;
	v4 =	vmul.f32 v46, v8;
	[tilespmem:s6+$0xFFFFFF90] =	vst v52  }
0x39a: {  	v43 =	vmul.f32 v13, v5;
	v57 =	vunpack.i.u.bf16.f32 v45;
	[tilespmem:s0+$0xFFFFFFA0] =	vst v3;
	v3 =	vld [tilespmem:s9+$0xFFFFFFD0]  }
0x39b: {  	v58 =	vmul.f32 v57, v7;
	[tilespmem:s6+$0x0] =	vst v4;
	v59 =	vunpack.i.l.bf16.f32 v51  }
0x39c: {  	[tilespmem:s0+$0x30] =	vst v43;
	v54 =	vld [tilespmem:s9+$0x10];
	v60 =	vunpack.i.u.bf16.f32 v51;
	v10 =	vmul.f32 v59, v9  }
0x39d: {  	[tilespmem:s0+$0xFFFFFFB0] =	vst v58;
	v4 =	vmul.f32 v60, v9;
	v55 =	vunpack.i.u.bf16.f32 v48  }
0x39e: {  	v6 =	vunpack.i.l.bf16.f32 v48;
	v56 =	vmul.f32 v55, v33;
	[tilespmem:s6+$0xFFFFFFE0] =	vst v10  }
0x39f: {  	v6 =	vmul.f32 v6, v33;
	[tilespmem:s6+$0xFFFFFFF0] =	vst v4;
	v62 =	vunpack.i.l.bf16.f32 v3  }
0x3a0: {  	v3 =	vunpack.i.u.bf16.f32 v3;
	v4 =	vmul.f32 v62, v2;
	[tilespmem:s6+$0x70] =	vst v56  }
0x3a1: {  	v61 =	vunpack.i.l.bf16.f32 v54;
	v2 =	vmul.f32 v3, v2;
	[tilespmem:s6+$0x60] =	vst v6  }
0x3a2: {  	v5 =	vunpack.i.u.bf16.f32 v54;
	v6 =	vmul.f32 v61, v8;
	[tilespmem:s6+$0xFFFFFFA0] =	vst v4  }
0x3a3: {  	v5 =	vmul.f32 v5, v8;
	[tilespmem:s6+$0xFFFFFFB0] =	vst v2  }
0x3a4: {  	[tilespmem:s6+$0x20] =	vst v6  }
.Ltmp7:
0x3a5: {  	[tilespmem:s6+$0x30] =	vst v5;
	(pc) =	sbr.rel @p0 .LBB2_18-.Ltmp7, $4  }
0x3a6: {  	[spmem:s1] =	stream.indirect.scatter.add.f32 [tilespmem:s8], [sflag:$0x4], $0x40, s10, s5, $0xb8;
	v63 =	vld [tilespmem:$0x0]  }
0x3a7: {  	_ =	swait.ge [sflag:s17], $0x1400  }
0x3a8: {  	[sflag:s17] =	ssyncset.done $0x0  }
0x3a9: {  	[sflag:s17] =	ssyncadd.s32 $0xFFFFEC00  }
0x3aa: {  	s0 =	smul.u32 $0x140, s12  }
.Ltmp8:
0x3ab: {  	_ = 	snop;
	(pc) =	sbr.rel .LBB2_8-.Ltmp8, $4  }
0x3ac: {  	_ = 	snop  }
0x3ad: {  	s0 =	sshra.s32 s0, $0x2  }
0x3ae: {  	s6 =	simm.s32 $0xD750;
	s7 =	sadd.s32 $0x1, s7;
	s0 =	sadd.s32 $0x4E20, s0  }
0x3af: {  	[tilespmem:s6], [sflag:$0x3] =	stream.indirect.gather [hbm4b:s4+s5], $0x20, s0, s5, $0xb8;
	v63 =	vld [tilespmem:$0x0]  }
.LBB2_18:
0x3b0: {  	s0 =	simm.s32 $0x3  }
0x3b1: {  	v1 =	vmov s0  }
0x3b2: {  	s18 =	simm.s32 $0x1;
	v1 =	vand.u32 $0x7F, v1  }
0x3b3: {  	v2 =	vmov s18;
	v1 =	vadd.s32 $0x26C0, v1  }
0x3b4: {  	_ =	swait.ge [sflag:s28], $0xA00;
	v2 =	vand.u32 $0x7D, v2  }
0x3b5: {  	[sflag:s28] =	ssyncset.done $0x0;
	v2 =	vadd.s32 $0x26C0, v2  }
0x3b6: {  	s19 =	simm.s32 $0x2;
	s9 =	simm.s32 $0xCD90;
	[sflag:s28] =	ssyncadd.s32 $0xFFFFF600  }
0x3b7: {  	v3 =	vmov s19;
	v4 =	vld [tilespmem:s9+$0x20]  }
0x3b8: {  	s20 =	simm.s32 $0x0;
	v3 =	vand.u32 $0x7E, v3;
	v5 =	vld.idx.msk [tilespmem:v1+s24+$0x0], $0xffff  }
0x3b9: {  	v3 =	vadd.s32 $0x26C0, v3;
	v6 =	vld [tilespmem:s9+$0xFFFFFFE0];
	v1 =	vmov s20  }
0x3ba: {  	v2 =	vld.idx.msk [tilespmem:v2+s24+$0x0], $0xffff;
	v1 =	vand.u32 $0x7C, v1  }
0x3bb: {  	s25 =	simm.s32 $0x4;
	v1 =	vadd.s32 $0x26C0, v1  }
0x3bc: {  	v7 =	vmov s25;
	v11 =	vld [tilespmem:s9+$0xFFFFFFC0];
	v8 =	vunpack.i.l.bf16.f32 v4  }
0x3bd: {  	v7 =	vand.u32 $0x7C, v7;
	v9 =	vld [tilespmem:s9+$0x0];
	v4 =	vunpack.i.u.bf16.f32 v4;
	v8 =	vmul.f32 v8, v5  }
0x3be: {  	s7 =	simm.s32 $0xF5D0;
	s6 =	simm.s32 $0x7;
	s12 =	simm.s32 $0xCE10;
	v7 =	vadd.s32 $0x26C0, v7;
	v3 =	vld.idx.msk [tilespmem:v3+s24+$0x0], $0xffff;
	v10 =	vunpack.i.l.bf16.f32 v6;
	v4 =	vmul.f32 v4, v5  }
0x3bf: {  	v16 =	vld [tilespmem:s12+$0xFFFFFFE0];
	v6 =	vunpack.i.u.bf16.f32 v6;
	v10 =	vmul.f32 v10, v2;
	[tilespmem:s7+$0x40] =	vst v8;
	v8 =	vmov s6  }
0x3c0: {  	s10 =	simm.s32 $0x5;
	v12 =	vld.idx.msk [tilespmem:v1+s24+$0x0], $0xffff;
	v1 =	vmul.f32 v6, v2;
	[tilespmem:s7+$0x50] =	vst v4;
	v4 =	vand.u32 $0x7F, v8  }
0x3c1: {  	v14 =	vunpack.i.l.bf16.f32 v11;
	s6 =	simm.s32 $0x6;
	v6 =	vmov s10;
	[tilespmem:s7+$0xFFFFFFC0] =	vst v10;
	v13 =	vld [tilespmem:s9+$0x30];
	v4 =	vadd.s32 $0x26C0, v4  }
0x3c2: {  	v8 =	vmov s6;
	v6 =	vand.u32 $0x7D, v6;
	[tilespmem:s7+$0xFFFFFFD0] =	vst v1;
	v1 =	vunpack.i.l.bf16.f32 v9  }
0x3c3: {  	v6 =	vadd.s32 $0x26C0, v6;
	v9 =	vunpack.i.u.bf16.f32 v9;
	v10 =	vld [tilespmem:s9+$0xFFFFFFF0];
	v15 =	vmul.f32 v1, v3  }
0x3c4: {  	v19 =	vunpack.i.l.bf16.f32 v16;
	v8 =	vand.u32 $0x7E, v8;
	v1 =	vld.idx.msk [tilespmem:v7+s24+$0x0], $0xffff;
	v9 =	vmul.f32 v9, v3  }
0x3c5: {  	v8 =	vadd.s32 $0x26C0, v8;
	v7 =	vunpack.i.u.bf16.f32 v11;
	v11 =	vmul.f32 v14, v12;
	v14 =	vld [tilespmem:s12+$0x20];
	[tilespmem:s7+$0x0] =	vst v15  }
0x3c6: {  	s11 =	simm.s32 $0x8;
	v7 =	vmul.f32 v7, v12;
	[tilespmem:s7+$0x10] =	vst v9;
	v15 =	vunpack.i.u.bf16.f32 v13;
	v13 =	vunpack.i.l.bf16.f32 v13;
	v4 =	vld.idx.msk [tilespmem:v4+s24+$0x0], $0xffff  }
0x3c7: {  	s13 =	simm.s32 $0x9;
	v9 =	vmov s11;
	v13 =	vmul.f32 v13, v5;
	v5 =	vmul.f32 v15, v5;
	v15 =	vld [tilespmem:s12+$0xFFFFFFC0];
	[tilespmem:s7+$0xFFFFFF80] =	vst v11  }
0x3c8: {  	s14 =	simm.s32 $0xA;
	v9 =	vand.u32 $0x7C, v9;
	v11 =	vmov s13;
	v18 =	vld.idx.msk [tilespmem:v6+s24+$0x0], $0xffff;
	[tilespmem:s7+$0xFFFFFF90] =	vst v7;
	v17 =	vunpack.i.l.bf16.f32 v10  }
0x3c9: {  	v7 =	vmov s14;
	v6 =	vunpack.i.u.bf16.f32 v10;
	v10 =	vmul.f32 v17, v2;
	[tilespmem:s7+$0x70] =	vst v5  }
0x3ca: {  	v5 =	vld [tilespmem:s12+$0x0];
	v6 =	vmul.f32 v6, v2;
	v17 =	vadd.s32 $0x26C0, v9;
	[tilespmem:s7+$0x60] =	vst v13;
	v9 =	vunpack.i.l.bf16.f32 v14  }
0x3cb: {  	v2 =	vld.idx.msk [tilespmem:v8+s24+$0x0], $0xffff;
	v8 =	vand.u32 $0x7D, v11;
	v11 =	vunpack.i.u.bf16.f32 v14;
	[tilespmem:s7+$0xFFFFFFE0] =	vst v10;
	v9 =	vmul.f32 v9, v4  }
0x3cc: {  	s0 =	simm.s32 $0xF6D0;
	v7 =	vand.u32 $0x7E, v7;
	v13 =	vld [tilespmem:s9+$0x10];
	v14 =	vadd.s32 $0x26C0, v8;
	[tilespmem:s7+$0xFFFFFFF0] =	vst v6;
	v8 =	vmul.f32 v11, v4  }
0x3cd: {  	s16 =	simm.s32 $0xB;
	v11 =	vadd.s32 $0x26C0, v7;
	v7 =	vld [tilespmem:s9+$0xFFFFFFD0];
	v10 =	vunpack.i.l.bf16.f32 v15;
	v19 =	vmul.f32 v19, v18;
	[tilespmem:s0+$0x40] =	vst v9  }
0x3ce: {  	v10 =	vmul.f32 v10, v1;
	v9 =	vunpack.i.u.bf16.f32 v16;
	v16 =	vmov s16;
	[tilespmem:s0+$0x50] =	vst v8  }
0x3cf: {  	v6 =	vunpack.i.l.bf16.f32 v5;
	[tilespmem:s0+$0xFFFFFFC0] =	vst v19;
	v8 =	vmul.f32 v9, v18;
	v9 =	vand.u32 $0x7F, v16  }
0x3d0: {  	v5 =	vunpack.i.u.bf16.f32 v5;
	v16 =	vld [tilespmem:s12+$0x30];
	v6 =	vmul.f32 v6, v2;
	[tilespmem:s0+$0xFFFFFF80] =	vst v10;
	v9 =	vadd.s32 $0x26C0, v9  }
0x3d1: {  	v15 =	vunpack.i.u.bf16.f32 v15;
	v19 =	vunpack.i.l.bf16.f32 v13;
	v5 =	vmul.f32 v5, v2;
	[tilespmem:s0+$0xFFFFFFD0] =	vst v8  }
0x3d2: {  	s11 =	simm.s32 $0xCE90;
	v8 =	vmul.f32 v15, v1;
	v15 =	vunpack.i.u.bf16.f32 v7;
	[tilespmem:s0+$0x0] =	vst v6;
	v6 =	vunpack.i.u.bf16.f32 v13;
	v20 =	vld [tilespmem:s12+$0xFFFFFFF0]  }
0x3d3: {  	s18 =	simm.s32 $0xC;
	v21 =	vld [tilespmem:s11+$0x20];
	v7 =	vunpack.i.l.bf16.f32 v7;
	v13 =	vmul.f32 v19, v3;
	[tilespmem:s0+$0x10] =	vst v5;
	v3 =	vmul.f32 v6, v3  }
0x3d4: {  	s20 =	simm.s32 $0xE;
	v10 =	vmov s18;
	v19 =	vmul.f32 v7, v12;
	[tilespmem:s0+$0xFFFFFF90] =	vst v8;
	v8 =	vmul.f32 v15, v12;
	v12 =	vld [tilespmem:s11+$0xFFFFFFC0]  }
0x3d5: {  	[tilespmem:s7+$0x20] =	vst v13;
	v5 =	vunpack.i.u.bf16.f32 v16;
	v7 =	vunpack.i.l.bf16.f32 v16;
	v16 =	vmov s20;
	v6 =	vld.idx.msk [tilespmem:v9+s24+$0x0], $0xffff  }
0x3d6: {  	s19 =	simm.s32 $0xD;
	v15 =	vld [tilespmem:s11+$0xFFFFFFE0];
	[tilespmem:s7+$0x30] =	vst v3;
	v5 =	vmul.f32 v5, v4;
	v4 =	vmul.f32 v7, v4;
	v7 =	vand.u32 $0x7C, v10  }
0x3d7: {  	[tilespmem:s7+$0xFFFFFFA0] =	vst v19;
	v9 =	vmov s19;
	v10 =	vunpack.i.u.bf16.f32 v20;
	v13 =	vunpack.i.l.bf16.f32 v20;
	v20 =	vld [tilespmem:s11+$0x0]  }
0x3d8: {  	v7 =	vadd.s32 $0x26C0, v7;
	v3 =	vand.u32 $0x7D, v9;
	[tilespmem:s0+$0x70] =	vst v5;
	v5 =	vld.idx.msk [tilespmem:v14+s24+$0x0], $0xffff;
	v13 =	vmul.f32 v13, v18  }
0x3d9: {  	[tilespmem:s0+$0x60] =	vst v4;
	v4 =	vunpack.i.l.bf16.f32 v21;
	v18 =	vmul.f32 v10, v18;
	v10 =	vadd.s32 $0x26C0, v3;
	v3 =	vld.idx.msk [tilespmem:v17+s24+$0x0], $0xffff  }
0x3da: {  	v9 =	vand.u32 $0x7E, v16;
	v16 =	vunpack.i.u.bf16.f32 v21;
	[tilespmem:s0+$0xFFFFFFE0] =	vst v13;
	v17 =	vmul.f32 v4, v6;
	v4 =	vld.idx.msk [tilespmem:v11+s24+$0x0], $0xffff  }
0x3db: {  	s25 =	simm.s32 $0xF;
	s10 =	simm.s32 $0xF7D0;
	v14 =	vunpack.i.l.bf16.f32 v12;
	v13 =	vunpack.i.u.bf16.f32 v12;
	[tilespmem:s0+$0xFFFFFFF0] =	vst v18;
	v22 =	vmul.f32 v16, v6;
	v12 =	vld [tilespmem:s12+$0x10]  }
0x3dc: {  	v19 =	vmov s25;
	v9 =	vadd.s32 $0x26C0, v9;
	v11 =	vld [tilespmem:s12+$0xFFFFFFD0];
	[tilespmem:s10+$0x40] =	vst v17  }
0x3dd: {  	v62 =	vunpack.i.u.bf16.f32 v15;
	v15 =	vunpack.i.l.bf16.f32 v15;
	v16 =	vunpack.i.u.bf16.f32 v20;
	[tilespmem:s10+$0x50] =	vst v22  }
0x3de: {  	s9 =	simm.s32 $0x10;
	s12 =	simm.s32 $0xCE90;
	v18 =	vunpack.i.l.bf16.f32 v20;
	v17 =	vmul.f32 v15, v5;
	v15 =	vmul.f32 v62, v5;
	s16 =	rddreg [dreg:$0xa]  }
.LBB2_19:
0x3df: {  	p0 =	slt.u32 s9, $0x4C;
	v19 =	vand.u32 $0x7F, v19;
	v18 =	vmul.f32 v18, v4;
	v16 =	vmul.f32 v16, v4;
	v20 =	vld [tilespmem:s11+$0x30];
	[tilespmem:s7+$0xFFFFFFB0] =	vst v8;
	s7 =	smov.u32 s0;
	s0 =	smov.u32 s10  }
0x3e0: {  	v14 =	vmul.f32 v14, v3;
	v13 =	vmul.f32 v13, v3;
	v7 =	vld.idx.msk [tilespmem:v7+s24+$0x0], $0xffff;
	v19 =	vadd.s32 $0x26C0, v19;
	[tilespmem:s10+$0xFFFFFFC0] =	vst v17  }
0x3e1: {  	v8 =	vunpack.i.u.bf16.f32 v11;
	v10 =	vld.idx.msk [tilespmem:v10+s24+$0x0], $0xffff;
	[tilespmem:s10+$0xFFFFFFD0] =	vst v15;
	v15 =	vunpack.i.u.bf16.f32 v12;
	v12 =	vunpack.i.l.bf16.f32 v12  }
0x3e2: {  	v11 =	vunpack.i.l.bf16.f32 v11;
	v17 =	vld [tilespmem:s11+$0xFFFFFFF0];
	[tilespmem:s10+$0x0] =	vst v18;
	v12 =	vmul.f32 v12, v2;
	v15 =	vmul.f32 v15, v2;
	v2 =	vmovc v4  }
0x3e3: {  	v8 =	vmul.f32 v8, v1;
	s11 =	sadd.s32 $0x80, s11;
	v4 =	vld.idx.msk [tilespmem:v9+s24+$0x0], $0xffff;
	[tilespmem:s10+$0x10] =	vst v16;
	v16 =	vmul.f32 v11, v1;
	v1 =	vmov v3  }
0x3e4: {  	v18 =	vld [tilespmem:s11+$0x20];
	[tilespmem:s10+$0xFFFFFF80] =	vst v14;
	v21 =	vunpack.i.u.bf16.f32 v20;
	v9 =	vunpack.i.l.bf16.f32 v20  }
0x3e5: {  	v11 =	vmov s9;
	[tilespmem:s10+$0xFFFFFF90] =	vst v13;
	v9 =	vmul.f32 v9, v6;
	v13 =	vmul.f32 v21, v6;
	v6 =	vld.idx.msk [tilespmem:v19+s24+$0x0], $0xffff  }
0x3e6: {  	s6 =	sadd.s32 $0x1, s9;
	v11 =	vand.u32 $0x7C, v11;
	v3 =	vmov v7;
	v14 =	vld [tilespmem:s11+$0xFFFFFFC0];
	[tilespmem:s7+$0x20] =	vst v12  }
0x3e7: {  	v12 =	vmov s6;
	s6 =	sadd.s32 $0x2, s9;
	v19 =	vld [tilespmem:s11+$0xFFFFFFE0];
	v7 =	vunpack.i.u.bf16.f32 v17;
	v17 =	vunpack.i.l.bf16.f32 v17;
	[tilespmem:s10+$0x70] =	vst v13  }
0x3e8: {  	v13 =	vmov s6;
	v20 =	vld [tilespmem:s11+$0x0];
	v17 =	vmul.f32 v17, v5;
	v21 =	vmul.f32 v7, v5;
	[tilespmem:s7+$0x30] =	vst v15;
	v5 =	vmovc v10  }
0x3e9: {  	v7 =	vadd.s32 $0x26C0, v11;
	v10 =	vand.u32 $0x7D, v12;
	v11 =	vand.u32 $0x7E, v13;
	v12 =	vld [tilespmem:s12+$0x10];
	[tilespmem:s10+$0x60] =	vst v9  }
.Ltmp9:
0x3ea: {  	v10 =	vadd.s32 $0x26C0, v10;
	v9 =	vadd.s32 $0x26C0, v11;
	v15 =	vunpack.i.l.bf16.f32 v18;
	v11 =	vld [tilespmem:s12+$0xFFFFFFD0];
	[tilespmem:s10+$0xFFFFFFE0] =	vst v17;
	s12 =	smov.u32 s11;
	(pc) =	sbr.rel @p0 .LBB2_19-.Ltmp9, $4  }
0x3eb: {  	v17 =	vunpack.i.u.bf16.f32 v18;
	v15 =	vmul.f32 v15, v6;
	v13 =	vunpack.i.u.bf16.f32 v14;
	[tilespmem:s10+$0xFFFFFFF0] =	vst v21  }
0x3ec: {  	v14 =	vunpack.i.l.bf16.f32 v14;
	v22 =	vmul.f32 v17, v6;
	s10 =	sadd.s32 $0x100, s10;
	v21 =	vunpack.i.u.bf16.f32 v19;
	[tilespmem:s7+$0xFFFFFFA0] =	vst v16  }
0x3ed: {  	s6 =	sadd.s32 $0x3, s9;
	v17 =	vunpack.i.l.bf16.f32 v19;
	v16 =	vunpack.i.u.bf16.f32 v20;
	v18 =	vunpack.i.l.bf16.f32 v20;
	[tilespmem:s10+$0x40] =	vst v15  }
0x3ee: {  	s9 =	sadd.s32 $0x4, s9;
	v19 =	vmov s6;
	v17 =	vmul.f32 v17, v5;
	v15 =	vmul.f32 v21, v5;
	[tilespmem:s10+$0x50] =	vst v22  }
0x3ef: {  	[tilespmem:s7+$0xFFFFFFB0] =	vst v8  }
0x3f0: {  	v18 =	vmul.f32 v18, v4;
	[tilespmem:s10+$0xFFFFFFC0] =	vst v17  }
0x3f1: {  	v16 =	vmul.f32 v16, v4;
	[tilespmem:s10+$0xFFFFFFD0] =	vst v15  }
0x3f2: {  	v59 =	vld [tilespmem:s11+$0x30];
	v14 =	vmul.f32 v14, v3;
	[tilespmem:s10+$0x0] =	vst v18  }
0x3f3: {  	v13 =	vmul.f32 v13, v3;
	v61 =	vunpack.i.l.bf16.f32 v12;
	s25 =	sadd.s32 $0x80, s11;
	v34 =	vld.idx.msk [tilespmem:v9+s24+$0x0], $0xffff;
	[tilespmem:s10+$0x10] =	vst v16  }
0x3f4: {  	v22 =	vunpack.i.u.bf16.f32 v12;
	v62 =	vmul.f32 v61, v2;
	v32 =	vld [tilespmem:s25+$0x0];
	[tilespmem:s10+$0xFFFFFF80] =	vst v14  }
0x3f5: {  	v28 =	vunpack.i.l.bf16.f32 v11;
	v2 =	vmul.f32 v22, v2;
	v15 =	vld [tilespmem:s11+$0xFFFFFFF0];
	[tilespmem:s10+$0xFFFFFF90] =	vst v13  }
0x3f6: {  	v30 =	vunpack.i.u.bf16.f32 v11;
	v31 =	vmul.f32 v28, v1;
	[tilespmem:s0+$0x20] =	vst v62  }
0x3f7: {  	v29 =	vld [tilespmem:s25+$0xFFFFFFE0];
	v1 =	vmul.f32 v30, v1;
	[tilespmem:s0+$0x30] =	vst v2;
	v21 =	vunpack.i.u.bf16.f32 v59  }
0x3f8: {  	v19 =	vand.u32 $0x7F, v19;
	v2 =	vld.idx.msk [tilespmem:v10+s24+$0x0], $0xffff;
	[tilespmem:s0+$0xFFFFFFA0] =	vst v31;
	v8 =	vunpack.i.l.bf16.f32 v59;
	v24 =	vmul.f32 v21, v6  }
0x3f9: {  	v60 =	vadd.s32 $0x26C0, v19;
	v36 =	vld [tilespmem:s25+$0xFFFFFFC0];
	[tilespmem:s0+$0xFFFFFFB0] =	vst v1;
	v26 =	vmul.f32 v8, v6;
	v6 =	vunpack.i.u.bf16.f32 v32  }
0x3fa: {  	v1 =	vld.idx.msk [tilespmem:v7+s24+$0x0], $0xffff;
	v27 =	vunpack.i.l.bf16.f32 v15;
	v6 =	vmul.f32 v6, v34;
	[tilespmem:s10+$0x70] =	vst v24  }
0x3fb: {  	s6 =	sadd.s32 $0x100, s10;
	v50 =	vld [tilespmem:s12+$0xFFFFFFD0];
	v37 =	vunpack.i.u.bf16.f32 v15;
	v8 =	vmul.f32 v27, v5;
	[tilespmem:s10+$0x60] =	vst v26  }
0x3fc: {  	v39 =	vunpack.i.l.bf16.f32 v29;
	v38 =	vmul.f32 v37, v5;
	[tilespmem:s6+$0x10] =	vst v6  }
0x3fd: {  	v23 =	vld [tilespmem:s25+$0x20];
	v41 =	vunpack.i.u.bf16.f32 v29;
	v7 =	vmul.f32 v39, v2;
	[tilespmem:s10+$0xFFFFFFE0] =	vst v8  }
0x3fe: {  	v25 =	vld.idx.msk [tilespmem:v60+s24+$0x0], $0xffff;
	v42 =	vunpack.i.l.bf16.f32 v32;
	v43 =	vmul.f32 v41, v2;
	[tilespmem:s10+$0xFFFFFFF0] =	vst v38  }
0x3ff: {  	v46 =	vunpack.i.u.bf16.f32 v36;
	v5 =	vmul.f32 v42, v34;
	[tilespmem:s6+$0xFFFFFFC0] =	vst v7  }
0x400: {  	v40 =	vld [tilespmem:s12+$0x10];
	v48 =	vmul.f32 v46, v1;
	v59 =	vunpack.i.l.bf16.f32 v50;
	[tilespmem:s6+$0xFFFFFFD0] =	vst v43  }
0x401: {  	v45 =	vunpack.i.l.bf16.f32 v36;
	v61 =	vmul.f32 v59, v3;
	[tilespmem:s6+$0x0] =	vst v5  }
0x402: {  	v33 =	vunpack.i.l.bf16.f32 v23;
	v7 =	vmul.f32 v45, v1;
	[tilespmem:s6+$0xFFFFFF90] =	vst v48;
	v47 =	vld [tilespmem:s25+$0xFFFFFFF0]  }
0x403: {  	v35 =	vunpack.i.u.bf16.f32 v23;
	v10 =	vmul.f32 v33, v25;
	[tilespmem:s10+$0xFFFFFFA0] =	vst v61  }
0x404: {  	v60 =	vunpack.i.u.bf16.f32 v50;
	v9 =	vmul.f32 v35, v25;
	v55 =	vld [tilespmem:s25+$0x10];
	[tilespmem:s6+$0xFFFFFF80] =	vst v7  }
0x405: {  	v49 =	vunpack.i.l.bf16.f32 v40;
	v3 =	vmul.f32 v60, v3;
	[tilespmem:s6+$0x40] =	vst v10;
	v58 =	vld [tilespmem:s25+$0xFFFFFFD0]  }
0x406: {  	[tilespmem:s6+$0x50] =	vst v9;
	v9 =	vmul.f32 v49, v4;
	v10 =	vunpack.i.u.bf16.f32 v40  }
0x407: {  	[tilespmem:s10+$0xFFFFFFB0] =	vst v3;
	v44 =	vld [tilespmem:s25+$0x30];
	v53 =	vmul.f32 v10, v4;
	v56 =	vunpack.i.l.bf16.f32 v47  }
0x408: {  	[tilespmem:s10+$0x20] =	vst v9;
	v57 =	vunpack.i.u.bf16.f32 v47;
	v10 =	vmul.f32 v56, v2  }
0x409: {  	[tilespmem:s10+$0x30] =	vst v53;
	v62 =	vunpack.i.u.bf16.f32 v55;
	v2 =	vmul.f32 v57, v2  }
0x40a: {  	v5 =	vmul.f32 v62, v34;
	v3 =	vunpack.i.l.bf16.f32 v58;
	[tilespmem:s6+$0xFFFFFFE0] =	vst v10  }
0x40b: {  	v4 =	vunpack.i.u.bf16.f32 v58;
	[tilespmem:s6+$0xFFFFFFF0] =	vst v2;
	v3 =	vmul.f32 v3, v1  }
0x40c: {  	v51 =	vunpack.i.u.bf16.f32 v44;
	v1 =	vmul.f32 v4, v1;
	[tilespmem:s6+$0x30] =	vst v5  }
0x40d: {  	v54 =	vunpack.i.l.bf16.f32 v44;
	v52 =	vmul.f32 v51, v25;
	[tilespmem:s6+$0xFFFFFFA0] =	vst v3  }
0x40e: {  	v2 =	vunpack.i.l.bf16.f32 v55;
	v7 =	vmul.f32 v54, v25;
	[tilespmem:s6+$0xFFFFFFB0] =	vst v1  }
0x40f: {  	v2 =	vmul.f32 v2, v34;
	[tilespmem:s6+$0x70] =	vst v52  }
0x410: {  	[tilespmem:s6+$0x60] =	vst v7  }
0x411: {  	s7 =	simm.s32 $0x9BF0;
	[tilespmem:s6+$0x20] =	vst v2  }
0x412: {  	[spmem:s1] =	stream.indirect.scatter.add.f32 [tilespmem:s15], [sflag:$0x5], $0x40, s7, s5, $0xb8;
	v63 =	vld [tilespmem:$0x0]  }
0x413: {  	_ =	swait.ge [sflag:s30], $0x1400  }
0x414: {  	[sflag:s30] =	ssyncset.done $0x0  }
0x415: {  	[sflag:s30] =	ssyncadd.s32 $0xFFFFEC00  }
0x416: {  	_ =	swait.ge [sflag:s31], $0x1400  }
0x417: {  	[sflag:s31] =	ssyncset.done $0x0  }
0x418: {  	[sflag:s31] =	ssyncadd.s32 $0xFFFFEC00  }
0x419: {  	[bflag:$0x0] =	sbarrier.arrive $0xFFFF  }
0x41a: {  	s13 =	simm.s32 $0x8;
	s10 =	stileid.u32;
	s9 =	rddreg [dreg:$0xe]  }
0x41b: {  	s12 =	simm.s32 $0x10;
	s0 =	sshll.u32 s10, $0x6;
	s14 =	rddreg [dreg:$0x9]  }
0x41c: {  	[hbm4b:s9+s3] =	stream.linear.scatter [tilespmem:s2], [sflag:$0x1], $0x2710, $0x38;
	v63 =	vld [tilespmem:$0x0]  }
0x41d: {  	s6 =	sor.u32 $0x1C04, s0;
	s11 =	sshrl.u32 s14, $0x3;
	s9 =	rddreg [dreg:$0xf]  }
0x41e: {  	[hbm:s9@s12], [sflag:s6] =	dma.strided [spmem:s11@s13], $0x3E8, s26, $0x8   }
0x41f: {  	s18 =	sshrl.u32 s16, $0x3;
	s7 =	sor.u32 $0x1C05, s0;
	s19 =	rddreg [dreg:$0x10]  }
0x420: {  	[hbm:s19@s12], [sflag:s7] =	dma.strided [spmem:s18@s13], $0x3E8, s26, $0x8   }
0x421: {  	s18 =	rddreg [dreg:$0xb]  }
0x422: {  	s0 =	sor.u32 $0x1C06, s0;
	s10 =	rddreg [dreg:$0x11];
	s20 =	sshrl.u32 s18, $0x3  }
0x423: {  	[hbm:s10@s12], [sflag:s0] =	dma.strided [spmem:s20@s13], $0x3E8, s26, $0x8   }
0x424: {  	s19 =	rddreg [dreg:$0xc]  }
0x425: {  	s9 =	rddreg [dreg:$0x12];
	s25 =	sshrl.u32 s19, $0x3  }
0x426: {  	[hbm:s9@s12], [sflag:s6] =	dma.strided [spmem:s25@s13], $0x3E8, s26, $0x8   }
0x427: {  	s11 =	rddreg [dreg:$0xd]  }
0x428: {  	s6 =	rddreg [dreg:$0x13];
	s10 =	sshrl.u32 s11, $0x3  }
0x429: {  	[hbm:s6@s12], [sflag:s7] =	dma.strided [spmem:s10@s13], $0x3E8, s26, $0x8   }
0x42a: {  	_ =	swait.ge [sflag:s26], $0x2710  }
0x42b: {  	[sflag:s26] =	ssyncset.done $0x0  }
0x42c: {  	[sflag:s26] =	ssyncadd.s32 $0xFFFFD8F0  }
0x42d: {  	_ =	swait.ge [sflag:s30], $0x3E8  }
0x42e: {  	[sflag:s30] =	ssyncset.done $0x0  }
0x42f: {  	[sflag:s30] =	ssyncadd.s32 $0xFFFFFC18  }
0x430: {  	_ =	swait.ge [sflag:s31], $0x3E8  }
0x431: {  	[sflag:s31] =	ssyncset.done $0x0  }
0x432: {  	[sflag:s31] =	ssyncadd.s32 $0xFFFFFC18  }
0x433: {  	_ =	swait.ge [sflag:s17], $0x3E8  }
0x434: {  	[sflag:s17] =	ssyncset.done $0x0  }
0x435: {  	[sflag:s17] =	ssyncadd.s32 $0xFFFFFC18  }
0x436: {  	_ =	swait.ge [sflag:s30], $0x3E8  }
0x437: {  	[sflag:s30] =	ssyncset.done $0x0  }
0x438: {  	[sflag:s30] =	ssyncadd.s32 $0xFFFFFC18  }
0x439: {  	_ =	swait.ge [sflag:s31], $0x3E8  }
0x43a: {  	s20 =	rddreg [dreg:$0x15]  }
0x43b: {  	s25 =	rddreg [dreg:$0x14];
	s7 =	sadd.s32 $0x1, s20  }
0x43c: {  	p0 =	sne.s32 s7, s25  }
.Ltmp10:
0x43d: {  	_ = 	snop;
	(pc) =	sbr.rel @p0 .LBB2_1-.Ltmp10, $3  }
0x43e: {  	_ =	sdelay $0x1  }
0x43f: {  	[sflag:s31] =	ssyncset.done $0x0  }
0x440: {  	s6 =	simm.s32 $0x4E20;
	[sflag:s31] =	ssyncadd.s32 $0xFFFFFC18;
	s20 =	simm.s32 $0x7530  }
0x441: {  	_ =	sfence.sel $0x180000  }
0x442: {  	[bflag:$0x0] =	sbarrier.arrive $0xFFFF  }
0x443: {  	_ =	strace $0x90000047  }
0x444: {  	s0 =	stileid.u32;
	[bflag:$0x2] =	sbarrier.arrive $0xFFFF  }
0x445: {  	p0 =	sne.s32 s0, $0x0;
	s0 =	rddreg [dreg:$0x3]  }
0x446: {  	s0 =	sadd.s32 @!p0 $0x100000, s0  }
0x447: {  	[sflag:s0] =	ssyncadd.tile.s32 @!p0 $0x1;
	_ =	shalt  }
.Lfunc_end2:
_tile_overlayer_lowered:
.L_overlay_start_2:
0x448: {  	(tag) =	ssettag $0x2  }
0x449: {  	s0 =	rddreg [dreg:$0x0];
	s2 =	stileid.u32  }
0x44a: {  	s1 =	rddreg [dreg:$0x1];
	p0 =	sne.s32 s2, $0x0  }
0x44b: {  	s3 =	rddreg [dreg:$0x2];
	[bflag:$0x3] =	sbarrier.arrive $0xFFFF;
	s2 =	simm.s32 @!p0 $0x1C07  }
0x44c: {  	[timem:s3], [sflag:s2] =	dma.local @!p0 [hbm:s0], s1  }
0x44d: {  	s0 =	simm.s32 @!p0 $0x7  }
0x44e: {  	_ =	swait.ge @!p0 [sflag:s0], s1  }
0x44f: {  	s1 =	ssub.s32 @!p0 $0x0, s1;
	[sflag:s0] =	ssyncset.done @!p0 $0x0  }
0x450: {  	[sflag:s0] =	ssyncadd.s32 @!p0 s1  }
0x451: {  	[bflag:$0x3] =	sbarrier.arrive $0xFFFF  }
0x452: {  	_ =	shalt  }

</sc_bundles>
